<compile_context>
chip_gen: v7x
topology: tpu7x:2x2x1
jax: 0.10.2.dev20260603
libtpu: 0.0.44.dev20260713+nightly
codegen_flags: <defaults>
</compile_context>

<pallas_src>
import functools

import jax
import jax.numpy as jnp
from jax import lax
from jax.experimental import pallas as pl
from jax.experimental.pallas import tpu as pltpu
from jax.experimental.pallas import tpu_sc as plsc

NC = 2
NS = 16
NW = NC * NS
B = 128
GRP = 4

f32 = jnp.float32


def _mesh():
    return plsc.VectorSubcoreMesh(
        core_axis_name="c", subcore_axis_name="s", num_cores=NC, num_subcores=NS
    )


def _fetch_idx(ei_hbm, row, w, epw, buf, n):
    pltpu.sync_copy(ei_hbm.at[row, pl.ds(w * epw, epw)], buf.at[pl.ds(0, epw)])
    total = buf.shape[0]
    lanes = lax.iota(jnp.int32, 16)
    for i in range((total - epw) // 16):
        buf[pl.ds(epw + i * 16, 16)] = n + lanes + 16 * (i % 7)


def _deg_call(ei, zeros, ones, n, epw, n_pad, ch):
    rps = n_pad // NS

    @functools.partial(
        pl.kernel,
        out_type=jax.ShapeDtypeStruct((NC, n_pad, 16), f32),
        mesh=_mesh(),
        scratch_types=[
            pltpu.VMEM((ch * B,), jnp.int32),
            pltpu.VMEM((B, 16), f32),
            pltpu.VMEM_SHARED((n_pad, 16), f32),
            pltpu.SemaphoreType.DMA,
        ],
        compiler_params=pltpu.CompilerParams(use_tc_tiling_on_sc=False),
    )
    def k(ei_hbm, zeros_hbm, ones_hbm, out_hbm, dst_v, ones_v, acc_sh, dsem):
        c = lax.axis_index("c")
        s = lax.axis_index("s")
        w = c * NS + s
        pltpu.sync_copy(zeros_hbm.at[pl.ds(s * rps, rps)],
                        acc_sh.at[pl.ds(s * rps, rps)])
        pltpu.sync_copy(ones_hbm, ones_v)
        _fetch_idx(ei_hbm, 1, w, epw, dst_v, n)
        plsc.subcore_barrier()

        def body(j, carry):
            pltpu.async_copy(ones_v, acc_sh.at[dst_v.at[pl.ds(j * B, B)]],
                             dsem, add=True)
            return carry

        lax.fori_loop(0, ch, body, 0)

        def drain(j, carry):
            pltpu.make_async_copy(ones_v, acc_sh.at[dst_v.at[pl.ds(0, B)]],
                                  dsem).wait()
            return carry

        lax.fori_loop(0, ch, drain, 0)
        plsc.subcore_barrier()
        pltpu.sync_copy(acc_sh.at[pl.ds(s * rps, rps)],
                        out_hbm.at[c, pl.ds(s * rps, rps)])

    return k(ei, zeros, ones)


def _agg_call(ei, table, n, epw, n_pad, ch, w_feat):
    rps = n_pad // NS
    slots = 2 * GRP
    ngrp = ch // GRP

    @functools.partial(
        pl.kernel,
        out_type=jax.ShapeDtypeStruct((NC, n_pad, w_feat), f32),
        mesh=_mesh(),
        scratch_types=[
            pltpu.VMEM((ch * B,), jnp.int32),
            pltpu.VMEM((ch * B,), jnp.int32),
            pltpu.VMEM((slots, B, w_feat), f32),
            pltpu.VMEM_SHARED((n_pad, w_feat), f32),
            pltpu.VMEM_SHARED((n_pad, w_feat), f32),
            pltpu.SemaphoreType.DMA((slots,)),
            pltpu.SemaphoreType.DMA((slots,)),
        ],
        compiler_params=pltpu.CompilerParams(use_tc_tiling_on_sc=False),
    )
    def k(ei_hbm, table_hbm, out_hbm, src_v, dst_v, rows_v, acc_sh, tab_sh,
          gsem, ssem):
        c = lax.axis_index("c")
        s = lax.axis_index("s")
        w = c * NS + s
        _fetch_idx(ei_hbm, 0, w, epw, src_v, n)
        _fetch_idx(ei_hbm, 1, w, epw, dst_v, n)
        pltpu.sync_copy(table_hbm.at[pl.ds(s * rps, rps)],
                        tab_sh.at[pl.ds(s * rps, rps)])
        pltpu.sync_copy(table_hbm.at[pl.ds(s * rps, rps)],
                        acc_sh.at[pl.ds(s * rps, rps)])
        plsc.subcore_barrier()

        def gissue(j, slot):
            pltpu.async_copy(tab_sh.at[src_v.at[pl.ds(j * B, B)]],
                             rows_v.at[slot], gsem.at[slot])

        def gwait(slot):
            pltpu.make_async_copy(tab_sh.at[src_v.at[pl.ds(0, B)]],
                                  rows_v.at[slot], gsem.at[slot]).wait()

        def sissue(j, slot):
            pltpu.async_copy(rows_v.at[slot],
                             acc_sh.at[dst_v.at[pl.ds(j * B, B)]],
                             ssem.at[slot], add=True)

        def swait(slot):
            pltpu.make_async_copy(rows_v.at[slot],
                                  acc_sh.at[dst_v.at[pl.ds(0, B)]],
                                  ssem.at[slot]).wait()

        for b in range(GRP):
            gissue(b, b)

        def body(g, carry):
            h = g % 2
            base = h * GRP
            ob = (1 - h) * GRP
            for b in range(GRP):
                gwait(base + b)
            for b in range(GRP):
                sissue(g * GRP + b, base + b)

            @pl.when(g + 1 < ngrp)
            def _():
                for b in range(GRP):
                    @pl.when(g >= 1)
                    def _():
                        swait(ob + b)
                    gissue((g + 1) * GRP + b, ob + b)
            return carry

        lax.fori_loop(0, ngrp, body, 0)
        for b in range(slots):
            swait(b)
        plsc.subcore_barrier()
        pltpu.sync_copy(acc_sh.at[pl.ds(s * rps, rps)],
                        out_hbm.at[c, pl.ds(s * rps, rps)])

    return k(ei, table)


def _tc_b1_call(x, w1, b1, n, n_pad, hid):
    def body(x_ref, w_ref, b_ref, h1_ref):
        h1_ref[:n] = jnp.dot(x_ref[...], w_ref[...],
                             preferred_element_type=f32) + b_ref[...]
        h1_ref[n:] = jnp.zeros((n_pad - n, hid), f32)

    return pl.pallas_call(
        body,
        out_shape=jax.ShapeDtypeStruct((n_pad, hid), f32),
    )(x, w1, b1)


def _tc_b2_call(h1, degs, n_pad, hid, blk):
    blk = n_pad

    def body(h1_ref, deg_ref, t1_ref, norm_ref):
        deg = deg_ref[0] + deg_ref[1]
        norm = lax.rsqrt(deg[:, 0:1] + 1.0)
        norm16 = jnp.broadcast_to(norm, (blk, 16))
        t1_ref[...] = jnp.concatenate([h1_ref[...] * norm, norm16], axis=1)
        norm_ref[...] = norm16

    return pl.pallas_call(
        body,
        out_shape=(
            jax.ShapeDtypeStruct((n_pad, hid + 16), f32),
            jax.ShapeDtypeStruct((n_pad, 16), f32),
        ),
    )(h1, degs)


def _tc_c_call(acc1, t1aug, norm16, n_pad, hid, blk):
    blk = n_pad

    def body(acc_ref, t1_ref, norm_ref, t2_ref, s_ref):
        norm = norm_ref[:, 0:1]
        accsum = acc_ref[0] + acc_ref[1]
        agg1 = norm * (accsum[:, :hid] - t1_ref[:, :hid])
        g = jnp.where(agg1 > 0.0,
                      agg1, jnp.exp(jnp.minimum(agg1, 0.0)) - 1.0)
        t2_ref[...] = g * norm
        z = accsum[:, hid:hid + 1] - 2.0 * norm
        s_ref[...] = jnp.broadcast_to(norm * z + norm * norm, (blk, 16))

    return pl.pallas_call(
        body,
        out_shape=(
            jax.ShapeDtypeStruct((n_pad, hid), f32),
            jax.ShapeDtypeStruct((n_pad, 16), f32),
        ),
    )(acc1, t1aug, norm16)


def _tc_d_call(acc2, t2, norm16, s16, w2, b2, n, f_out, hid, blk):
    def body(acc_ref, t2_ref, norm_ref, s_ref, w_ref, b_ref, out_ref):
        norm = norm_ref[:, 0:1]
        ag = norm * (acc_ref[0] + acc_ref[1] - t2_ref[...])
        a = (jnp.dot(ag[:n], w_ref[...], preferred_element_type=f32)
             + s_ref[:n, 0:1] * b_ref[...])
        m = jnp.max(a, axis=1, keepdims=True)
        lse = jnp.log(jnp.sum(jnp.exp(a - m), axis=1, keepdims=True))
        out_ref[...] = a - m - lse

    return pl.pallas_call(
        body,
        out_shape=jax.ShapeDtypeStruct((n, f_out), f32),
    )(acc2, t2, norm16, s16, w2, b2)


def kernel(x, edge_index, W1, b1, W2, b2):
    n, f_in = x.shape
    hid = W1.shape[1]
    f_out = W2.shape[1]
    e = edge_index.shape[1]

    align = NS * 8
    n_pad = ((n + 1 + align - 1) // align) * align
    epw = e // NW
    ch = -(-epw // B)
    ch = max(2 * GRP, ((ch + GRP - 1) // GRP) * GRP)

    zeros = jnp.zeros((n_pad, 16), f32)
    ones = jnp.ones((B, 16), f32)

    h1 = _tc_b1_call(x, W1, b1.reshape(1, hid), n, n_pad, hid)
    degs = _deg_call(edge_index, zeros, ones, n, epw, n_pad, ch)
    t1aug, norm16 = _tc_b2_call(h1, degs, n_pad, hid, n_pad // 16)
    acc1 = _agg_call(edge_index, t1aug, n, epw, n_pad, ch, hid + 16)
    t2, s16 = _tc_c_call(acc1, t1aug, norm16, n_pad, hid, n_pad // 16)
    acc2 = _agg_call(edge_index, t2, n, epw, n_pad, ch, hid)
    return _tc_d_call(acc2, t2, norm16, s16, W2, b2.reshape(1, f_out),
                      n, f_out, hid, n // 10)

# --- scband reference (transcript-rebuilt; emitter-appended) ---
"""Pipeline reference for scband-two-layer-fsl-19095424598299 (READ-ONLY COPY).

The authoritative reference and input builder live on the scoring server;
editing this copy changes nothing except your own understanding.
"""

import jax, jax.numpy as jnp
import numpy as np

N = 10000
E = 320000
F_IN = 128
HID = 32
F_OUT = 64


def setup_inputs(seed: int = 0) -> dict:
    key = jax.random.key(seed)
    k1, k2, k3, k4, k5, k6 = jax.random.split(key, 6)
    x = jax.random.normal(k1, (N, F_IN), dtype=jnp.float32)
    edge_index = jax.random.randint(k2, (2, E), 0, N, dtype=jnp.int32)
    W1 = jax.random.normal(k3, (F_IN, HID), dtype=jnp.float32) * (1.0 / np.sqrt(F_IN))
    b1 = jnp.zeros((HID,), dtype=jnp.float32)
    W2 = jax.random.normal(k4, (HID, F_OUT), dtype=jnp.float32) * (1.0 / np.sqrt(HID))
    b2 = jnp.zeros((F_OUT,), dtype=jnp.float32)
    return {"x": x, "edge_index": edge_index, "W1": W1, "b1": b1, "W2": W2, "b2": b2}


def _fsl_layer(x, edge_index, W, b):
    # FeatureSwitchLayer modeled as GCN-style message passing with self-loops
    # (linear transform -> symmetric-normalized neighbor aggregation).
    # drop_rate dropout disabled (eval mode) for determinism.
    h = x @ W + b
    src = edge_index[0]
    dst = edge_index[1]
    n = x.shape[0]
    deg = jnp.zeros((n,), dtype=h.dtype).at[dst].add(1.0) + 1.0  # +1 for self loop
    norm = jax.lax.rsqrt(deg)
    coef = norm[src] * norm[dst]
    msg = h[src] * coef[:, None]
    agg = jnp.zeros_like(h).at[dst].add(msg)
    agg = agg + h * (norm * norm)[:, None]  # self-loop contribution
    return agg


def reference(x, edge_index, W1, b1, W2, b2):
    h = _fsl_layer(x, edge_index, W1, b1)
    h = jax.nn.elu(h)
    h = _fsl_layer(h, edge_index, W2, b2)
    return jax.nn.log_softmax(h, axis=1)

if __name__ == "__main__":
    import jax
    _d = setup_inputs()
    print(jax.jit(kernel)(*tuple(_d.values())))

</pallas_src>

<mosaic_0001>
#map = affine_map<(d0, d1) -> (0, 0)>
#map1 = affine_map<(d0, d1) -> (0, 0, 0)>
module attributes {stable_mosaic.version = 14 : i64} {
  func.func @k(%arg0: i32, %arg1: i32, %arg2: memref<2x320000xi32, #tpu.memory_space<hbm>>, %arg3: memref<10112x16xf32, #tpu.memory_space<hbm>>, %arg4: memref<128x16xf32, #tpu.memory_space<hbm>>, %arg5: memref<2x10112x16xf32, #tpu.memory_space<hbm>>, %arg6: memref<10240xi32, #tpu.memory_space<vmem>>, %arg7: memref<128x16xf32, #tpu.memory_space<vmem>>, %arg8: memref<10112x16xf32, #tpu.memory_space<vmem_shared>>, %arg9: memref<!tpu.dma_semaphore, #tpu.memory_space<semaphore_mem>>) attributes {dimension_semantics = [#tpu.dimension_semantics<core_parallel>, #tpu.dimension_semantics<subcore_parallel>], iteration_bounds = array<i64: 2, 16>, scalar_prefetch = 0 : i64, scratch_operands = 4 : i64, tpu.core_type = #tpu.core_type<sc_vector_subcore>, window_params = [{transform_indices = #map}, {transform_indices = #map}, {transform_indices = #map}, {transform_indices = #map1}]} {
    %mul3A = arith.constant 16 : i32
    %mul3A_0 = arith.muli %arg0, %mul3A : i32
    %add3A = arith.addi %mul3A_0, %arg1 : i32
    %mul3A_1 = arith.constant 632 : i32
    %mul3A_2 = arith.muli %arg1, %mul3A_1 : i32
    %mul3A_3 = arith.constant 632 : i32
    %mul3A_4 = arith.muli %arg1, %mul3A_3 : i32
    "tpu.region"() ({
      %run_scoped3A_172 = tpu.sem_alloc : memref<!tpu.dma_semaphore, #tpu.memory_space<semaphore_mem>>
      %dma_start3A = arith.constant 0 : i32
      %dma_start3A_173 = tpu.memref_slice %arg8[%mul3A_4, %dma_start3A] : memref<10112x16xf32, #tpu.memory_space<vmem_shared>> -> memref<632x16xf32, #tpu.memory_space<vmem_shared>>
      %dma_start3A_174 = arith.constant 0 : i32
      %dma_start3A_175 = tpu.memref_slice %arg3[%mul3A_2, %dma_start3A_174] : memref<10112x16xf32, #tpu.memory_space<hbm>> -> memref<632x16xf32, #tpu.memory_space<hbm>>
      tpu.enqueue_dma source(%dma_start3A_175 : memref<632x16xf32, #tpu.memory_space<hbm>>) target(%dma_start3A_173 : memref<632x16xf32, #tpu.memory_space<vmem_shared>>) target_semaphore(%run_scoped3A_172 : memref<!tpu.dma_semaphore, #tpu.memory_space<semaphore_mem>>)
      %dma_wait3A = arith.constant 0 : i32
      %dma_wait3A_176 = tpu.memref_slice %arg8[%mul3A_4, %dma_wait3A] : memref<10112x16xf32, #tpu.memory_space<vmem_shared>> -> memref<632x16xf32, #tpu.memory_space<vmem_shared>>
      %dma_wait3A_177 = arith.constant 0 : i32
      %dma_wait3A_178 = tpu.memref_slice %arg3[%mul3A_2, %dma_wait3A_177] : memref<10112x16xf32, #tpu.memory_space<hbm>> -> memref<632x16xf32, #tpu.memory_space<hbm>>
      tpu.wait_dma2 semaphore(%run_scoped3A_172 : memref<!tpu.dma_semaphore, #tpu.memory_space<semaphore_mem>>) src(%dma_wait3A_178 : memref<632x16xf32, #tpu.memory_space<hbm>>) dst(%dma_wait3A_176 : memref<632x16xf32, #tpu.memory_space<vmem_shared>>)
      tpu.yield
    }) : () -> ()
    "tpu.region"() ({
      %run_scoped3A_172 = tpu.sem_alloc : memref<!tpu.dma_semaphore, #tpu.memory_space<semaphore_mem>>
      tpu.enqueue_dma source(%arg4 : memref<128x16xf32, #tpu.memory_space<hbm>>) target(%arg7 : memref<128x16xf32, #tpu.memory_space<vmem>>) target_semaphore(%run_scoped3A_172 : memref<!tpu.dma_semaphore, #tpu.memory_space<semaphore_mem>>)
      tpu.wait_dma2 semaphore(%run_scoped3A_172 : memref<!tpu.dma_semaphore, #tpu.memory_space<semaphore_mem>>) src(%arg4 : memref<128x16xf32, #tpu.memory_space<hbm>>) dst(%arg7 : memref<128x16xf32, #tpu.memory_space<vmem>>)
      tpu.yield
    }) : () -> ()
    %mul3A_5 = arith.constant 10000 : i32
    %mul3A_6 = arith.muli %add3A, %mul3A_5 : i32
    %run_scoped3A = arith.constant 1 : i32
    "tpu.region"() ({
      %run_scoped3A_172 = tpu.sem_alloc : memref<!tpu.dma_semaphore, #tpu.memory_space<semaphore_mem>>
      %dma_start3A = arith.constant 0 : i32
      %dma_start3A_173 = tpu.memref_slice %arg6[%dma_start3A] : memref<10240xi32, #tpu.memory_space<vmem>> -> memref<10000xi32, #tpu.memory_space<vmem>>
      %dma_start3A_174 = tpu.memref_slice %arg2[%run_scoped3A, %mul3A_6] : memref<2x320000xi32, #tpu.memory_space<hbm>> -> memref<1x10000xi32, #tpu.memory_space<hbm>>
      %dma_start3A_175 = tpu.memref_squeeze %dma_start3A_174 : memref<1x10000xi32, #tpu.memory_space<hbm>> -> memref<10000xi32, #tpu.memory_space<hbm>>
      %dma_start3A_176 = arith.constant 0 : i32
      %dma_start3A_177 = tpu.memref_slice %arg6[%dma_start3A_176] : memref<10240xi32, #tpu.memory_space<vmem>> -> memref<10000xi32, #tpu.memory_space<vmem>>
      %dma_start3A_178 = tpu.memref_slice %arg2[%run_scoped3A, %mul3A_6] : memref<2x320000xi32, #tpu.memory_space<hbm>> -> memref<1x10000xi32, #tpu.memory_space<hbm>>
      %dma_start3A_179 = tpu.memref_squeeze %dma_start3A_178 : memref<1x10000xi32, #tpu.memory_space<hbm>> -> memref<10000xi32, #tpu.memory_space<hbm>>
      tpu.enqueue_dma source(%dma_start3A_179 : memref<10000xi32, #tpu.memory_space<hbm>>) target(%dma_start3A_177 : memref<10000xi32, #tpu.memory_space<vmem>>) target_semaphore(%run_scoped3A_172 : memref<!tpu.dma_semaphore, #tpu.memory_space<semaphore_mem>>)
      %dma_wait3A = arith.constant 0 : i32
      %dma_wait3A_180 = tpu.memref_slice %arg6[%dma_wait3A] : memref<10240xi32, #tpu.memory_space<vmem>> -> memref<10000xi32, #tpu.memory_space<vmem>>
      %dma_wait3A_181 = tpu.memref_slice %arg2[%run_scoped3A, %mul3A_6] : memref<2x320000xi32, #tpu.memory_space<hbm>> -> memref<1x10000xi32, #tpu.memory_space<hbm>>
      %dma_wait3A_182 = tpu.memref_squeeze %dma_wait3A_181 : memref<1x10000xi32, #tpu.memory_space<hbm>> -> memref<10000xi32, #tpu.memory_space<hbm>>
      %dma_wait3A_183 = arith.constant 0 : i32
      %dma_wait3A_184 = tpu.memref_slice %arg6[%dma_wait3A_183] : memref<10240xi32, #tpu.memory_space<vmem>> -> memref<10000xi32, #tpu.memory_space<vmem>>
      %dma_wait3A_185 = tpu.memref_slice %arg2[%run_scoped3A, %mul3A_6] : memref<2x320000xi32, #tpu.memory_space<hbm>> -> memref<1x10000xi32, #tpu.memory_space<hbm>>
      %dma_wait3A_186 = tpu.memref_squeeze %dma_wait3A_185 : memref<1x10000xi32, #tpu.memory_space<hbm>> -> memref<10000xi32, #tpu.memory_space<hbm>>
      tpu.wait_dma2 semaphore(%run_scoped3A_172 : memref<!tpu.dma_semaphore, #tpu.memory_space<semaphore_mem>>) src(%dma_wait3A_186 : memref<10000xi32, #tpu.memory_space<hbm>>) dst(%dma_wait3A_184 : memref<10000xi32, #tpu.memory_space<vmem>>)
      tpu.yield
    }) : () -> ()
    %iota3A = tpu.iota {dimensions = array<i32: 0>} : vector<16xi32>
    %add3A_7 = arith.constant 10000 : i32
    %add3A_8 = vector.broadcast %add3A_7 : i32 to vector<16xi32>
    %add3A_9 = arith.addi %add3A_8, %iota3A : vector<16xi32>
    %add3A_10 = arith.constant 0 : i32
    %add3A_11 = vector.broadcast %add3A_10 : i32 to vector<16xi32>
    %add3A_12 = arith.addi %add3A_9, %add3A_11 : vector<16xi32>
    %swap3A = arith.constant 10000 : index
    %swap3A_13 = tpu.vector_load %arg6[%swap3A] {strides = array<i32>} : memref<10240xi32, #tpu.memory_space<vmem>>, vector<16xi32>,
    %swap3A_14 = vector.shape_cast %swap3A_13 : vector<16xi32> to vector<16xi32>
    %swap3A_15 = vector.shape_cast %add3A_12 : vector<16xi32> to vector<16xi32>
    tpu.vector_store %arg6[%swap3A], %swap3A_15 {strides = array<i32>} : memref<10240xi32, #tpu.memory_space<vmem>>, vector<16xi32>,
    %add3A_16 = arith.constant 10000 : i32
    %add3A_17 = vector.broadcast %add3A_16 : i32 to vector<16xi32>
    %add3A_18 = arith.addi %add3A_17, %iota3A : vector<16xi32>
    %add3A_19 = arith.constant 16 : i32
    %add3A_20 = vector.broadcast %add3A_19 : i32 to vector<16xi32>
    %add3A_21 = arith.addi %add3A_18, %add3A_20 : vector<16xi32>
    %swap3A_22 = arith.constant 10016 : index
    %swap3A_23 = tpu.vector_load %arg6[%swap3A_22] {strides = array<i32>} : memref<10240xi32, #tpu.memory_space<vmem>>, vector<16xi32>,
    %swap3A_24 = vector.shape_cast %swap3A_23 : vector<16xi32> to vector<16xi32>
    %swap3A_25 = vector.shape_cast %add3A_21 : vector<16xi32> to vector<16xi32>
    tpu.vector_store %arg6[%swap3A_22], %swap3A_25 {strides = array<i32>} : memref<10240xi32, #tpu.memory_space<vmem>>, vector<16xi32>,
    %add3A_26 = arith.constant 10000 : i32
    %add3A_27 = vector.broadcast %add3A_26 : i32 to vector<16xi32>
    %add3A_28 = arith.addi %add3A_27, %iota3A : vector<16xi32>
    %add3A_29 = arith.constant 32 : i32
    %add3A_30 = vector.broadcast %add3A_29 : i32 to vector<16xi32>
    %add3A_31 = arith.addi %add3A_28, %add3A_30 : vector<16xi32>
    %swap3A_32 = arith.constant 10032 : index
    %swap3A_33 = tpu.vector_load %arg6[%swap3A_32] {strides = array<i32>} : memref<10240xi32, #tpu.memory_space<vmem>>, vector<16xi32>,
    %swap3A_34 = vector.shape_cast %swap3A_33 : vector<16xi32> to vector<16xi32>
    %swap3A_35 = vector.shape_cast %add3A_31 : vector<16xi32> to vector<16xi32>
    tpu.vector_store %arg6[%swap3A_32], %swap3A_35 {strides = array<i32>} : memref<10240xi32, #tpu.memory_space<vmem>>, vector<16xi32>,
    %add3A_36 = arith.constant 10000 : i32
    %add3A_37 = vector.broadcast %add3A_36 : i32 to vector<16xi32>
    %add3A_38 = arith.addi %add3A_37, %iota3A : vector<16xi32>
    %add3A_39 = arith.constant 48 : i32
    %add3A_40 = vector.broadcast %add3A_39 : i32 to vector<16xi32>
    %add3A_41 = arith.addi %add3A_38, %add3A_40 : vector<16xi32>
    %swap3A_42 = arith.constant 10048 : index
    %swap3A_43 = tpu.vector_load %arg6[%swap3A_42] {strides = array<i32>} : memref<10240xi32, #tpu.memory_space<vmem>>, vector<16xi32>,
    %swap3A_44 = vector.shape_cast %swap3A_43 : vector<16xi32> to vector<16xi32>
    %swap3A_45 = vector.shape_cast %add3A_41 : vector<16xi32> to vector<16xi32>
    tpu.vector_store %arg6[%swap3A_42], %swap3A_45 {strides = array<i32>} : memref<10240xi32, #tpu.memory_space<vmem>>, vector<16xi32>,
    %add3A_46 = arith.constant 10000 : i32
    %add3A_47 = vector.broadcast %add3A_46 : i32 to vector<16xi32>
    %add3A_48 = arith.addi %add3A_47, %iota3A : vector<16xi32>
    %add3A_49 = arith.constant 64 : i32
    %add3A_50 = vector.broadcast %add3A_49 : i32 to vector<16xi32>
    %add3A_51 = arith.addi %add3A_48, %add3A_50 : vector<16xi32>
    %swap3A_52 = arith.constant 10064 : index
    %swap3A_53 = tpu.vector_load %arg6[%swap3A_52] {strides = array<i32>} : memref<10240xi32, #tpu.memory_space<vmem>>, vector<16xi32>,
    %swap3A_54 = vector.shape_cast %swap3A_53 : vector<16xi32> to vector<16xi32>
    %swap3A_55 = vector.shape_cast %add3A_51 : vector<16xi32> to vector<16xi32>
    tpu.vector_store %arg6[%swap3A_52], %swap3A_55 {strides = array<i32>} : memref<10240xi32, #tpu.memory_space<vmem>>, vector<16xi32>,
    %add3A_56 = arith.constant 10000 : i32
    %add3A_57 = vector.broadcast %add3A_56 : i32 to vector<16xi32>
    %add3A_58 = arith.addi %add3A_57, %iota3A : vector<16xi32>
    %add3A_59 = arith.constant 80 : i32
    %add3A_60 = vector.broadcast %add3A_59 : i32 to vector<16xi32>
    %add3A_61 = arith.addi %add3A_58, %add3A_60 : vector<16xi32>
    %swap3A_62 = arith.constant 10080 : index
    %swap3A_63 = tpu.vector_load %arg6[%swap3A_62] {strides = array<i32>} : memref<10240xi32, #tpu.memory_space<vmem>>, vector<16xi32>,
    %swap3A_64 = vector.shape_cast %swap3A_63 : vector<16xi32> to vector<16xi32>
    %swap3A_65 = vector.shape_cast %add3A_61 : vector<16xi32> to vector<16xi32>
    tpu.vector_store %arg6[%swap3A_62], %swap3A_65 {strides = array<i32>} : memref<10240xi32, #tpu.memory_space<vmem>>, vector<16xi32>,
    %add3A_66 = arith.constant 10000 : i32
    %add3A_67 = vector.broadcast %add3A_66 : i32 to vector<16xi32>
    %add3A_68 = arith.addi %add3A_67, %iota3A : vector<16xi32>
    %add3A_69 = arith.constant 96 : i32
    %add3A_70 = vector.broadcast %add3A_69 : i32 to vector<16xi32>
    %add3A_71 = arith.addi %add3A_68, %add3A_70 : vector<16xi32>
    %swap3A_72 = arith.constant 10096 : index
    %swap3A_73 = tpu.vector_load %arg6[%swap3A_72] {strides = array<i32>} : memref<10240xi32, #tpu.memory_space<vmem>>, vector<16xi32>,
    %swap3A_74 = vector.shape_cast %swap3A_73 : vector<16xi32> to vector<16xi32>
    %swap3A_75 = vector.shape_cast %add3A_71 : vector<16xi32> to vector<16xi32>
    tpu.vector_store %arg6[%swap3A_72], %swap3A_75 {strides = array<i32>} : memref<10240xi32, #tpu.memory_space<vmem>>, vector<16xi32>,
    %add3A_76 = arith.constant 10000 : i32
    %add3A_77 = vector.broadcast %add3A_76 : i32 to vector<16xi32>
    %add3A_78 = arith.addi %add3A_77, %iota3A : vector<16xi32>
    %add3A_79 = arith.constant 0 : i32
    %add3A_80 = vector.broadcast %add3A_79 : i32 to vector<16xi32>
    %add3A_81 = arith.addi %add3A_78, %add3A_80 : vector<16xi32>
    %swap3A_82 = arith.constant 10112 : index
    %swap3A_83 = tpu.vector_load %arg6[%swap3A_82] {strides = array<i32>} : memref<10240xi32, #tpu.memory_space<vmem>>, vector<16xi32>,
    %swap3A_84 = vector.shape_cast %swap3A_83 : vector<16xi32> to vector<16xi32>
    %swap3A_85 = vector.shape_cast %add3A_81 : vector<16xi32> to vector<16xi32>
    tpu.vector_store %arg6[%swap3A_82], %swap3A_85 {strides = array<i32>} : memref<10240xi32, #tpu.memory_space<vmem>>, vector<16xi32>,
    %add3A_86 = arith.constant 10000 : i32
    %add3A_87 = vector.broadcast %add3A_86 : i32 to vector<16xi32>
    %add3A_88 = arith.addi %add3A_87, %iota3A : vector<16xi32>
    %add3A_89 = arith.constant 16 : i32
    %add3A_90 = vector.broadcast %add3A_89 : i32 to vector<16xi32>
    %add3A_91 = arith.addi %add3A_88, %add3A_90 : vector<16xi32>
    %swap3A_92 = arith.constant 10128 : index
    %swap3A_93 = tpu.vector_load %arg6[%swap3A_92] {strides = array<i32>} : memref<10240xi32, #tpu.memory_space<vmem>>, vector<16xi32>,
    %swap3A_94 = vector.shape_cast %swap3A_93 : vector<16xi32> to vector<16xi32>
    %swap3A_95 = vector.shape_cast %add3A_91 : vector<16xi32> to vector<16xi32>
    tpu.vector_store %arg6[%swap3A_92], %swap3A_95 {strides = array<i32>} : memref<10240xi32, #tpu.memory_space<vmem>>, vector<16xi32>,
    %add3A_96 = arith.constant 10000 : i32
    %add3A_97 = vector.broadcast %add3A_96 : i32 to vector<16xi32>
    %add3A_98 = arith.addi %add3A_97, %iota3A : vector<16xi32>
    %add3A_99 = arith.constant 32 : i32
    %add3A_100 = vector.broadcast %add3A_99 : i32 to vector<16xi32>
    %add3A_101 = arith.addi %add3A_98, %add3A_100 : vector<16xi32>
    %swap3A_102 = arith.constant 10144 : index
    %swap3A_103 = tpu.vector_load %arg6[%swap3A_102] {strides = array<i32>} : memref<10240xi32, #tpu.memory_space<vmem>>, vector<16xi32>,
    %swap3A_104 = vector.shape_cast %swap3A_103 : vector<16xi32> to vector<16xi32>
    %swap3A_105 = vector.shape_cast %add3A_101 : vector<16xi32> to vector<16xi32>
    tpu.vector_store %arg6[%swap3A_102], %swap3A_105 {strides = array<i32>} : memref<10240xi32, #tpu.memory_space<vmem>>, vector<16xi32>,
    %add3A_106 = arith.constant 10000 : i32
    %add3A_107 = vector.broadcast %add3A_106 : i32 to vector<16xi32>
    %add3A_108 = arith.addi %add3A_107, %iota3A : vector<16xi32>
    %add3A_109 = arith.constant 48 : i32
    %add3A_110 = vector.broadcast %add3A_109 : i32 to vector<16xi32>
    %add3A_111 = arith.addi %add3A_108, %add3A_110 : vector<16xi32>
    %swap3A_112 = arith.constant 10160 : index
    %swap3A_113 = tpu.vector_load %arg6[%swap3A_112] {strides = array<i32>} : memref<10240xi32, #tpu.memory_space<vmem>>, vector<16xi32>,
    %swap3A_114 = vector.shape_cast %swap3A_113 : vector<16xi32> to vector<16xi32>
    %swap3A_115 = vector.shape_cast %add3A_111 : vector<16xi32> to vector<16xi32>
    tpu.vector_store %arg6[%swap3A_112], %swap3A_115 {strides = array<i32>} : memref<10240xi32, #tpu.memory_space<vmem>>, vector<16xi32>,
    %add3A_116 = arith.constant 10000 : i32
    %add3A_117 = vector.broadcast %add3A_116 : i32 to vector<16xi32>
    %add3A_118 = arith.addi %add3A_117, %iota3A : vector<16xi32>
    %add3A_119 = arith.constant 64 : i32
    %add3A_120 = vector.broadcast %add3A_119 : i32 to vector<16xi32>
    %add3A_121 = arith.addi %add3A_118, %add3A_120 : vector<16xi32>
    %swap3A_122 = arith.constant 10176 : index
    %swap3A_123 = tpu.vector_load %arg6[%swap3A_122] {strides = array<i32>} : memref<10240xi32, #tpu.memory_space<vmem>>, vector<16xi32>,
    %swap3A_124 = vector.shape_cast %swap3A_123 : vector<16xi32> to vector<16xi32>
    %swap3A_125 = vector.shape_cast %add3A_121 : vector<16xi32> to vector<16xi32>
    tpu.vector_store %arg6[%swap3A_122], %swap3A_125 {strides = array<i32>} : memref<10240xi32, #tpu.memory_space<vmem>>, vector<16xi32>,
    %add3A_126 = arith.constant 10000 : i32
    %add3A_127 = vector.broadcast %add3A_126 : i32 to vector<16xi32>
    %add3A_128 = arith.addi %add3A_127, %iota3A : vector<16xi32>
    %add3A_129 = arith.constant 80 : i32
    %add3A_130 = vector.broadcast %add3A_129 : i32 to vector<16xi32>
    %add3A_131 = arith.addi %add3A_128, %add3A_130 : vector<16xi32>
    %swap3A_132 = arith.constant 10192 : index
    %swap3A_133 = tpu.vector_load %arg6[%swap3A_132] {strides = array<i32>} : memref<10240xi32, #tpu.memory_space<vmem>>, vector<16xi32>,
    %swap3A_134 = vector.shape_cast %swap3A_133 : vector<16xi32> to vector<16xi32>
    %swap3A_135 = vector.shape_cast %add3A_131 : vector<16xi32> to vector<16xi32>
    tpu.vector_store %arg6[%swap3A_132], %swap3A_135 {strides = array<i32>} : memref<10240xi32, #tpu.memory_space<vmem>>, vector<16xi32>,
    %add3A_136 = arith.constant 10000 : i32
    %add3A_137 = vector.broadcast %add3A_136 : i32 to vector<16xi32>
    %add3A_138 = arith.addi %add3A_137, %iota3A : vector<16xi32>
    %add3A_139 = arith.constant 96 : i32
    %add3A_140 = vector.broadcast %add3A_139 : i32 to vector<16xi32>
    %add3A_141 = arith.addi %add3A_138, %add3A_140 : vector<16xi32>
    %swap3A_142 = arith.constant 10208 : index
    %swap3A_143 = tpu.vector_load %arg6[%swap3A_142] {strides = array<i32>} : memref<10240xi32, #tpu.memory_space<vmem>>, vector<16xi32>,
    %swap3A_144 = vector.shape_cast %swap3A_143 : vector<16xi32> to vector<16xi32>
    %swap3A_145 = vector.shape_cast %add3A_141 : vector<16xi32> to vector<16xi32>
    tpu.vector_store %arg6[%swap3A_142], %swap3A_145 {strides = array<i32>} : memref<10240xi32, #tpu.memory_space<vmem>>, vector<16xi32>,
    %add3A_146 = arith.constant 10000 : i32
    %add3A_147 = vector.broadcast %add3A_146 : i32 to vector<16xi32>
    %add3A_148 = arith.addi %add3A_147, %iota3A : vector<16xi32>
    %add3A_149 = arith.constant 0 : i32
    %add3A_150 = vector.broadcast %add3A_149 : i32 to vector<16xi32>
    %add3A_151 = arith.addi %add3A_148, %add3A_150 : vector<16xi32>
    %swap3A_152 = arith.constant 10224 : index
    %swap3A_153 = tpu.vector_load %arg6[%swap3A_152] {strides = array<i32>} : memref<10240xi32, #tpu.memory_space<vmem>>, vector<16xi32>,
    %swap3A_154 = vector.shape_cast %swap3A_153 : vector<16xi32> to vector<16xi32>
    %swap3A_155 = vector.shape_cast %add3A_151 : vector<16xi32> to vector<16xi32>
    tpu.vector_store %arg6[%swap3A_152], %swap3A_155 {strides = array<i32>} : memref<10240xi32, #tpu.memory_space<vmem>>, vector<16xi32>,
    %barrier3A = arith.constant 0 : index
    tpu.barrier barrier_id(%barrier3A)
    %scan3A = arith.constant 0 : i32
    %scan3A_156 = arith.constant 0 : i32
    %scan3A_157 = arith.constant 80 : i32
    %scan3A_158 = arith.addi %scan3A_156, %scan3A_157 : i32
    %scan3A_159 = arith.constant 1 : i32
    scf.for %scan3A_172 = %scan3A_156 to %scan3A_158 step %scan3A_159  : i32 {
      %mul3A_173 = arith.constant 128 : i32
      %mul3A_174 = arith.muli %scan3A_172, %mul3A_173 : i32
      %dma_start3A = tpu.memref_slice %arg6[%mul3A_174] : memref<10240xi32, #tpu.memory_space<vmem>> -> memref<128xi32, #tpu.memory_space<vmem>>
      %dma_start3A_175 = arith.constant 0 : i32
      %dma_start3A_176 = arith.constant 0 : i32
      %dma_start3A_177 = tpu.memref_slice %arg8[%dma_start3A_175, %dma_start3A_176] : memref<10112x16xf32, #tpu.memory_space<vmem_shared>> -> memref<10112x16xf32, #tpu.memory_space<vmem_shared>>
      tpu.enqueue_indirect_dma source(%arg7 : memref<128x16xf32, #tpu.memory_space<vmem>>) target(%dma_start3A_177 : memref<10112x16xf32, #tpu.memory_space<vmem_shared>>) offsets(%dma_start3A : memref<128xi32, #tpu.memory_space<vmem>>) semaphore(%arg9 : memref<!tpu.dma_semaphore, #tpu.memory_space<semaphore_mem>>) {add = true}
    }
    %scan3A_160 = arith.constant 80 : i32
    %scan3A_161 = arith.constant 0 : i32
    %scan3A_162 = arith.constant 0 : i32
    %scan3A_163 = arith.constant 80 : i32
    %scan3A_164 = arith.addi %scan3A_162, %scan3A_163 : i32
    %scan3A_165 = arith.constant 1 : i32
    scf.for %scan3A_172 = %scan3A_162 to %scan3A_164 step %scan3A_165  : i32 {
      %dma_wait3A = arith.constant 0 : i32
      %dma_wait3A_173 = tpu.memref_slice %arg6[%dma_wait3A] : memref<10240xi32, #tpu.memory_space<vmem>> -> memref<128xi32, #tpu.memory_space<vmem>>
      %dma_wait3A_174 = arith.constant 0 : i32
      %dma_wait3A_175 = arith.constant 0 : i32
      %dma_wait3A_176 = tpu.memref_slice %arg8[%dma_wait3A_174, %dma_wait3A_175] : memref<10112x16xf32, #tpu.memory_space<vmem_shared>> -> memref<10112x16xf32, #tpu.memory_space<vmem_shared>>
      tpu.wait_indirect_dma semaphore(%arg9 : memref<!tpu.dma_semaphore, #tpu.memory_space<semaphore_mem>>) src(%arg7 : memref<128x16xf32, #tpu.memory_space<vmem>>) dst(%dma_wait3A_176 : memref<10112x16xf32, #tpu.memory_space<vmem_shared>>)
    }
    %scan3A_166 = arith.constant 80 : i32
    %barrier3A_167 = arith.constant 0 : index
    tpu.barrier barrier_id(%barrier3A_167)
    %mul3A_168 = arith.constant 632 : i32
    %mul3A_169 = arith.muli %arg1, %mul3A_168 : i32
    %mul3A_170 = arith.constant 632 : i32
    %mul3A_171 = arith.muli %arg1, %mul3A_170 : i32
    "tpu.region"() ({
      %run_scoped3A_172 = tpu.sem_alloc : memref<!tpu.dma_semaphore, #tpu.memory_space<semaphore_mem>>
      %dma_start3A = arith.constant 0 : i32
      %dma_start3A_173 = tpu.memref_slice %arg5[%arg0, %mul3A_171, %dma_start3A] : memref<2x10112x16xf32, #tpu.memory_space<hbm>> -> memref<1x632x16xf32, #tpu.memory_space<hbm>>
      %dma_start3A_174 = tpu.memref_squeeze %dma_start3A_173 : memref<1x632x16xf32, #tpu.memory_space<hbm>> -> memref<632x16xf32, #tpu.memory_space<hbm>>
      %dma_start3A_175 = arith.constant 0 : i32
      %dma_start3A_176 = tpu.memref_slice %arg8[%mul3A_169, %dma_start3A_175] : memref<10112x16xf32, #tpu.memory_space<vmem_shared>> -> memref<632x16xf32, #tpu.memory_space<vmem_shared>>
      tpu.enqueue_dma source(%dma_start3A_176 : memref<632x16xf32, #tpu.memory_space<vmem_shared>>) target(%dma_start3A_174 : memref<632x16xf32, #tpu.memory_space<hbm>>) target_semaphore(%run_scoped3A_172 : memref<!tpu.dma_semaphore, #tpu.memory_space<semaphore_mem>>)
      %dma_wait3A = arith.constant 0 : i32
      %dma_wait3A_177 = tpu.memref_slice %arg5[%arg0, %mul3A_171, %dma_wait3A] : memref<2x10112x16xf32, #tpu.memory_space<hbm>> -> memref<1x632x16xf32, #tpu.memory_space<hbm>>
      %dma_wait3A_178 = tpu.memref_squeeze %dma_wait3A_177 : memref<1x632x16xf32, #tpu.memory_space<hbm>> -> memref<632x16xf32, #tpu.memory_space<hbm>>
      %dma_wait3A_179 = arith.constant 0 : i32
      %dma_wait3A_180 = tpu.memref_slice %arg8[%mul3A_169, %dma_wait3A_179] : memref<10112x16xf32, #tpu.memory_space<vmem_shared>> -> memref<632x16xf32, #tpu.memory_space<vmem_shared>>
      tpu.wait_dma2 semaphore(%run_scoped3A_172 : memref<!tpu.dma_semaphore, #tpu.memory_space<semaphore_mem>>) src(%dma_wait3A_180 : memref<632x16xf32, #tpu.memory_space<vmem_shared>>) dst(%dma_wait3A_178 : memref<632x16xf32, #tpu.memory_space<hbm>>)
      tpu.yield
    }) : () -> ()
    return
  }
}

#map = affine_map<(d0, d1) -> (0, 0)>
#map1 = affine_map<(d0, d1) -> (0, 0, 0)>
module attributes {stable_mosaic.version = 14 : i64} {
  func.func @k(%arg0: i32, %arg1: i32, %arg2: memref<2x320000xi32, #tpu.memory_space<hbm>>, %arg3: memref<10112x48xf32, #tpu.memory_space<hbm>>, %arg4: memref<2x10112x48xf32, #tpu.memory_space<hbm>>, %arg5: memref<10240xi32, #tpu.memory_space<vmem>>, %arg6: memref<10240xi32, #tpu.memory_space<vmem>>, %arg7: memref<8x128x48xf32, #tpu.memory_space<vmem>>, %arg8: memref<10112x48xf32, #tpu.memory_space<vmem_shared>>, %arg9: memref<10112x48xf32, #tpu.memory_space<vmem_shared>>, %arg10: memref<8x!tpu.dma_semaphore, #tpu.memory_space<semaphore_mem>>, %arg11: memref<8x!tpu.dma_semaphore, #tpu.memory_space<semaphore_mem>>) attributes {dimension_semantics = [#tpu.dimension_semantics<core_parallel>, #tpu.dimension_semantics<subcore_parallel>], iteration_bounds = array<i64: 2, 16>, scalar_prefetch = 0 : i64, scratch_operands = 7 : i64, tpu.core_type = #tpu.core_type<sc_vector_subcore>, window_params = [{transform_indices = #map}, {transform_indices = #map}, {transform_indices = #map1}]} {
    %mul3A = arith.constant 16 : i32
    %mul3A_0 = arith.muli %arg0, %mul3A : i32
    %add3A = arith.addi %mul3A_0, %arg1 : i32
    %mul3A_1 = arith.constant 10000 : i32
    %mul3A_2 = arith.muli %add3A, %mul3A_1 : i32
    %run_scoped3A = arith.constant 0 : i32
    "tpu.region"() ({
      %run_scoped3A_478 = tpu.sem_alloc : memref<!tpu.dma_semaphore, #tpu.memory_space<semaphore_mem>>
      %dma_start3A_479 = arith.constant 0 : i32
      %dma_start3A_480 = tpu.memref_slice %arg5[%dma_start3A_479] : memref<10240xi32, #tpu.memory_space<vmem>> -> memref<10000xi32, #tpu.memory_space<vmem>>
      %dma_start3A_481 = tpu.memref_slice %arg2[%run_scoped3A, %mul3A_2] : memref<2x320000xi32, #tpu.memory_space<hbm>> -> memref<1x10000xi32, #tpu.memory_space<hbm>>
      %dma_start3A_482 = tpu.memref_squeeze %dma_start3A_481 : memref<1x10000xi32, #tpu.memory_space<hbm>> -> memref<10000xi32, #tpu.memory_space<hbm>>
      %dma_start3A_483 = arith.constant 0 : i32
      %dma_start3A_484 = tpu.memref_slice %arg5[%dma_start3A_483] : memref<10240xi32, #tpu.memory_space<vmem>> -> memref<10000xi32, #tpu.memory_space<vmem>>
      %dma_start3A_485 = tpu.memref_slice %arg2[%run_scoped3A, %mul3A_2] : memref<2x320000xi32, #tpu.memory_space<hbm>> -> memref<1x10000xi32, #tpu.memory_space<hbm>>
      %dma_start3A_486 = tpu.memref_squeeze %dma_start3A_485 : memref<1x10000xi32, #tpu.memory_space<hbm>> -> memref<10000xi32, #tpu.memory_space<hbm>>
      tpu.enqueue_dma source(%dma_start3A_486 : memref<10000xi32, #tpu.memory_space<hbm>>) target(%dma_start3A_484 : memref<10000xi32, #tpu.memory_space<vmem>>) target_semaphore(%run_scoped3A_478 : memref<!tpu.dma_semaphore, #tpu.memory_space<semaphore_mem>>)
      %dma_wait3A_487 = arith.constant 0 : i32
      %dma_wait3A_488 = tpu.memref_slice %arg5[%dma_wait3A_487] : memref<10240xi32, #tpu.memory_space<vmem>> -> memref<10000xi32, #tpu.memory_space<vmem>>
      %dma_wait3A_489 = tpu.memref_slice %arg2[%run_scoped3A, %mul3A_2] : memref<2x320000xi32, #tpu.memory_space<hbm>> -> memref<1x10000xi32, #tpu.memory_space<hbm>>
      %dma_wait3A_490 = tpu.memref_squeeze %dma_wait3A_489 : memref<1x10000xi32, #tpu.memory_space<hbm>> -> memref<10000xi32, #tpu.memory_space<hbm>>
      %dma_wait3A_491 = arith.constant 0 : i32
      %dma_wait3A_492 = tpu.memref_slice %arg5[%dma_wait3A_491] : memref<10240xi32, #tpu.memory_space<vmem>> -> memref<10000xi32, #tpu.memory_space<vmem>>
      %dma_wait3A_493 = tpu.memref_slice %arg2[%run_scoped3A, %mul3A_2] : memref<2x320000xi32, #tpu.memory_space<hbm>> -> memref<1x10000xi32, #tpu.memory_space<hbm>>
      %dma_wait3A_494 = tpu.memref_squeeze %dma_wait3A_493 : memref<1x10000xi32, #tpu.memory_space<hbm>> -> memref<10000xi32, #tpu.memory_space<hbm>>
      tpu.wait_dma2 semaphore(%run_scoped3A_478 : memref<!tpu.dma_semaphore, #tpu.memory_space<semaphore_mem>>) src(%dma_wait3A_494 : memref<10000xi32, #tpu.memory_space<hbm>>) dst(%dma_wait3A_492 : memref<10000xi32, #tpu.memory_space<vmem>>)
      tpu.yield
    }) : () -> ()
    %iota3A = tpu.iota {dimensions = array<i32: 0>} : vector<16xi32>
    %add3A_3 = arith.constant 10000 : i32
    %add3A_4 = vector.broadcast %add3A_3 : i32 to vector<16xi32>
    %add3A_5 = arith.addi %add3A_4, %iota3A : vector<16xi32>
    %add3A_6 = arith.constant 0 : i32
    %add3A_7 = vector.broadcast %add3A_6 : i32 to vector<16xi32>
    %add3A_8 = arith.addi %add3A_5, %add3A_7 : vector<16xi32>
    %swap3A = arith.constant 10000 : index
    %swap3A_9 = tpu.vector_load %arg5[%swap3A] {strides = array<i32>} : memref<10240xi32, #tpu.memory_space<vmem>>, vector<16xi32>,
    %swap3A_10 = vector.shape_cast %swap3A_9 : vector<16xi32> to vector<16xi32>
    %swap3A_11 = vector.shape_cast %add3A_8 : vector<16xi32> to vector<16xi32>
    tpu.vector_store %arg5[%swap3A], %swap3A_11 {strides = array<i32>} : memref<10240xi32, #tpu.memory_space<vmem>>, vector<16xi32>,
    %add3A_12 = arith.constant 10000 : i32
    %add3A_13 = vector.broadcast %add3A_12 : i32 to vector<16xi32>
    %add3A_14 = arith.addi %add3A_13, %iota3A : vector<16xi32>
    %add3A_15 = arith.constant 16 : i32
    %add3A_16 = vector.broadcast %add3A_15 : i32 to vector<16xi32>
    %add3A_17 = arith.addi %add3A_14, %add3A_16 : vector<16xi32>
    %swap3A_18 = arith.constant 10016 : index
    %swap3A_19 = tpu.vector_load %arg5[%swap3A_18] {strides = array<i32>} : memref<10240xi32, #tpu.memory_space<vmem>>, vector<16xi32>,
    %swap3A_20 = vector.shape_cast %swap3A_19 : vector<16xi32> to vector<16xi32>
    %swap3A_21 = vector.shape_cast %add3A_17 : vector<16xi32> to vector<16xi32>
    tpu.vector_store %arg5[%swap3A_18], %swap3A_21 {strides = array<i32>} : memref<10240xi32, #tpu.memory_space<vmem>>, vector<16xi32>,
    %add3A_22 = arith.constant 10000 : i32
    %add3A_23 = vector.broadcast %add3A_22 : i32 to vector<16xi32>
    %add3A_24 = arith.addi %add3A_23, %iota3A : vector<16xi32>
    %add3A_25 = arith.constant 32 : i32
    %add3A_26 = vector.broadcast %add3A_25 : i32 to vector<16xi32>
    %add3A_27 = arith.addi %add3A_24, %add3A_26 : vector<16xi32>
    %swap3A_28 = arith.constant 10032 : index
    %swap3A_29 = tpu.vector_load %arg5[%swap3A_28] {strides = array<i32>} : memref<10240xi32, #tpu.memory_space<vmem>>, vector<16xi32>,
    %swap3A_30 = vector.shape_cast %swap3A_29 : vector<16xi32> to vector<16xi32>
    %swap3A_31 = vector.shape_cast %add3A_27 : vector<16xi32> to vector<16xi32>
    tpu.vector_store %arg5[%swap3A_28], %swap3A_31 {strides = array<i32>} : memref<10240xi32, #tpu.memory_space<vmem>>, vector<16xi32>,
    %add3A_32 = arith.constant 10000 : i32
    %add3A_33 = vector.broadcast %add3A_32 : i32 to vector<16xi32>
    %add3A_34 = arith.addi %add3A_33, %iota3A : vector<16xi32>
    %add3A_35 = arith.constant 48 : i32
    %add3A_36 = vector.broadcast %add3A_35 : i32 to vector<16xi32>
    %add3A_37 = arith.addi %add3A_34, %add3A_36 : vector<16xi32>
    %swap3A_38 = arith.constant 10048 : index
    %swap3A_39 = tpu.vector_load %arg5[%swap3A_38] {strides = array<i32>} : memref<10240xi32, #tpu.memory_space<vmem>>, vector<16xi32>,
    %swap3A_40 = vector.shape_cast %swap3A_39 : vector<16xi32> to vector<16xi32>
    %swap3A_41 = vector.shape_cast %add3A_37 : vector<16xi32> to vector<16xi32>
    tpu.vector_store %arg5[%swap3A_38], %swap3A_41 {strides = array<i32>} : memref<10240xi32, #tpu.memory_space<vmem>>, vector<16xi32>,
    %add3A_42 = arith.constant 10000 : i32
    %add3A_43 = vector.broadcast %add3A_42 : i32 to vector<16xi32>
    %add3A_44 = arith.addi %add3A_43, %iota3A : vector<16xi32>
    %add3A_45 = arith.constant 64 : i32
    %add3A_46 = vector.broadcast %add3A_45 : i32 to vector<16xi32>
    %add3A_47 = arith.addi %add3A_44, %add3A_46 : vector<16xi32>
    %swap3A_48 = arith.constant 10064 : index
    %swap3A_49 = tpu.vector_load %arg5[%swap3A_48] {strides = array<i32>} : memref<10240xi32, #tpu.memory_space<vmem>>, vector<16xi32>,
    %swap3A_50 = vector.shape_cast %swap3A_49 : vector<16xi32> to vector<16xi32>
    %swap3A_51 = vector.shape_cast %add3A_47 : vector<16xi32> to vector<16xi32>
    tpu.vector_store %arg5[%swap3A_48], %swap3A_51 {strides = array<i32>} : memref<10240xi32, #tpu.memory_space<vmem>>, vector<16xi32>,
    %add3A_52 = arith.constant 10000 : i32
    %add3A_53 = vector.broadcast %add3A_52 : i32 to vector<16xi32>
    %add3A_54 = arith.addi %add3A_53, %iota3A : vector<16xi32>
    %add3A_55 = arith.constant 80 : i32
    %add3A_56 = vector.broadcast %add3A_55 : i32 to vector<16xi32>
    %add3A_57 = arith.addi %add3A_54, %add3A_56 : vector<16xi32>
    %swap3A_58 = arith.constant 10080 : index
    %swap3A_59 = tpu.vector_load %arg5[%swap3A_58] {strides = array<i32>} : memref<10240xi32, #tpu.memory_space<vmem>>, vector<16xi32>,
    %swap3A_60 = vector.shape_cast %swap3A_59 : vector<16xi32> to vector<16xi32>
    %swap3A_61 = vector.shape_cast %add3A_57 : vector<16xi32> to vector<16xi32>
    tpu.vector_store %arg5[%swap3A_58], %swap3A_61 {strides = array<i32>} : memref<10240xi32, #tpu.memory_space<vmem>>, vector<16xi32>,
    %add3A_62 = arith.constant 10000 : i32
    %add3A_63 = vector.broadcast %add3A_62 : i32 to vector<16xi32>
    %add3A_64 = arith.addi %add3A_63, %iota3A : vector<16xi32>
    %add3A_65 = arith.constant 96 : i32
    %add3A_66 = vector.broadcast %add3A_65 : i32 to vector<16xi32>
    %add3A_67 = arith.addi %add3A_64, %add3A_66 : vector<16xi32>
    %swap3A_68 = arith.constant 10096 : index
    %swap3A_69 = tpu.vector_load %arg5[%swap3A_68] {strides = array<i32>} : memref<10240xi32, #tpu.memory_space<vmem>>, vector<16xi32>,
    %swap3A_70 = vector.shape_cast %swap3A_69 : vector<16xi32> to vector<16xi32>
    %swap3A_71 = vector.shape_cast %add3A_67 : vector<16xi32> to vector<16xi32>
    tpu.vector_store %arg5[%swap3A_68], %swap3A_71 {strides = array<i32>} : memref<10240xi32, #tpu.memory_space<vmem>>, vector<16xi32>,
    %add3A_72 = arith.constant 10000 : i32
    %add3A_73 = vector.broadcast %add3A_72 : i32 to vector<16xi32>
    %add3A_74 = arith.addi %add3A_73, %iota3A : vector<16xi32>
    %add3A_75 = arith.constant 0 : i32
    %add3A_76 = vector.broadcast %add3A_75 : i32 to vector<16xi32>
    %add3A_77 = arith.addi %add3A_74, %add3A_76 : vector<16xi32>
    %swap3A_78 = arith.constant 10112 : index
    %swap3A_79 = tpu.vector_load %arg5[%swap3A_78] {strides = array<i32>} : memref<10240xi32, #tpu.memory_space<vmem>>, vector<16xi32>,
    %swap3A_80 = vector.shape_cast %swap3A_79 : vector<16xi32> to vector<16xi32>
    %swap3A_81 = vector.shape_cast %add3A_77 : vector<16xi32> to vector<16xi32>
    tpu.vector_store %arg5[%swap3A_78], %swap3A_81 {strides = array<i32>} : memref<10240xi32, #tpu.memory_space<vmem>>, vector<16xi32>,
    %add3A_82 = arith.constant 10000 : i32
    %add3A_83 = vector.broadcast %add3A_82 : i32 to vector<16xi32>
    %add3A_84 = arith.addi %add3A_83, %iota3A : vector<16xi32>
    %add3A_85 = arith.constant 16 : i32
    %add3A_86 = vector.broadcast %add3A_85 : i32 to vector<16xi32>
    %add3A_87 = arith.addi %add3A_84, %add3A_86 : vector<16xi32>
    %swap3A_88 = arith.constant 10128 : index
    %swap3A_89 = tpu.vector_load %arg5[%swap3A_88] {strides = array<i32>} : memref<10240xi32, #tpu.memory_space<vmem>>, vector<16xi32>,
    %swap3A_90 = vector.shape_cast %swap3A_89 : vector<16xi32> to vector<16xi32>
    %swap3A_91 = vector.shape_cast %add3A_87 : vector<16xi32> to vector<16xi32>
    tpu.vector_store %arg5[%swap3A_88], %swap3A_91 {strides = array<i32>} : memref<10240xi32, #tpu.memory_space<vmem>>, vector<16xi32>,
    %add3A_92 = arith.constant 10000 : i32
    %add3A_93 = vector.broadcast %add3A_92 : i32 to vector<16xi32>
    %add3A_94 = arith.addi %add3A_93, %iota3A : vector<16xi32>
    %add3A_95 = arith.constant 32 : i32
    %add3A_96 = vector.broadcast %add3A_95 : i32 to vector<16xi32>
    %add3A_97 = arith.addi %add3A_94, %add3A_96 : vector<16xi32>
    %swap3A_98 = arith.constant 10144 : index
    %swap3A_99 = tpu.vector_load %arg5[%swap3A_98] {strides = array<i32>} : memref<10240xi32, #tpu.memory_space<vmem>>, vector<16xi32>,
    %swap3A_100 = vector.shape_cast %swap3A_99 : vector<16xi32> to vector<16xi32>
    %swap3A_101 = vector.shape_cast %add3A_97 : vector<16xi32> to vector<16xi32>
    tpu.vector_store %arg5[%swap3A_98], %swap3A_101 {strides = array<i32>} : memref<10240xi32, #tpu.memory_space<vmem>>, vector<16xi32>,
    %add3A_102 = arith.constant 10000 : i32
    %add3A_103 = vector.broadcast %add3A_102 : i32 to vector<16xi32>
    %add3A_104 = arith.addi %add3A_103, %iota3A : vector<16xi32>
    %add3A_105 = arith.constant 48 : i32
    %add3A_106 = vector.broadcast %add3A_105 : i32 to vector<16xi32>
    %add3A_107 = arith.addi %add3A_104, %add3A_106 : vector<16xi32>
    %swap3A_108 = arith.constant 10160 : index
    %swap3A_109 = tpu.vector_load %arg5[%swap3A_108] {strides = array<i32>} : memref<10240xi32, #tpu.memory_space<vmem>>, vector<16xi32>,
    %swap3A_110 = vector.shape_cast %swap3A_109 : vector<16xi32> to vector<16xi32>
    %swap3A_111 = vector.shape_cast %add3A_107 : vector<16xi32> to vector<16xi32>
    tpu.vector_store %arg5[%swap3A_108], %swap3A_111 {strides = array<i32>} : memref<10240xi32, #tpu.memory_space<vmem>>, vector<16xi32>,
    %add3A_112 = arith.constant 10000 : i32
    %add3A_113 = vector.broadcast %add3A_112 : i32 to vector<16xi32>
    %add3A_114 = arith.addi %add3A_113, %iota3A : vector<16xi32>
    %add3A_115 = arith.constant 64 : i32
    %add3A_116 = vector.broadcast %add3A_115 : i32 to vector<16xi32>
    %add3A_117 = arith.addi %add3A_114, %add3A_116 : vector<16xi32>
    %swap3A_118 = arith.constant 10176 : index
    %swap3A_119 = tpu.vector_load %arg5[%swap3A_118] {strides = array<i32>} : memref<10240xi32, #tpu.memory_space<vmem>>, vector<16xi32>,
    %swap3A_120 = vector.shape_cast %swap3A_119 : vector<16xi32> to vector<16xi32>
    %swap3A_121 = vector.shape_cast %add3A_117 : vector<16xi32> to vector<16xi32>
    tpu.vector_store %arg5[%swap3A_118], %swap3A_121 {strides = array<i32>} : memref<10240xi32, #tpu.memory_space<vmem>>, vector<16xi32>,
    %add3A_122 = arith.constant 10000 : i32
    %add3A_123 = vector.broadcast %add3A_122 : i32 to vector<16xi32>
    %add3A_124 = arith.addi %add3A_123, %iota3A : vector<16xi32>
    %add3A_125 = arith.constant 80 : i32
    %add3A_126 = vector.broadcast %add3A_125 : i32 to vector<16xi32>
    %add3A_127 = arith.addi %add3A_124, %add3A_126 : vector<16xi32>
    %swap3A_128 = arith.constant 10192 : index
    %swap3A_129 = tpu.vector_load %arg5[%swap3A_128] {strides = array<i32>} : memref<10240xi32, #tpu.memory_space<vmem>>, vector<16xi32>,
    %swap3A_130 = vector.shape_cast %swap3A_129 : vector<16xi32> to vector<16xi32>
    %swap3A_131 = vector.shape_cast %add3A_127 : vector<16xi32> to vector<16xi32>
    tpu.vector_store %arg5[%swap3A_128], %swap3A_131 {strides = array<i32>} : memref<10240xi32, #tpu.memory_space<vmem>>, vector<16xi32>,
    %add3A_132 = arith.constant 10000 : i32
    %add3A_133 = vector.broadcast %add3A_132 : i32 to vector<16xi32>
    %add3A_134 = arith.addi %add3A_133, %iota3A : vector<16xi32>
    %add3A_135 = arith.constant 96 : i32
    %add3A_136 = vector.broadcast %add3A_135 : i32 to vector<16xi32>
    %add3A_137 = arith.addi %add3A_134, %add3A_136 : vector<16xi32>
    %swap3A_138 = arith.constant 10208 : index
    %swap3A_139 = tpu.vector_load %arg5[%swap3A_138] {strides = array<i32>} : memref<10240xi32, #tpu.memory_space<vmem>>, vector<16xi32>,
    %swap3A_140 = vector.shape_cast %swap3A_139 : vector<16xi32> to vector<16xi32>
    %swap3A_141 = vector.shape_cast %add3A_137 : vector<16xi32> to vector<16xi32>
    tpu.vector_store %arg5[%swap3A_138], %swap3A_141 {strides = array<i32>} : memref<10240xi32, #tpu.memory_space<vmem>>, vector<16xi32>,
    %add3A_142 = arith.constant 10000 : i32
    %add3A_143 = vector.broadcast %add3A_142 : i32 to vector<16xi32>
    %add3A_144 = arith.addi %add3A_143, %iota3A : vector<16xi32>
    %add3A_145 = arith.constant 0 : i32
    %add3A_146 = vector.broadcast %add3A_145 : i32 to vector<16xi32>
    %add3A_147 = arith.addi %add3A_144, %add3A_146 : vector<16xi32>
    %swap3A_148 = arith.constant 10224 : index
    %swap3A_149 = tpu.vector_load %arg5[%swap3A_148] {strides = array<i32>} : memref<10240xi32, #tpu.memory_space<vmem>>, vector<16xi32>,
    %swap3A_150 = vector.shape_cast %swap3A_149 : vector<16xi32> to vector<16xi32>
    %swap3A_151 = vector.shape_cast %add3A_147 : vector<16xi32> to vector<16xi32>
    tpu.vector_store %arg5[%swap3A_148], %swap3A_151 {strides = array<i32>} : memref<10240xi32, #tpu.memory_space<vmem>>, vector<16xi32>,
    %mul3A_152 = arith.constant 10000 : i32
    %mul3A_153 = arith.muli %add3A, %mul3A_152 : i32
    %run_scoped3A_154 = arith.constant 1 : i32
    "tpu.region"() ({
      %run_scoped3A_478 = tpu.sem_alloc : memref<!tpu.dma_semaphore, #tpu.memory_space<semaphore_mem>>
      %dma_start3A_479 = arith.constant 0 : i32
      %dma_start3A_480 = tpu.memref_slice %arg6[%dma_start3A_479] : memref<10240xi32, #tpu.memory_space<vmem>> -> memref<10000xi32, #tpu.memory_space<vmem>>
      %dma_start3A_481 = tpu.memref_slice %arg2[%run_scoped3A_154, %mul3A_153] : memref<2x320000xi32, #tpu.memory_space<hbm>> -> memref<1x10000xi32, #tpu.memory_space<hbm>>
      %dma_start3A_482 = tpu.memref_squeeze %dma_start3A_481 : memref<1x10000xi32, #tpu.memory_space<hbm>> -> memref<10000xi32, #tpu.memory_space<hbm>>
      %dma_start3A_483 = arith.constant 0 : i32
      %dma_start3A_484 = tpu.memref_slice %arg6[%dma_start3A_483] : memref<10240xi32, #tpu.memory_space<vmem>> -> memref<10000xi32, #tpu.memory_space<vmem>>
      %dma_start3A_485 = tpu.memref_slice %arg2[%run_scoped3A_154, %mul3A_153] : memref<2x320000xi32, #tpu.memory_space<hbm>> -> memref<1x10000xi32, #tpu.memory_space<hbm>>
      %dma_start3A_486 = tpu.memref_squeeze %dma_start3A_485 : memref<1x10000xi32, #tpu.memory_space<hbm>> -> memref<10000xi32, #tpu.memory_space<hbm>>
      tpu.enqueue_dma source(%dma_start3A_486 : memref<10000xi32, #tpu.memory_space<hbm>>) target(%dma_start3A_484 : memref<10000xi32, #tpu.memory_space<vmem>>) target_semaphore(%run_scoped3A_478 : memref<!tpu.dma_semaphore, #tpu.memory_space<semaphore_mem>>)
      %dma_wait3A_487 = arith.constant 0 : i32
      %dma_wait3A_488 = tpu.memref_slice %arg6[%dma_wait3A_487] : memref<10240xi32, #tpu.memory_space<vmem>> -> memref<10000xi32, #tpu.memory_space<vmem>>
      %dma_wait3A_489 = tpu.memref_slice %arg2[%run_scoped3A_154, %mul3A_153] : memref<2x320000xi32, #tpu.memory_space<hbm>> -> memref<1x10000xi32, #tpu.memory_space<hbm>>
      %dma_wait3A_490 = tpu.memref_squeeze %dma_wait3A_489 : memref<1x10000xi32, #tpu.memory_space<hbm>> -> memref<10000xi32, #tpu.memory_space<hbm>>
      %dma_wait3A_491 = arith.constant 0 : i32
      %dma_wait3A_492 = tpu.memref_slice %arg6[%dma_wait3A_491] : memref<10240xi32, #tpu.memory_space<vmem>> -> memref<10000xi32, #tpu.memory_space<vmem>>
      %dma_wait3A_493 = tpu.memref_slice %arg2[%run_scoped3A_154, %mul3A_153] : memref<2x320000xi32, #tpu.memory_space<hbm>> -> memref<1x10000xi32, #tpu.memory_space<hbm>>
      %dma_wait3A_494 = tpu.memref_squeeze %dma_wait3A_493 : memref<1x10000xi32, #tpu.memory_space<hbm>> -> memref<10000xi32, #tpu.memory_space<hbm>>
      tpu.wait_dma2 semaphore(%run_scoped3A_478 : memref<!tpu.dma_semaphore, #tpu.memory_space<semaphore_mem>>) src(%dma_wait3A_494 : memref<10000xi32, #tpu.memory_space<hbm>>) dst(%dma_wait3A_492 : memref<10000xi32, #tpu.memory_space<vmem>>)
      tpu.yield
    }) : () -> ()
    %iota3A_155 = tpu.iota {dimensions = array<i32: 0>} : vector<16xi32>
    %add3A_156 = arith.constant 10000 : i32
    %add3A_157 = vector.broadcast %add3A_156 : i32 to vector<16xi32>
    %add3A_158 = arith.addi %add3A_157, %iota3A_155 : vector<16xi32>
    %add3A_159 = arith.constant 0 : i32
    %add3A_160 = vector.broadcast %add3A_159 : i32 to vector<16xi32>
    %add3A_161 = arith.addi %add3A_158, %add3A_160 : vector<16xi32>
    %swap3A_162 = arith.constant 10000 : index
    %swap3A_163 = tpu.vector_load %arg6[%swap3A_162] {strides = array<i32>} : memref<10240xi32, #tpu.memory_space<vmem>>, vector<16xi32>,
    %swap3A_164 = vector.shape_cast %swap3A_163 : vector<16xi32> to vector<16xi32>
    %swap3A_165 = vector.shape_cast %add3A_161 : vector<16xi32> to vector<16xi32>
    tpu.vector_store %arg6[%swap3A_162], %swap3A_165 {strides = array<i32>} : memref<10240xi32, #tpu.memory_space<vmem>>, vector<16xi32>,
    %add3A_166 = arith.constant 10000 : i32
    %add3A_167 = vector.broadcast %add3A_166 : i32 to vector<16xi32>
    %add3A_168 = arith.addi %add3A_167, %iota3A_155 : vector<16xi32>
    %add3A_169 = arith.constant 16 : i32
    %add3A_170 = vector.broadcast %add3A_169 : i32 to vector<16xi32>
    %add3A_171 = arith.addi %add3A_168, %add3A_170 : vector<16xi32>
    %swap3A_172 = arith.constant 10016 : index
    %swap3A_173 = tpu.vector_load %arg6[%swap3A_172] {strides = array<i32>} : memref<10240xi32, #tpu.memory_space<vmem>>, vector<16xi32>,
    %swap3A_174 = vector.shape_cast %swap3A_173 : vector<16xi32> to vector<16xi32>
    %swap3A_175 = vector.shape_cast %add3A_171 : vector<16xi32> to vector<16xi32>
    tpu.vector_store %arg6[%swap3A_172], %swap3A_175 {strides = array<i32>} : memref<10240xi32, #tpu.memory_space<vmem>>, vector<16xi32>,
    %add3A_176 = arith.constant 10000 : i32
    %add3A_177 = vector.broadcast %add3A_176 : i32 to vector<16xi32>
    %add3A_178 = arith.addi %add3A_177, %iota3A_155 : vector<16xi32>
    %add3A_179 = arith.constant 32 : i32
    %add3A_180 = vector.broadcast %add3A_179 : i32 to vector<16xi32>
    %add3A_181 = arith.addi %add3A_178, %add3A_180 : vector<16xi32>
    %swap3A_182 = arith.constant 10032 : index
    %swap3A_183 = tpu.vector_load %arg6[%swap3A_182] {strides = array<i32>} : memref<10240xi32, #tpu.memory_space<vmem>>, vector<16xi32>,
    %swap3A_184 = vector.shape_cast %swap3A_183 : vector<16xi32> to vector<16xi32>
    %swap3A_185 = vector.shape_cast %add3A_181 : vector<16xi32> to vector<16xi32>
    tpu.vector_store %arg6[%swap3A_182], %swap3A_185 {strides = array<i32>} : memref<10240xi32, #tpu.memory_space<vmem>>, vector<16xi32>,
    %add3A_186 = arith.constant 10000 : i32
    %add3A_187 = vector.broadcast %add3A_186 : i32 to vector<16xi32>
    %add3A_188 = arith.addi %add3A_187, %iota3A_155 : vector<16xi32>
    %add3A_189 = arith.constant 48 : i32
    %add3A_190 = vector.broadcast %add3A_189 : i32 to vector<16xi32>
    %add3A_191 = arith.addi %add3A_188, %add3A_190 : vector<16xi32>
    %swap3A_192 = arith.constant 10048 : index
    %swap3A_193 = tpu.vector_load %arg6[%swap3A_192] {strides = array<i32>} : memref<10240xi32, #tpu.memory_space<vmem>>, vector<16xi32>,
    %swap3A_194 = vector.shape_cast %swap3A_193 : vector<16xi32> to vector<16xi32>
    %swap3A_195 = vector.shape_cast %add3A_191 : vector<16xi32> to vector<16xi32>
    tpu.vector_store %arg6[%swap3A_192], %swap3A_195 {strides = array<i32>} : memref<10240xi32, #tpu.memory_space<vmem>>, vector<16xi32>,
    %add3A_196 = arith.constant 10000 : i32
    %add3A_197 = vector.broadcast %add3A_196 : i32 to vector<16xi32>
    %add3A_198 = arith.addi %add3A_197, %iota3A_155 : vector<16xi32>
    %add3A_199 = arith.constant 64 : i32
    %add3A_200 = vector.broadcast %add3A_199 : i32 to vector<16xi32>
    %add3A_201 = arith.addi %add3A_198, %add3A_200 : vector<16xi32>
    %swap3A_202 = arith.constant 10064 : index
    %swap3A_203 = tpu.vector_load %arg6[%swap3A_202] {strides = array<i32>} : memref<10240xi32, #tpu.memory_space<vmem>>, vector<16xi32>,
    %swap3A_204 = vector.shape_cast %swap3A_203 : vector<16xi32> to vector<16xi32>
    %swap3A_205 = vector.shape_cast %add3A_201 : vector<16xi32> to vector<16xi32>
    tpu.vector_store %arg6[%swap3A_202], %swap3A_205 {strides = array<i32>} : memref<10240xi32, #tpu.memory_space<vmem>>, vector<16xi32>,
    %add3A_206 = arith.constant 10000 : i32
    %add3A_207 = vector.broadcast %add3A_206 : i32 to vector<16xi32>
    %add3A_208 = arith.addi %add3A_207, %iota3A_155 : vector<16xi32>
    %add3A_209 = arith.constant 80 : i32
    %add3A_210 = vector.broadcast %add3A_209 : i32 to vector<16xi32>
    %add3A_211 = arith.addi %add3A_208, %add3A_210 : vector<16xi32>
    %swap3A_212 = arith.constant 10080 : index
    %swap3A_213 = tpu.vector_load %arg6[%swap3A_212] {strides = array<i32>} : memref<10240xi32, #tpu.memory_space<vmem>>, vector<16xi32>,
    %swap3A_214 = vector.shape_cast %swap3A_213 : vector<16xi32> to vector<16xi32>
    %swap3A_215 = vector.shape_cast %add3A_211 : vector<16xi32> to vector<16xi32>
    tpu.vector_store %arg6[%swap3A_212], %swap3A_215 {strides = array<i32>} : memref<10240xi32, #tpu.memory_space<vmem>>, vector<16xi32>,
    %add3A_216 = arith.constant 10000 : i32
    %add3A_217 = vector.broadcast %add3A_216 : i32 to vector<16xi32>
    %add3A_218 = arith.addi %add3A_217, %iota3A_155 : vector<16xi32>
    %add3A_219 = arith.constant 96 : i32
    %add3A_220 = vector.broadcast %add3A_219 : i32 to vector<16xi32>
    %add3A_221 = arith.addi %add3A_218, %add3A_220 : vector<16xi32>
    %swap3A_222 = arith.constant 10096 : index
    %swap3A_223 = tpu.vector_load %arg6[%swap3A_222] {strides = array<i32>} : memref<10240xi32, #tpu.memory_space<vmem>>, vector<16xi32>,
    %swap3A_224 = vector.shape_cast %swap3A_223 : vector<16xi32> to vector<16xi32>
    %swap3A_225 = vector.shape_cast %add3A_221 : vector<16xi32> to vector<16xi32>
    tpu.vector_store %arg6[%swap3A_222], %swap3A_225 {strides = array<i32>} : memref<10240xi32, #tpu.memory_space<vmem>>, vector<16xi32>,
    %add3A_226 = arith.constant 10000 : i32
    %add3A_227 = vector.broadcast %add3A_226 : i32 to vector<16xi32>
    %add3A_228 = arith.addi %add3A_227, %iota3A_155 : vector<16xi32>
    %add3A_229 = arith.constant 0 : i32
    %add3A_230 = vector.broadcast %add3A_229 : i32 to vector<16xi32>
    %add3A_231 = arith.addi %add3A_228, %add3A_230 : vector<16xi32>
    %swap3A_232 = arith.constant 10112 : index
    %swap3A_233 = tpu.vector_load %arg6[%swap3A_232] {strides = array<i32>} : memref<10240xi32, #tpu.memory_space<vmem>>, vector<16xi32>,
    %swap3A_234 = vector.shape_cast %swap3A_233 : vector<16xi32> to vector<16xi32>
    %swap3A_235 = vector.shape_cast %add3A_231 : vector<16xi32> to vector<16xi32>
    tpu.vector_store %arg6[%swap3A_232], %swap3A_235 {strides = array<i32>} : memref<10240xi32, #tpu.memory_space<vmem>>, vector<16xi32>,
    %add3A_236 = arith.constant 10000 : i32
    %add3A_237 = vector.broadcast %add3A_236 : i32 to vector<16xi32>
    %add3A_238 = arith.addi %add3A_237, %iota3A_155 : vector<16xi32>
    %add3A_239 = arith.constant 16 : i32
    %add3A_240 = vector.broadcast %add3A_239 : i32 to vector<16xi32>
    %add3A_241 = arith.addi %add3A_238, %add3A_240 : vector<16xi32>
    %swap3A_242 = arith.constant 10128 : index
    %swap3A_243 = tpu.vector_load %arg6[%swap3A_242] {strides = array<i32>} : memref<10240xi32, #tpu.memory_space<vmem>>, vector<16xi32>,
    %swap3A_244 = vector.shape_cast %swap3A_243 : vector<16xi32> to vector<16xi32>
    %swap3A_245 = vector.shape_cast %add3A_241 : vector<16xi32> to vector<16xi32>
    tpu.vector_store %arg6[%swap3A_242], %swap3A_245 {strides = array<i32>} : memref<10240xi32, #tpu.memory_space<vmem>>, vector<16xi32>,
    %add3A_246 = arith.constant 10000 : i32
    %add3A_247 = vector.broadcast %add3A_246 : i32 to vector<16xi32>
    %add3A_248 = arith.addi %add3A_247, %iota3A_155 : vector<16xi32>
    %add3A_249 = arith.constant 32 : i32
    %add3A_250 = vector.broadcast %add3A_249 : i32 to vector<16xi32>
    %add3A_251 = arith.addi %add3A_248, %add3A_250 : vector<16xi32>
    %swap3A_252 = arith.constant 10144 : index
    %swap3A_253 = tpu.vector_load %arg6[%swap3A_252] {strides = array<i32>} : memref<10240xi32, #tpu.memory_space<vmem>>, vector<16xi32>,
    %swap3A_254 = vector.shape_cast %swap3A_253 : vector<16xi32> to vector<16xi32>
    %swap3A_255 = vector.shape_cast %add3A_251 : vector<16xi32> to vector<16xi32>
    tpu.vector_store %arg6[%swap3A_252], %swap3A_255 {strides = array<i32>} : memref<10240xi32, #tpu.memory_space<vmem>>, vector<16xi32>,
    %add3A_256 = arith.constant 10000 : i32
    %add3A_257 = vector.broadcast %add3A_256 : i32 to vector<16xi32>
    %add3A_258 = arith.addi %add3A_257, %iota3A_155 : vector<16xi32>
    %add3A_259 = arith.constant 48 : i32
    %add3A_260 = vector.broadcast %add3A_259 : i32 to vector<16xi32>
    %add3A_261 = arith.addi %add3A_258, %add3A_260 : vector<16xi32>
    %swap3A_262 = arith.constant 10160 : index
    %swap3A_263 = tpu.vector_load %arg6[%swap3A_262] {strides = array<i32>} : memref<10240xi32, #tpu.memory_space<vmem>>, vector<16xi32>,
    %swap3A_264 = vector.shape_cast %swap3A_263 : vector<16xi32> to vector<16xi32>
    %swap3A_265 = vector.shape_cast %add3A_261 : vector<16xi32> to vector<16xi32>
    tpu.vector_store %arg6[%swap3A_262], %swap3A_265 {strides = array<i32>} : memref<10240xi32, #tpu.memory_space<vmem>>, vector<16xi32>,
    %add3A_266 = arith.constant 10000 : i32
    %add3A_267 = vector.broadcast %add3A_266 : i32 to vector<16xi32>
    %add3A_268 = arith.addi %add3A_267, %iota3A_155 : vector<16xi32>
    %add3A_269 = arith.constant 64 : i32
    %add3A_270 = vector.broadcast %add3A_269 : i32 to vector<16xi32>
    %add3A_271 = arith.addi %add3A_268, %add3A_270 : vector<16xi32>
    %swap3A_272 = arith.constant 10176 : index
    %swap3A_273 = tpu.vector_load %arg6[%swap3A_272] {strides = array<i32>} : memref<10240xi32, #tpu.memory_space<vmem>>, vector<16xi32>,
    %swap3A_274 = vector.shape_cast %swap3A_273 : vector<16xi32> to vector<16xi32>
    %swap3A_275 = vector.shape_cast %add3A_271 : vector<16xi32> to vector<16xi32>
    tpu.vector_store %arg6[%swap3A_272], %swap3A_275 {strides = array<i32>} : memref<10240xi32, #tpu.memory_space<vmem>>, vector<16xi32>,
    %add3A_276 = arith.constant 10000 : i32
    %add3A_277 = vector.broadcast %add3A_276 : i32 to vector<16xi32>
    %add3A_278 = arith.addi %add3A_277, %iota3A_155 : vector<16xi32>
    %add3A_279 = arith.constant 80 : i32
    %add3A_280 = vector.broadcast %add3A_279 : i32 to vector<16xi32>
    %add3A_281 = arith.addi %add3A_278, %add3A_280 : vector<16xi32>
    %swap3A_282 = arith.constant 10192 : index
    %swap3A_283 = tpu.vector_load %arg6[%swap3A_282] {strides = array<i32>} : memref<10240xi32, #tpu.memory_space<vmem>>, vector<16xi32>,
    %swap3A_284 = vector.shape_cast %swap3A_283 : vector<16xi32> to vector<16xi32>
    %swap3A_285 = vector.shape_cast %add3A_281 : vector<16xi32> to vector<16xi32>
    tpu.vector_store %arg6[%swap3A_282], %swap3A_285 {strides = array<i32>} : memref<10240xi32, #tpu.memory_space<vmem>>, vector<16xi32>,
    %add3A_286 = arith.constant 10000 : i32
    %add3A_287 = vector.broadcast %add3A_286 : i32 to vector<16xi32>
    %add3A_288 = arith.addi %add3A_287, %iota3A_155 : vector<16xi32>
    %add3A_289 = arith.constant 96 : i32
    %add3A_290 = vector.broadcast %add3A_289 : i32 to vector<16xi32>
    %add3A_291 = arith.addi %add3A_288, %add3A_290 : vector<16xi32>
    %swap3A_292 = arith.constant 10208 : index
    %swap3A_293 = tpu.vector_load %arg6[%swap3A_292] {strides = array<i32>} : memref<10240xi32, #tpu.memory_space<vmem>>, vector<16xi32>,
    %swap3A_294 = vector.shape_cast %swap3A_293 : vector<16xi32> to vector<16xi32>
    %swap3A_295 = vector.shape_cast %add3A_291 : vector<16xi32> to vector<16xi32>
    tpu.vector_store %arg6[%swap3A_292], %swap3A_295 {strides = array<i32>} : memref<10240xi32, #tpu.memory_space<vmem>>, vector<16xi32>,
    %add3A_296 = arith.constant 10000 : i32
    %add3A_297 = vector.broadcast %add3A_296 : i32 to vector<16xi32>
    %add3A_298 = arith.addi %add3A_297, %iota3A_155 : vector<16xi32>
    %add3A_299 = arith.constant 0 : i32
    %add3A_300 = vector.broadcast %add3A_299 : i32 to vector<16xi32>
    %add3A_301 = arith.addi %add3A_298, %add3A_300 : vector<16xi32>
    %swap3A_302 = arith.constant 10224 : index
    %swap3A_303 = tpu.vector_load %arg6[%swap3A_302] {strides = array<i32>} : memref<10240xi32, #tpu.memory_space<vmem>>, vector<16xi32>,
    %swap3A_304 = vector.shape_cast %swap3A_303 : vector<16xi32> to vector<16xi32>
    %swap3A_305 = vector.shape_cast %add3A_301 : vector<16xi32> to vector<16xi32>
    tpu.vector_store %arg6[%swap3A_302], %swap3A_305 {strides = array<i32>} : memref<10240xi32, #tpu.memory_space<vmem>>, vector<16xi32>,
    %mul3A_306 = arith.constant 632 : i32
    %mul3A_307 = arith.muli %arg1, %mul3A_306 : i32
    %mul3A_308 = arith.constant 632 : i32
    %mul3A_309 = arith.muli %arg1, %mul3A_308 : i32
    "tpu.region"() ({
      %run_scoped3A_478 = tpu.sem_alloc : memref<!tpu.dma_semaphore, #tpu.memory_space<semaphore_mem>>
      %dma_start3A_479 = arith.constant 0 : i32
      %dma_start3A_480 = tpu.memref_slice %arg9[%mul3A_309, %dma_start3A_479] : memref<10112x48xf32, #tpu.memory_space<vmem_shared>> -> memref<632x48xf32, #tpu.memory_space<vmem_shared>>
      %dma_start3A_481 = arith.constant 0 : i32
      %dma_start3A_482 = tpu.memref_slice %arg3[%mul3A_307, %dma_start3A_481] : memref<10112x48xf32, #tpu.memory_space<hbm>> -> memref<632x48xf32, #tpu.memory_space<hbm>>
      tpu.enqueue_dma source(%dma_start3A_482 : memref<632x48xf32, #tpu.memory_space<hbm>>) target(%dma_start3A_480 : memref<632x48xf32, #tpu.memory_space<vmem_shared>>) target_semaphore(%run_scoped3A_478 : memref<!tpu.dma_semaphore, #tpu.memory_space<semaphore_mem>>)
      %dma_wait3A_483 = arith.constant 0 : i32
      %dma_wait3A_484 = tpu.memref_slice %arg9[%mul3A_309, %dma_wait3A_483] : memref<10112x48xf32, #tpu.memory_space<vmem_shared>> -> memref<632x48xf32, #tpu.memory_space<vmem_shared>>
      %dma_wait3A_485 = arith.constant 0 : i32
      %dma_wait3A_486 = tpu.memref_slice %arg3[%mul3A_307, %dma_wait3A_485] : memref<10112x48xf32, #tpu.memory_space<hbm>> -> memref<632x48xf32, #tpu.memory_space<hbm>>
      tpu.wait_dma2 semaphore(%run_scoped3A_478 : memref<!tpu.dma_semaphore, #tpu.memory_space<semaphore_mem>>) src(%dma_wait3A_486 : memref<632x48xf32, #tpu.memory_space<hbm>>) dst(%dma_wait3A_484 : memref<632x48xf32, #tpu.memory_space<vmem_shared>>)
      tpu.yield
    }) : () -> ()
    %mul3A_310 = arith.constant 632 : i32
    %mul3A_311 = arith.muli %arg1, %mul3A_310 : i32
    %mul3A_312 = arith.constant 632 : i32
    %mul3A_313 = arith.muli %arg1, %mul3A_312 : i32
    "tpu.region"() ({
      %run_scoped3A_478 = tpu.sem_alloc : memref<!tpu.dma_semaphore, #tpu.memory_space<semaphore_mem>>
      %dma_start3A_479 = arith.constant 0 : i32
      %dma_start3A_480 = tpu.memref_slice %arg8[%mul3A_313, %dma_start3A_479] : memref<10112x48xf32, #tpu.memory_space<vmem_shared>> -> memref<632x48xf32, #tpu.memory_space<vmem_shared>>
      %dma_start3A_481 = arith.constant 0 : i32
      %dma_start3A_482 = tpu.memref_slice %arg3[%mul3A_311, %dma_start3A_481] : memref<10112x48xf32, #tpu.memory_space<hbm>> -> memref<632x48xf32, #tpu.memory_space<hbm>>
      tpu.enqueue_dma source(%dma_start3A_482 : memref<632x48xf32, #tpu.memory_space<hbm>>) target(%dma_start3A_480 : memref<632x48xf32, #tpu.memory_space<vmem_shared>>) target_semaphore(%run_scoped3A_478 : memref<!tpu.dma_semaphore, #tpu.memory_space<semaphore_mem>>)
      %dma_wait3A_483 = arith.constant 0 : i32
      %dma_wait3A_484 = tpu.memref_slice %arg8[%mul3A_313, %dma_wait3A_483] : memref<10112x48xf32, #tpu.memory_space<vmem_shared>> -> memref<632x48xf32, #tpu.memory_space<vmem_shared>>
      %dma_wait3A_485 = arith.constant 0 : i32
      %dma_wait3A_486 = tpu.memref_slice %arg3[%mul3A_311, %dma_wait3A_485] : memref<10112x48xf32, #tpu.memory_space<hbm>> -> memref<632x48xf32, #tpu.memory_space<hbm>>
      tpu.wait_dma2 semaphore(%run_scoped3A_478 : memref<!tpu.dma_semaphore, #tpu.memory_space<semaphore_mem>>) src(%dma_wait3A_486 : memref<632x48xf32, #tpu.memory_space<hbm>>) dst(%dma_wait3A_484 : memref<632x48xf32, #tpu.memory_space<vmem_shared>>)
      tpu.yield
    }) : () -> ()
    %barrier3A = arith.constant 0 : index
    tpu.barrier barrier_id(%barrier3A)
    %dma_start3A = arith.constant 0 : i32
    %dma_start3A_314 = arith.constant 0 : i32
    %dma_start3A_315 = arith.constant 0 : i32
    %dma_start3A_316 = arith.constant 0 : i32
    %dma_start3A_317 = tpu.memref_slice %arg7[%dma_start3A, %dma_start3A_315, %dma_start3A_316] : memref<8x128x48xf32, #tpu.memory_space<vmem>> -> memref<1x128x48xf32, #tpu.memory_space<vmem>>
    %dma_start3A_318 = tpu.memref_squeeze %dma_start3A_317 : memref<1x128x48xf32, #tpu.memory_space<vmem>> -> memref<128x48xf32, #tpu.memory_space<vmem>>
    %dma_start3A_319 = arith.constant 0 : i32
    %dma_start3A_320 = tpu.memref_slice %arg5[%dma_start3A_319] : memref<10240xi32, #tpu.memory_space<vmem>> -> memref<128xi32, #tpu.memory_space<vmem>>
    %dma_start3A_321 = arith.constant 0 : i32
    %dma_start3A_322 = arith.constant 0 : i32
    %dma_start3A_323 = tpu.memref_slice %arg9[%dma_start3A_321, %dma_start3A_322] : memref<10112x48xf32, #tpu.memory_space<vmem_shared>> -> memref<10112x48xf32, #tpu.memory_space<vmem_shared>>
    %dma_start3A_324 = tpu.memref_slice %arg10[%dma_start3A_314] : memref<8x!tpu.dma_semaphore, #tpu.memory_space<semaphore_mem>> -> memref<1x!tpu.dma_semaphore, #tpu.memory_space<semaphore_mem>>
    %dma_start3A_325 = tpu.memref_squeeze %dma_start3A_324 : memref<1x!tpu.dma_semaphore, #tpu.memory_space<semaphore_mem>> -> memref<!tpu.dma_semaphore, #tpu.memory_space<semaphore_mem>>
    tpu.enqueue_indirect_dma source(%dma_start3A_323 : memref<10112x48xf32, #tpu.memory_space<vmem_shared>>) target(%dma_start3A_318 : memref<128x48xf32, #tpu.memory_space<vmem>>) offsets(%dma_start3A_320 : memref<128xi32, #tpu.memory_space<vmem>>) semaphore(%dma_start3A_325 : memref<!tpu.dma_semaphore, #tpu.memory_space<semaphore_mem>>)
    %dma_start3A_326 = arith.constant 1 : i32
    %dma_start3A_327 = arith.constant 1 : i32
    %dma_start3A_328 = arith.constant 0 : i32
    %dma_start3A_329 = arith.constant 0 : i32
    %dma_start3A_330 = tpu.memref_slice %arg7[%dma_start3A_326, %dma_start3A_328, %dma_start3A_329] : memref<8x128x48xf32, #tpu.memory_space<vmem>> -> memref<1x128x48xf32, #tpu.memory_space<vmem>>
    %dma_start3A_331 = tpu.memref_squeeze %dma_start3A_330 : memref<1x128x48xf32, #tpu.memory_space<vmem>> -> memref<128x48xf32, #tpu.memory_space<vmem>>
    %dma_start3A_332 = arith.constant 128 : i32
    %dma_start3A_333 = tpu.memref_slice %arg5[%dma_start3A_332] : memref<10240xi32, #tpu.memory_space<vmem>> -> memref<128xi32, #tpu.memory_space<vmem>>
    %dma_start3A_334 = arith.constant 0 : i32
    %dma_start3A_335 = arith.constant 0 : i32
    %dma_start3A_336 = tpu.memref_slice %arg9[%dma_start3A_334, %dma_start3A_335] : memref<10112x48xf32, #tpu.memory_space<vmem_shared>> -> memref<10112x48xf32, #tpu.memory_space<vmem_shared>>
    %dma_start3A_337 = tpu.memref_slice %arg10[%dma_start3A_327] : memref<8x!tpu.dma_semaphore, #tpu.memory_space<semaphore_mem>> -> memref<1x!tpu.dma_semaphore, #tpu.memory_space<semaphore_mem>>
    %dma_start3A_338 = tpu.memref_squeeze %dma_start3A_337 : memref<1x!tpu.dma_semaphore, #tpu.memory_space<semaphore_mem>> -> memref<!tpu.dma_semaphore, #tpu.memory_space<semaphore_mem>>
    tpu.enqueue_indirect_dma source(%dma_start3A_336 : memref<10112x48xf32, #tpu.memory_space<vmem_shared>>) target(%dma_start3A_331 : memref<128x48xf32, #tpu.memory_space<vmem>>) offsets(%dma_start3A_333 : memref<128xi32, #tpu.memory_space<vmem>>) semaphore(%dma_start3A_338 : memref<!tpu.dma_semaphore, #tpu.memory_space<semaphore_mem>>)
    %dma_start3A_339 = arith.constant 2 : i32
    %dma_start3A_340 = arith.constant 2 : i32
    %dma_start3A_341 = arith.constant 0 : i32
    %dma_start3A_342 = arith.constant 0 : i32
    %dma_start3A_343 = tpu.memref_slice %arg7[%dma_start3A_339, %dma_start3A_341, %dma_start3A_342] : memref<8x128x48xf32, #tpu.memory_space<vmem>> -> memref<1x128x48xf32, #tpu.memory_space<vmem>>
    %dma_start3A_344 = tpu.memref_squeeze %dma_start3A_343 : memref<1x128x48xf32, #tpu.memory_space<vmem>> -> memref<128x48xf32, #tpu.memory_space<vmem>>
    %dma_start3A_345 = arith.constant 256 : i32
    %dma_start3A_346 = tpu.memref_slice %arg5[%dma_start3A_345] : memref<10240xi32, #tpu.memory_space<vmem>> -> memref<128xi32, #tpu.memory_space<vmem>>
    %dma_start3A_347 = arith.constant 0 : i32
    %dma_start3A_348 = arith.constant 0 : i32
    %dma_start3A_349 = tpu.memref_slice %arg9[%dma_start3A_347, %dma_start3A_348] : memref<10112x48xf32, #tpu.memory_space<vmem_shared>> -> memref<10112x48xf32, #tpu.memory_space<vmem_shared>>
    %dma_start3A_350 = tpu.memref_slice %arg10[%dma_start3A_340] : memref<8x!tpu.dma_semaphore, #tpu.memory_space<semaphore_mem>> -> memref<1x!tpu.dma_semaphore, #tpu.memory_space<semaphore_mem>>
    %dma_start3A_351 = tpu.memref_squeeze %dma_start3A_350 : memref<1x!tpu.dma_semaphore, #tpu.memory_space<semaphore_mem>> -> memref<!tpu.dma_semaphore, #tpu.memory_space<semaphore_mem>>
    tpu.enqueue_indirect_dma source(%dma_start3A_349 : memref<10112x48xf32, #tpu.memory_space<vmem_shared>>) target(%dma_start3A_344 : memref<128x48xf32, #tpu.memory_space<vmem>>) offsets(%dma_start3A_346 : memref<128xi32, #tpu.memory_space<vmem>>) semaphore(%dma_start3A_351 : memref<!tpu.dma_semaphore, #tpu.memory_space<semaphore_mem>>)
    %dma_start3A_352 = arith.constant 3 : i32
    %dma_start3A_353 = arith.constant 3 : i32
    %dma_start3A_354 = arith.constant 0 : i32
    %dma_start3A_355 = arith.constant 0 : i32
    %dma_start3A_356 = tpu.memref_slice %arg7[%dma_start3A_352, %dma_start3A_354, %dma_start3A_355] : memref<8x128x48xf32, #tpu.memory_space<vmem>> -> memref<1x128x48xf32, #tpu.memory_space<vmem>>
    %dma_start3A_357 = tpu.memref_squeeze %dma_start3A_356 : memref<1x128x48xf32, #tpu.memory_space<vmem>> -> memref<128x48xf32, #tpu.memory_space<vmem>>
    %dma_start3A_358 = arith.constant 384 : i32
    %dma_start3A_359 = tpu.memref_slice %arg5[%dma_start3A_358] : memref<10240xi32, #tpu.memory_space<vmem>> -> memref<128xi32, #tpu.memory_space<vmem>>
    %dma_start3A_360 = arith.constant 0 : i32
    %dma_start3A_361 = arith.constant 0 : i32
    %dma_start3A_362 = tpu.memref_slice %arg9[%dma_start3A_360, %dma_start3A_361] : memref<10112x48xf32, #tpu.memory_space<vmem_shared>> -> memref<10112x48xf32, #tpu.memory_space<vmem_shared>>
    %dma_start3A_363 = tpu.memref_slice %arg10[%dma_start3A_353] : memref<8x!tpu.dma_semaphore, #tpu.memory_space<semaphore_mem>> -> memref<1x!tpu.dma_semaphore, #tpu.memory_space<semaphore_mem>>
    %dma_start3A_364 = tpu.memref_squeeze %dma_start3A_363 : memref<1x!tpu.dma_semaphore, #tpu.memory_space<semaphore_mem>> -> memref<!tpu.dma_semaphore, #tpu.memory_space<semaphore_mem>>
    tpu.enqueue_indirect_dma source(%dma_start3A_362 : memref<10112x48xf32, #tpu.memory_space<vmem_shared>>) target(%dma_start3A_357 : memref<128x48xf32, #tpu.memory_space<vmem>>) offsets(%dma_start3A_359 : memref<128xi32, #tpu.memory_space<vmem>>) semaphore(%dma_start3A_364 : memref<!tpu.dma_semaphore, #tpu.memory_space<semaphore_mem>>)
    %scan3A = arith.constant 0 : i32
    %scan3A_365 = arith.constant 0 : i32
    %scan3A_366 = arith.constant 20 : i32
    %scan3A_367 = arith.addi %scan3A_365, %scan3A_366 : i32
    %scan3A_368 = arith.constant 1 : i32
    scf.for %scan3A_478 = %scan3A_365 to %scan3A_367 step %scan3A_368  : i32 {
      %jit3A = arith.constant 2 : i32
      %eq3A = arith.constant 0 : i32
      %eq3A_479 = arith.cmpi eq, %jit3A, %eq3A : i32
      %jit3A_480 = arith.constant 1 : i32
      %select_n3A = arith.select %eq3A_479, %jit3A_480, %jit3A : i32
      %rem3A = arith.remsi %scan3A_478, %select_n3A : i32
      %ne3A = arith.constant 0 : i32
      %ne3A_481 = arith.cmpi ne, %rem3A, %ne3A : i32
      %lt3A = arith.constant 0 : i32
      %lt3A_482 = arith.cmpi slt, %rem3A, %lt3A : i32
      %lt3A_483 = arith.constant 0 : i32
      %lt3A_484 = arith.cmpi slt, %select_n3A, %lt3A_483 : i32
      %ne3A_485 = arith.xori %lt3A_482, %lt3A_484 : i1
      %and3A = arith.andi %ne3A_485, %ne3A_481 : i1
      %add3A_486 = arith.addi %rem3A, %select_n3A : i32
      %select_n3A_487 = arith.select %and3A, %add3A_486, %rem3A : i32
      %mul3A_488 = arith.constant 4 : i32
      %mul3A_489 = arith.muli %select_n3A_487, %mul3A_488 : i32
      %sub3A = arith.constant 1 : i32
      %sub3A_490 = arith.subi %sub3A, %select_n3A_487 : i32
      %mul3A_491 = arith.constant 4 : i32
      %mul3A_492 = arith.muli %sub3A_490, %mul3A_491 : i32
      %add3A_493 = arith.constant 0 : i32
      %add3A_494 = arith.addi %mul3A_489, %add3A_493 : i32
      %dma_wait3A_495 = arith.constant 0 : i32
      %dma_wait3A_496 = arith.constant 0 : i32
      %dma_wait3A_497 = tpu.memref_slice %arg7[%add3A_494, %dma_wait3A_495, %dma_wait3A_496] : memref<8x128x48xf32, #tpu.memory_space<vmem>> -> memref<1x128x48xf32, #tpu.memory_space<vmem>>
      %dma_wait3A_498 = tpu.memref_squeeze %dma_wait3A_497 : memref<1x128x48xf32, #tpu.memory_space<vmem>> -> memref<128x48xf32, #tpu.memory_space<vmem>>
      %dma_wait3A_499 = arith.constant 0 : i32
      %dma_wait3A_500 = tpu.memref_slice %arg5[%dma_wait3A_499] : memref<10240xi32, #tpu.memory_space<vmem>> -> memref<128xi32, #tpu.memory_space<vmem>>
      %dma_wait3A_501 = arith.constant 0 : i32
      %dma_wait3A_502 = arith.constant 0 : i32
      %dma_wait3A_503 = tpu.memref_slice %arg9[%dma_wait3A_501, %dma_wait3A_502] : memref<10112x48xf32, #tpu.memory_space<vmem_shared>> -> memref<10112x48xf32, #tpu.memory_space<vmem_shared>>
      %dma_wait3A_504 = tpu.memref_slice %arg10[%add3A_494] : memref<8x!tpu.dma_semaphore, #tpu.memory_space<semaphore_mem>> -> memref<1x!tpu.dma_semaphore, #tpu.memory_space<semaphore_mem>>
      %dma_wait3A_505 = tpu.memref_squeeze %dma_wait3A_504 : memref<1x!tpu.dma_semaphore, #tpu.memory_space<semaphore_mem>> -> memref<!tpu.dma_semaphore, #tpu.memory_space<semaphore_mem>>
      tpu.wait_indirect_dma semaphore(%dma_wait3A_505 : memref<!tpu.dma_semaphore, #tpu.memory_space<semaphore_mem>>) src(%dma_wait3A_503 : memref<10112x48xf32, #tpu.memory_space<vmem_shared>>) dst(%dma_wait3A_498 : memref<128x48xf32, #tpu.memory_space<vmem>>)
      %add3A_506 = arith.constant 1 : i32
      %add3A_507 = arith.addi %mul3A_489, %add3A_506 : i32
      %dma_wait3A_508 = arith.constant 0 : i32
      %dma_wait3A_509 = arith.constant 0 : i32
      %dma_wait3A_510 = tpu.memref_slice %arg7[%add3A_507, %dma_wait3A_508, %dma_wait3A_509] : memref<8x128x48xf32, #tpu.memory_space<vmem>> -> memref<1x128x48xf32, #tpu.memory_space<vmem>>
      %dma_wait3A_511 = tpu.memref_squeeze %dma_wait3A_510 : memref<1x128x48xf32, #tpu.memory_space<vmem>> -> memref<128x48xf32, #tpu.memory_space<vmem>>
      %dma_wait3A_512 = arith.constant 0 : i32
      %dma_wait3A_513 = tpu.memref_slice %arg5[%dma_wait3A_512] : memref<10240xi32, #tpu.memory_space<vmem>> -> memref<128xi32, #tpu.memory_space<vmem>>
      %dma_wait3A_514 = arith.constant 0 : i32
      %dma_wait3A_515 = arith.constant 0 : i32
      %dma_wait3A_516 = tpu.memref_slice %arg9[%dma_wait3A_514, %dma_wait3A_515] : memref<10112x48xf32, #tpu.memory_space<vmem_shared>> -> memref<10112x48xf32, #tpu.memory_space<vmem_shared>>
      %dma_wait3A_517 = tpu.memref_slice %arg10[%add3A_507] : memref<8x!tpu.dma_semaphore, #tpu.memory_space<semaphore_mem>> -> memref<1x!tpu.dma_semaphore, #tpu.memory_space<semaphore_mem>>
      %dma_wait3A_518 = tpu.memref_squeeze %dma_wait3A_517 : memref<1x!tpu.dma_semaphore, #tpu.memory_space<semaphore_mem>> -> memref<!tpu.dma_semaphore, #tpu.memory_space<semaphore_mem>>
      tpu.wait_indirect_dma semaphore(%dma_wait3A_518 : memref<!tpu.dma_semaphore, #tpu.memory_space<semaphore_mem>>) src(%dma_wait3A_516 : memref<10112x48xf32, #tpu.memory_space<vmem_shared>>) dst(%dma_wait3A_511 : memref<128x48xf32, #tpu.memory_space<vmem>>)
      %add3A_519 = arith.constant 2 : i32
      %add3A_520 = arith.addi %mul3A_489, %add3A_519 : i32
      %dma_wait3A_521 = arith.constant 0 : i32
      %dma_wait3A_522 = arith.constant 0 : i32
      %dma_wait3A_523 = tpu.memref_slice %arg7[%add3A_520, %dma_wait3A_521, %dma_wait3A_522] : memref<8x128x48xf32, #tpu.memory_space<vmem>> -> memref<1x128x48xf32, #tpu.memory_space<vmem>>
      %dma_wait3A_524 = tpu.memref_squeeze %dma_wait3A_523 : memref<1x128x48xf32, #tpu.memory_space<vmem>> -> memref<128x48xf32, #tpu.memory_space<vmem>>
      %dma_wait3A_525 = arith.constant 0 : i32
      %dma_wait3A_526 = tpu.memref_slice %arg5[%dma_wait3A_525] : memref<10240xi32, #tpu.memory_space<vmem>> -> memref<128xi32, #tpu.memory_space<vmem>>
      %dma_wait3A_527 = arith.constant 0 : i32
      %dma_wait3A_528 = arith.constant 0 : i32
      %dma_wait3A_529 = tpu.memref_slice %arg9[%dma_wait3A_527, %dma_wait3A_528] : memref<10112x48xf32, #tpu.memory_space<vmem_shared>> -> memref<10112x48xf32, #tpu.memory_space<vmem_shared>>
      %dma_wait3A_530 = tpu.memref_slice %arg10[%add3A_520] : memref<8x!tpu.dma_semaphore, #tpu.memory_space<semaphore_mem>> -> memref<1x!tpu.dma_semaphore, #tpu.memory_space<semaphore_mem>>
      %dma_wait3A_531 = tpu.memref_squeeze %dma_wait3A_530 : memref<1x!tpu.dma_semaphore, #tpu.memory_space<semaphore_mem>> -> memref<!tpu.dma_semaphore, #tpu.memory_space<semaphore_mem>>
      tpu.wait_indirect_dma semaphore(%dma_wait3A_531 : memref<!tpu.dma_semaphore, #tpu.memory_space<semaphore_mem>>) src(%dma_wait3A_529 : memref<10112x48xf32, #tpu.memory_space<vmem_shared>>) dst(%dma_wait3A_524 : memref<128x48xf32, #tpu.memory_space<vmem>>)
      %add3A_532 = arith.constant 3 : i32
      %add3A_533 = arith.addi %mul3A_489, %add3A_532 : i32
      %dma_wait3A_534 = arith.constant 0 : i32
      %dma_wait3A_535 = arith.constant 0 : i32
      %dma_wait3A_536 = tpu.memref_slice %arg7[%add3A_533, %dma_wait3A_534, %dma_wait3A_535] : memref<8x128x48xf32, #tpu.memory_space<vmem>> -> memref<1x128x48xf32, #tpu.memory_space<vmem>>
      %dma_wait3A_537 = tpu.memref_squeeze %dma_wait3A_536 : memref<1x128x48xf32, #tpu.memory_space<vmem>> -> memref<128x48xf32, #tpu.memory_space<vmem>>
      %dma_wait3A_538 = arith.constant 0 : i32
      %dma_wait3A_539 = tpu.memref_slice %arg5[%dma_wait3A_538] : memref<10240xi32, #tpu.memory_space<vmem>> -> memref<128xi32, #tpu.memory_space<vmem>>
      %dma_wait3A_540 = arith.constant 0 : i32
      %dma_wait3A_541 = arith.constant 0 : i32
      %dma_wait3A_542 = tpu.memref_slice %arg9[%dma_wait3A_540, %dma_wait3A_541] : memref<10112x48xf32, #tpu.memory_space<vmem_shared>> -> memref<10112x48xf32, #tpu.memory_space<vmem_shared>>
      %dma_wait3A_543 = tpu.memref_slice %arg10[%add3A_533] : memref<8x!tpu.dma_semaphore, #tpu.memory_space<semaphore_mem>> -> memref<1x!tpu.dma_semaphore, #tpu.memory_space<semaphore_mem>>
      %dma_wait3A_544 = tpu.memref_squeeze %dma_wait3A_543 : memref<1x!tpu.dma_semaphore, #tpu.memory_space<semaphore_mem>> -> memref<!tpu.dma_semaphore, #tpu.memory_space<semaphore_mem>>
      tpu.wait_indirect_dma semaphore(%dma_wait3A_544 : memref<!tpu.dma_semaphore, #tpu.memory_space<semaphore_mem>>) src(%dma_wait3A_542 : memref<10112x48xf32, #tpu.memory_space<vmem_shared>>) dst(%dma_wait3A_537 : memref<128x48xf32, #tpu.memory_space<vmem>>)
      %mul3A_545 = arith.constant 4 : i32
      %mul3A_546 = arith.muli %scan3A_478, %mul3A_545 : i32
      %add3A_547 = arith.constant 0 : i32
      %add3A_548 = arith.addi %mul3A_546, %add3A_547 : i32
      %add3A_549 = arith.constant 0 : i32
      %add3A_550 = arith.addi %mul3A_489, %add3A_549 : i32
      %mul3A_551 = arith.constant 128 : i32
      %mul3A_552 = arith.muli %add3A_548, %mul3A_551 : i32
      %dma_start3A_553 = arith.constant 0 : i32
      %dma_start3A_554 = arith.constant 0 : i32
      %dma_start3A_555 = tpu.memref_slice %arg7[%add3A_550, %dma_start3A_553, %dma_start3A_554] : memref<8x128x48xf32, #tpu.memory_space<vmem>> -> memref<1x128x48xf32, #tpu.memory_space<vmem>>
      %dma_start3A_556 = tpu.memref_squeeze %dma_start3A_555 : memref<1x128x48xf32, #tpu.memory_space<vmem>> -> memref<128x48xf32, #tpu.memory_space<vmem>>
      %dma_start3A_557 = tpu.memref_slice %arg6[%mul3A_552] : memref<10240xi32, #tpu.memory_space<vmem>> -> memref<128xi32, #tpu.memory_space<vmem>>
      %dma_start3A_558 = arith.constant 0 : i32
      %dma_start3A_559 = arith.constant 0 : i32
      %dma_start3A_560 = tpu.memref_slice %arg8[%dma_start3A_558, %dma_start3A_559] : memref<10112x48xf32, #tpu.memory_space<vmem_shared>> -> memref<10112x48xf32, #tpu.memory_space<vmem_shared>>
      %dma_start3A_561 = tpu.memref_slice %arg11[%add3A_550] : memref<8x!tpu.dma_semaphore, #tpu.memory_space<semaphore_mem>> -> memref<1x!tpu.dma_semaphore, #tpu.memory_space<semaphore_mem>>
      %dma_start3A_562 = tpu.memref_squeeze %dma_start3A_561 : memref<1x!tpu.dma_semaphore, #tpu.memory_space<semaphore_mem>> -> memref<!tpu.dma_semaphore, #tpu.memory_space<semaphore_mem>>
      tpu.enqueue_indirect_dma source(%dma_start3A_556 : memref<128x48xf32, #tpu.memory_space<vmem>>) target(%dma_start3A_560 : memref<10112x48xf32, #tpu.memory_space<vmem_shared>>) offsets(%dma_start3A_557 : memref<128xi32, #tpu.memory_space<vmem>>) semaphore(%dma_start3A_562 : memref<!tpu.dma_semaphore, #tpu.memory_space<semaphore_mem>>) {add = true}
      %mul3A_563 = arith.constant 4 : i32
      %mul3A_564 = arith.muli %scan3A_478, %mul3A_563 : i32
      %add3A_565 = arith.constant 1 : i32
      %add3A_566 = arith.addi %mul3A_564, %add3A_565 : i32
      %add3A_567 = arith.constant 1 : i32
      %add3A_568 = arith.addi %mul3A_489, %add3A_567 : i32
      %mul3A_569 = arith.constant 128 : i32
      %mul3A_570 = arith.muli %add3A_566, %mul3A_569 : i32
      %dma_start3A_571 = arith.constant 0 : i32
      %dma_start3A_572 = arith.constant 0 : i32
      %dma_start3A_573 = tpu.memref_slice %arg7[%add3A_568, %dma_start3A_571, %dma_start3A_572] : memref<8x128x48xf32, #tpu.memory_space<vmem>> -> memref<1x128x48xf32, #tpu.memory_space<vmem>>
      %dma_start3A_574 = tpu.memref_squeeze %dma_start3A_573 : memref<1x128x48xf32, #tpu.memory_space<vmem>> -> memref<128x48xf32, #tpu.memory_space<vmem>>
      %dma_start3A_575 = tpu.memref_slice %arg6[%mul3A_570] : memref<10240xi32, #tpu.memory_space<vmem>> -> memref<128xi32, #tpu.memory_space<vmem>>
      %dma_start3A_576 = arith.constant 0 : i32
      %dma_start3A_577 = arith.constant 0 : i32
      %dma_start3A_578 = tpu.memref_slice %arg8[%dma_start3A_576, %dma_start3A_577] : memref<10112x48xf32, #tpu.memory_space<vmem_shared>> -> memref<10112x48xf32, #tpu.memory_space<vmem_shared>>
      %dma_start3A_579 = tpu.memref_slice %arg11[%add3A_568] : memref<8x!tpu.dma_semaphore, #tpu.memory_space<semaphore_mem>> -> memref<1x!tpu.dma_semaphore, #tpu.memory_space<semaphore_mem>>
      %dma_start3A_580 = tpu.memref_squeeze %dma_start3A_579 : memref<1x!tpu.dma_semaphore, #tpu.memory_space<semaphore_mem>> -> memref<!tpu.dma_semaphore, #tpu.memory_space<semaphore_mem>>
      tpu.enqueue_indirect_dma source(%dma_start3A_574 : memref<128x48xf32, #tpu.memory_space<vmem>>) target(%dma_start3A_578 : memref<10112x48xf32, #tpu.memory_space<vmem_shared>>) offsets(%dma_start3A_575 : memref<128xi32, #tpu.memory_space<vmem>>) semaphore(%dma_start3A_580 : memref<!tpu.dma_semaphore, #tpu.memory_space<semaphore_mem>>) {add = true}
      %mul3A_581 = arith.constant 4 : i32
      %mul3A_582 = arith.muli %scan3A_478, %mul3A_581 : i32
      %add3A_583 = arith.constant 2 : i32
      %add3A_584 = arith.addi %mul3A_582, %add3A_583 : i32
      %add3A_585 = arith.constant 2 : i32
      %add3A_586 = arith.addi %mul3A_489, %add3A_585 : i32
      %mul3A_587 = arith.constant 128 : i32
      %mul3A_588 = arith.muli %add3A_584, %mul3A_587 : i32
      %dma_start3A_589 = arith.constant 0 : i32
      %dma_start3A_590 = arith.constant 0 : i32
      %dma_start3A_591 = tpu.memref_slice %arg7[%add3A_586, %dma_start3A_589, %dma_start3A_590] : memref<8x128x48xf32, #tpu.memory_space<vmem>> -> memref<1x128x48xf32, #tpu.memory_space<vmem>>
      %dma_start3A_592 = tpu.memref_squeeze %dma_start3A_591 : memref<1x128x48xf32, #tpu.memory_space<vmem>> -> memref<128x48xf32, #tpu.memory_space<vmem>>
      %dma_start3A_593 = tpu.memref_slice %arg6[%mul3A_588] : memref<10240xi32, #tpu.memory_space<vmem>> -> memref<128xi32, #tpu.memory_space<vmem>>
      %dma_start3A_594 = arith.constant 0 : i32
      %dma_start3A_595 = arith.constant 0 : i32
      %dma_start3A_596 = tpu.memref_slice %arg8[%dma_start3A_594, %dma_start3A_595] : memref<10112x48xf32, #tpu.memory_space<vmem_shared>> -> memref<10112x48xf32, #tpu.memory_space<vmem_shared>>
      %dma_start3A_597 = tpu.memref_slice %arg11[%add3A_586] : memref<8x!tpu.dma_semaphore, #tpu.memory_space<semaphore_mem>> -> memref<1x!tpu.dma_semaphore, #tpu.memory_space<semaphore_mem>>
      %dma_start3A_598 = tpu.memref_squeeze %dma_start3A_597 : memref<1x!tpu.dma_semaphore, #tpu.memory_space<semaphore_mem>> -> memref<!tpu.dma_semaphore, #tpu.memory_space<semaphore_mem>>
      tpu.enqueue_indirect_dma source(%dma_start3A_592 : memref<128x48xf32, #tpu.memory_space<vmem>>) target(%dma_start3A_596 : memref<10112x48xf32, #tpu.memory_space<vmem_shared>>) offsets(%dma_start3A_593 : memref<128xi32, #tpu.memory_space<vmem>>) semaphore(%dma_start3A_598 : memref<!tpu.dma_semaphore, #tpu.memory_space<semaphore_mem>>) {add = true}
      %mul3A_599 = arith.constant 4 : i32
      %mul3A_600 = arith.muli %scan3A_478, %mul3A_599 : i32
      %add3A_601 = arith.constant 3 : i32
      %add3A_602 = arith.addi %mul3A_600, %add3A_601 : i32
      %add3A_603 = arith.constant 3 : i32
      %add3A_604 = arith.addi %mul3A_489, %add3A_603 : i32
      %mul3A_605 = arith.constant 128 : i32
      %mul3A_606 = arith.muli %add3A_602, %mul3A_605 : i32
      %dma_start3A_607 = arith.constant 0 : i32
      %dma_start3A_608 = arith.constant 0 : i32
      %dma_start3A_609 = tpu.memref_slice %arg7[%add3A_604, %dma_start3A_607, %dma_start3A_608] : memref<8x128x48xf32, #tpu.memory_space<vmem>> -> memref<1x128x48xf32, #tpu.memory_space<vmem>>
      %dma_start3A_610 = tpu.memref_squeeze %dma_start3A_609 : memref<1x128x48xf32, #tpu.memory_space<vmem>> -> memref<128x48xf32, #tpu.memory_space<vmem>>
      %dma_start3A_611 = tpu.memref_slice %arg6[%mul3A_606] : memref<10240xi32, #tpu.memory_space<vmem>> -> memref<128xi32, #tpu.memory_space<vmem>>
      %dma_start3A_612 = arith.constant 0 : i32
      %dma_start3A_613 = arith.constant 0 : i32
      %dma_start3A_614 = tpu.memref_slice %arg8[%dma_start3A_612, %dma_start3A_613] : memref<10112x48xf32, #tpu.memory_space<vmem_shared>> -> memref<10112x48xf32, #tpu.memory_space<vmem_shared>>
      %dma_start3A_615 = tpu.memref_slice %arg11[%add3A_604] : memref<8x!tpu.dma_semaphore, #tpu.memory_space<semaphore_mem>> -> memref<1x!tpu.dma_semaphore, #tpu.memory_space<semaphore_mem>>
      %dma_start3A_616 = tpu.memref_squeeze %dma_start3A_615 : memref<1x!tpu.dma_semaphore, #tpu.memory_space<semaphore_mem>> -> memref<!tpu.dma_semaphore, #tpu.memory_space<semaphore_mem>>
      tpu.enqueue_indirect_dma source(%dma_start3A_610 : memref<128x48xf32, #tpu.memory_space<vmem>>) target(%dma_start3A_614 : memref<10112x48xf32, #tpu.memory_space<vmem_shared>>) offsets(%dma_start3A_611 : memref<128xi32, #tpu.memory_space<vmem>>) semaphore(%dma_start3A_616 : memref<!tpu.dma_semaphore, #tpu.memory_space<semaphore_mem>>) {add = true}
      %add3A_617 = arith.constant 1 : i32
      %add3A_618 = arith.addi %scan3A_478, %add3A_617 : i32
      %lt3A_619 = arith.constant 20 : i32
      %lt3A_620 = arith.cmpi slt, %add3A_618, %lt3A_619 : i32
      %convert_element_type3A = arith.extui %lt3A_620 : i1 to i32
      %cond3A = arith.constant 0 : i32
      %cond3A_621 = arith.cmpi ne, %convert_element_type3A, %cond3A : i32
      scf.if %cond3A_621 {
        %ge3A = arith.constant 1 : i32
        %ge3A_622 = arith.cmpi sge, %scan3A_478, %ge3A : i32
        %convert_element_type3A_623 = arith.extui %ge3A_622 : i1 to i32
        %cond3A_624 = arith.constant 0 : i32
        %cond3A_625 = arith.cmpi ne, %convert_element_type3A_623, %cond3A_624 : i32
        scf.if %cond3A_625 {
          %add3A_721 = arith.constant 0 : i32
          %add3A_722 = arith.addi %mul3A_492, %add3A_721 : i32
          %dma_wait3A_723 = arith.constant 0 : i32
          %dma_wait3A_724 = arith.constant 0 : i32
          %dma_wait3A_725 = tpu.memref_slice %arg7[%add3A_722, %dma_wait3A_723, %dma_wait3A_724] : memref<8x128x48xf32, #tpu.memory_space<vmem>> -> memref<1x128x48xf32, #tpu.memory_space<vmem>>
          %dma_wait3A_726 = tpu.memref_squeeze %dma_wait3A_725 : memref<1x128x48xf32, #tpu.memory_space<vmem>> -> memref<128x48xf32, #tpu.memory_space<vmem>>
          %dma_wait3A_727 = arith.constant 0 : i32
          %dma_wait3A_728 = tpu.memref_slice %arg6[%dma_wait3A_727] : memref<10240xi32, #tpu.memory_space<vmem>> -> memref<128xi32, #tpu.memory_space<vmem>>
          %dma_wait3A_729 = arith.constant 0 : i32
          %dma_wait3A_730 = arith.constant 0 : i32
          %dma_wait3A_731 = tpu.memref_slice %arg8[%dma_wait3A_729, %dma_wait3A_730] : memref<10112x48xf32, #tpu.memory_space<vmem_shared>> -> memref<10112x48xf32, #tpu.memory_space<vmem_shared>>
          %dma_wait3A_732 = tpu.memref_slice %arg11[%add3A_722] : memref<8x!tpu.dma_semaphore, #tpu.memory_space<semaphore_mem>> -> memref<1x!tpu.dma_semaphore, #tpu.memory_space<semaphore_mem>>
          %dma_wait3A_733 = tpu.memref_squeeze %dma_wait3A_732 : memref<1x!tpu.dma_semaphore, #tpu.memory_space<semaphore_mem>> -> memref<!tpu.dma_semaphore, #tpu.memory_space<semaphore_mem>>
          tpu.wait_indirect_dma semaphore(%dma_wait3A_733 : memref<!tpu.dma_semaphore, #tpu.memory_space<semaphore_mem>>) src(%dma_wait3A_726 : memref<128x48xf32, #tpu.memory_space<vmem>>) dst(%dma_wait3A_731 : memref<10112x48xf32, #tpu.memory_space<vmem_shared>>)
        } else {
        }
        %add3A_626 = arith.constant 1 : i32
        %add3A_627 = arith.addi %scan3A_478, %add3A_626 : i32
        %mul3A_628 = arith.constant 4 : i32
        %mul3A_629 = arith.muli %add3A_627, %mul3A_628 : i32
        %add3A_630 = arith.constant 0 : i32
        %add3A_631 = arith.addi %mul3A_629, %add3A_630 : i32
        %add3A_632 = arith.constant 0 : i32
        %add3A_633 = arith.addi %mul3A_492, %add3A_632 : i32
        %mul3A_634 = arith.constant 128 : i32
        %mul3A_635 = arith.muli %add3A_631, %mul3A_634 : i32
        %dma_start3A_636 = arith.constant 0 : i32
        %dma_start3A_637 = arith.constant 0 : i32
        %dma_start3A_638 = tpu.memref_slice %arg7[%add3A_633, %dma_start3A_636, %dma_start3A_637] : memref<8x128x48xf32, #tpu.memory_space<vmem>> -> memref<1x128x48xf32, #tpu.memory_space<vmem>>
        %dma_start3A_639 = tpu.memref_squeeze %dma_start3A_638 : memref<1x128x48xf32, #tpu.memory_space<vmem>> -> memref<128x48xf32, #tpu.memory_space<vmem>>
        %dma_start3A_640 = tpu.memref_slice %arg5[%mul3A_635] : memref<10240xi32, #tpu.memory_space<vmem>> -> memref<128xi32, #tpu.memory_space<vmem>>
        %dma_start3A_641 = arith.constant 0 : i32
        %dma_start3A_642 = arith.constant 0 : i32
        %dma_start3A_643 = tpu.memref_slice %arg9[%dma_start3A_641, %dma_start3A_642] : memref<10112x48xf32, #tpu.memory_space<vmem_shared>> -> memref<10112x48xf32, #tpu.memory_space<vmem_shared>>
        %dma_start3A_644 = tpu.memref_slice %arg10[%add3A_633] : memref<8x!tpu.dma_semaphore, #tpu.memory_space<semaphore_mem>> -> memref<1x!tpu.dma_semaphore, #tpu.memory_space<semaphore_mem>>
        %dma_start3A_645 = tpu.memref_squeeze %dma_start3A_644 : memref<1x!tpu.dma_semaphore, #tpu.memory_space<semaphore_mem>> -> memref<!tpu.dma_semaphore, #tpu.memory_space<semaphore_mem>>
        tpu.enqueue_indirect_dma source(%dma_start3A_643 : memref<10112x48xf32, #tpu.memory_space<vmem_shared>>) target(%dma_start3A_639 : memref<128x48xf32, #tpu.memory_space<vmem>>) offsets(%dma_start3A_640 : memref<128xi32, #tpu.memory_space<vmem>>) semaphore(%dma_start3A_645 : memref<!tpu.dma_semaphore, #tpu.memory_space<semaphore_mem>>)
        %ge3A_646 = arith.constant 1 : i32
        %ge3A_647 = arith.cmpi sge, %scan3A_478, %ge3A_646 : i32
        %convert_element_type3A_648 = arith.extui %ge3A_647 : i1 to i32
        %cond3A_649 = arith.constant 0 : i32
        %cond3A_650 = arith.cmpi ne, %convert_element_type3A_648, %cond3A_649 : i32
        scf.if %cond3A_650 {
          %add3A_721 = arith.constant 1 : i32
          %add3A_722 = arith.addi %mul3A_492, %add3A_721 : i32
          %dma_wait3A_723 = arith.constant 0 : i32
          %dma_wait3A_724 = arith.constant 0 : i32
          %dma_wait3A_725 = tpu.memref_slice %arg7[%add3A_722, %dma_wait3A_723, %dma_wait3A_724] : memref<8x128x48xf32, #tpu.memory_space<vmem>> -> memref<1x128x48xf32, #tpu.memory_space<vmem>>
          %dma_wait3A_726 = tpu.memref_squeeze %dma_wait3A_725 : memref<1x128x48xf32, #tpu.memory_space<vmem>> -> memref<128x48xf32, #tpu.memory_space<vmem>>
          %dma_wait3A_727 = arith.constant 0 : i32
          %dma_wait3A_728 = tpu.memref_slice %arg6[%dma_wait3A_727] : memref<10240xi32, #tpu.memory_space<vmem>> -> memref<128xi32, #tpu.memory_space<vmem>>
          %dma_wait3A_729 = arith.constant 0 : i32
          %dma_wait3A_730 = arith.constant 0 : i32
          %dma_wait3A_731 = tpu.memref_slice %arg8[%dma_wait3A_729, %dma_wait3A_730] : memref<10112x48xf32, #tpu.memory_space<vmem_shared>> -> memref<10112x48xf32, #tpu.memory_space<vmem_shared>>
          %dma_wait3A_732 = tpu.memref_slice %arg11[%add3A_722] : memref<8x!tpu.dma_semaphore, #tpu.memory_space<semaphore_mem>> -> memref<1x!tpu.dma_semaphore, #tpu.memory_space<semaphore_mem>>
          %dma_wait3A_733 = tpu.memref_squeeze %dma_wait3A_732 : memref<1x!tpu.dma_semaphore, #tpu.memory_space<semaphore_mem>> -> memref<!tpu.dma_semaphore, #tpu.memory_space<semaphore_mem>>
          tpu.wait_indirect_dma semaphore(%dma_wait3A_733 : memref<!tpu.dma_semaphore, #tpu.memory_space<semaphore_mem>>) src(%dma_wait3A_726 : memref<128x48xf32, #tpu.memory_space<vmem>>) dst(%dma_wait3A_731 : memref<10112x48xf32, #tpu.memory_space<vmem_shared>>)
        } else {
        }
        %add3A_651 = arith.constant 1 : i32
        %add3A_652 = arith.addi %scan3A_478, %add3A_651 : i32
        %mul3A_653 = arith.constant 4 : i32
        %mul3A_654 = arith.muli %add3A_652, %mul3A_653 : i32
        %add3A_655 = arith.constant 1 : i32
        %add3A_656 = arith.addi %mul3A_654, %add3A_655 : i32
        %add3A_657 = arith.constant 1 : i32
        %add3A_658 = arith.addi %mul3A_492, %add3A_657 : i32
        %mul3A_659 = arith.constant 128 : i32
        %mul3A_660 = arith.muli %add3A_656, %mul3A_659 : i32
        %dma_start3A_661 = arith.constant 0 : i32
        %dma_start3A_662 = arith.constant 0 : i32
        %dma_start3A_663 = tpu.memref_slice %arg7[%add3A_658, %dma_start3A_661, %dma_start3A_662] : memref<8x128x48xf32, #tpu.memory_space<vmem>> -> memref<1x128x48xf32, #tpu.memory_space<vmem>>
        %dma_start3A_664 = tpu.memref_squeeze %dma_start3A_663 : memref<1x128x48xf32, #tpu.memory_space<vmem>> -> memref<128x48xf32, #tpu.memory_space<vmem>>
        %dma_start3A_665 = tpu.memref_slice %arg5[%mul3A_660] : memref<10240xi32, #tpu.memory_space<vmem>> -> memref<128xi32, #tpu.memory_space<vmem>>
        %dma_start3A_666 = arith.constant 0 : i32
        %dma_start3A_667 = arith.constant 0 : i32
        %dma_start3A_668 = tpu.memref_slice %arg9[%dma_start3A_666, %dma_start3A_667] : memref<10112x48xf32, #tpu.memory_space<vmem_shared>> -> memref<10112x48xf32, #tpu.memory_space<vmem_shared>>
        %dma_start3A_669 = tpu.memref_slice %arg10[%add3A_658] : memref<8x!tpu.dma_semaphore, #tpu.memory_space<semaphore_mem>> -> memref<1x!tpu.dma_semaphore, #tpu.memory_space<semaphore_mem>>
        %dma_start3A_670 = tpu.memref_squeeze %dma_start3A_669 : memref<1x!tpu.dma_semaphore, #tpu.memory_space<semaphore_mem>> -> memref<!tpu.dma_semaphore, #tpu.memory_space<semaphore_mem>>
        tpu.enqueue_indirect_dma source(%dma_start3A_668 : memref<10112x48xf32, #tpu.memory_space<vmem_shared>>) target(%dma_start3A_664 : memref<128x48xf32, #tpu.memory_space<vmem>>) offsets(%dma_start3A_665 : memref<128xi32, #tpu.memory_space<vmem>>) semaphore(%dma_start3A_670 : memref<!tpu.dma_semaphore, #tpu.memory_space<semaphore_mem>>)
        %ge3A_671 = arith.constant 1 : i32
        %ge3A_672 = arith.cmpi sge, %scan3A_478, %ge3A_671 : i32
        %convert_element_type3A_673 = arith.extui %ge3A_672 : i1 to i32
        %cond3A_674 = arith.constant 0 : i32
        %cond3A_675 = arith.cmpi ne, %convert_element_type3A_673, %cond3A_674 : i32
        scf.if %cond3A_675 {
          %add3A_721 = arith.constant 2 : i32
          %add3A_722 = arith.addi %mul3A_492, %add3A_721 : i32
          %dma_wait3A_723 = arith.constant 0 : i32
          %dma_wait3A_724 = arith.constant 0 : i32
          %dma_wait3A_725 = tpu.memref_slice %arg7[%add3A_722, %dma_wait3A_723, %dma_wait3A_724] : memref<8x128x48xf32, #tpu.memory_space<vmem>> -> memref<1x128x48xf32, #tpu.memory_space<vmem>>
          %dma_wait3A_726 = tpu.memref_squeeze %dma_wait3A_725 : memref<1x128x48xf32, #tpu.memory_space<vmem>> -> memref<128x48xf32, #tpu.memory_space<vmem>>
          %dma_wait3A_727 = arith.constant 0 : i32
          %dma_wait3A_728 = tpu.memref_slice %arg6[%dma_wait3A_727] : memref<10240xi32, #tpu.memory_space<vmem>> -> memref<128xi32, #tpu.memory_space<vmem>>
          %dma_wait3A_729 = arith.constant 0 : i32
          %dma_wait3A_730 = arith.constant 0 : i32
          %dma_wait3A_731 = tpu.memref_slice %arg8[%dma_wait3A_729, %dma_wait3A_730] : memref<10112x48xf32, #tpu.memory_space<vmem_shared>> -> memref<10112x48xf32, #tpu.memory_space<vmem_shared>>
          %dma_wait3A_732 = tpu.memref_slice %arg11[%add3A_722] : memref<8x!tpu.dma_semaphore, #tpu.memory_space<semaphore_mem>> -> memref<1x!tpu.dma_semaphore, #tpu.memory_space<semaphore_mem>>
          %dma_wait3A_733 = tpu.memref_squeeze %dma_wait3A_732 : memref<1x!tpu.dma_semaphore, #tpu.memory_space<semaphore_mem>> -> memref<!tpu.dma_semaphore, #tpu.memory_space<semaphore_mem>>
          tpu.wait_indirect_dma semaphore(%dma_wait3A_733 : memref<!tpu.dma_semaphore, #tpu.memory_space<semaphore_mem>>) src(%dma_wait3A_726 : memref<128x48xf32, #tpu.memory_space<vmem>>) dst(%dma_wait3A_731 : memref<10112x48xf32, #tpu.memory_space<vmem_shared>>)
        } else {
        }
        %add3A_676 = arith.constant 1 : i32
        %add3A_677 = arith.addi %scan3A_478, %add3A_676 : i32
        %mul3A_678 = arith.constant 4 : i32
        %mul3A_679 = arith.muli %add3A_677, %mul3A_678 : i32
        %add3A_680 = arith.constant 2 : i32
        %add3A_681 = arith.addi %mul3A_679, %add3A_680 : i32
        %add3A_682 = arith.constant 2 : i32
        %add3A_683 = arith.addi %mul3A_492, %add3A_682 : i32
        %mul3A_684 = arith.constant 128 : i32
        %mul3A_685 = arith.muli %add3A_681, %mul3A_684 : i32
        %dma_start3A_686 = arith.constant 0 : i32
        %dma_start3A_687 = arith.constant 0 : i32
        %dma_start3A_688 = tpu.memref_slice %arg7[%add3A_683, %dma_start3A_686, %dma_start3A_687] : memref<8x128x48xf32, #tpu.memory_space<vmem>> -> memref<1x128x48xf32, #tpu.memory_space<vmem>>
        %dma_start3A_689 = tpu.memref_squeeze %dma_start3A_688 : memref<1x128x48xf32, #tpu.memory_space<vmem>> -> memref<128x48xf32, #tpu.memory_space<vmem>>
        %dma_start3A_690 = tpu.memref_slice %arg5[%mul3A_685] : memref<10240xi32, #tpu.memory_space<vmem>> -> memref<128xi32, #tpu.memory_space<vmem>>
        %dma_start3A_691 = arith.constant 0 : i32
        %dma_start3A_692 = arith.constant 0 : i32
        %dma_start3A_693 = tpu.memref_slice %arg9[%dma_start3A_691, %dma_start3A_692] : memref<10112x48xf32, #tpu.memory_space<vmem_shared>> -> memref<10112x48xf32, #tpu.memory_space<vmem_shared>>
        %dma_start3A_694 = tpu.memref_slice %arg10[%add3A_683] : memref<8x!tpu.dma_semaphore, #tpu.memory_space<semaphore_mem>> -> memref<1x!tpu.dma_semaphore, #tpu.memory_space<semaphore_mem>>
        %dma_start3A_695 = tpu.memref_squeeze %dma_start3A_694 : memref<1x!tpu.dma_semaphore, #tpu.memory_space<semaphore_mem>> -> memref<!tpu.dma_semaphore, #tpu.memory_space<semaphore_mem>>
        tpu.enqueue_indirect_dma source(%dma_start3A_693 : memref<10112x48xf32, #tpu.memory_space<vmem_shared>>) target(%dma_start3A_689 : memref<128x48xf32, #tpu.memory_space<vmem>>) offsets(%dma_start3A_690 : memref<128xi32, #tpu.memory_space<vmem>>) semaphore(%dma_start3A_695 : memref<!tpu.dma_semaphore, #tpu.memory_space<semaphore_mem>>)
        %ge3A_696 = arith.constant 1 : i32
        %ge3A_697 = arith.cmpi sge, %scan3A_478, %ge3A_696 : i32
        %convert_element_type3A_698 = arith.extui %ge3A_697 : i1 to i32
        %cond3A_699 = arith.constant 0 : i32
        %cond3A_700 = arith.cmpi ne, %convert_element_type3A_698, %cond3A_699 : i32
        scf.if %cond3A_700 {
          %add3A_721 = arith.constant 3 : i32
          %add3A_722 = arith.addi %mul3A_492, %add3A_721 : i32
          %dma_wait3A_723 = arith.constant 0 : i32
          %dma_wait3A_724 = arith.constant 0 : i32
          %dma_wait3A_725 = tpu.memref_slice %arg7[%add3A_722, %dma_wait3A_723, %dma_wait3A_724] : memref<8x128x48xf32, #tpu.memory_space<vmem>> -> memref<1x128x48xf32, #tpu.memory_space<vmem>>
          %dma_wait3A_726 = tpu.memref_squeeze %dma_wait3A_725 : memref<1x128x48xf32, #tpu.memory_space<vmem>> -> memref<128x48xf32, #tpu.memory_space<vmem>>
          %dma_wait3A_727 = arith.constant 0 : i32
          %dma_wait3A_728 = tpu.memref_slice %arg6[%dma_wait3A_727] : memref<10240xi32, #tpu.memory_space<vmem>> -> memref<128xi32, #tpu.memory_space<vmem>>
          %dma_wait3A_729 = arith.constant 0 : i32
          %dma_wait3A_730 = arith.constant 0 : i32
          %dma_wait3A_731 = tpu.memref_slice %arg8[%dma_wait3A_729, %dma_wait3A_730] : memref<10112x48xf32, #tpu.memory_space<vmem_shared>> -> memref<10112x48xf32, #tpu.memory_space<vmem_shared>>
          %dma_wait3A_732 = tpu.memref_slice %arg11[%add3A_722] : memref<8x!tpu.dma_semaphore, #tpu.memory_space<semaphore_mem>> -> memref<1x!tpu.dma_semaphore, #tpu.memory_space<semaphore_mem>>
          %dma_wait3A_733 = tpu.memref_squeeze %dma_wait3A_732 : memref<1x!tpu.dma_semaphore, #tpu.memory_space<semaphore_mem>> -> memref<!tpu.dma_semaphore, #tpu.memory_space<semaphore_mem>>
          tpu.wait_indirect_dma semaphore(%dma_wait3A_733 : memref<!tpu.dma_semaphore, #tpu.memory_space<semaphore_mem>>) src(%dma_wait3A_726 : memref<128x48xf32, #tpu.memory_space<vmem>>) dst(%dma_wait3A_731 : memref<10112x48xf32, #tpu.memory_space<vmem_shared>>)
        } else {
        }
        %add3A_701 = arith.constant 1 : i32
        %add3A_702 = arith.addi %scan3A_478, %add3A_701 : i32
        %mul3A_703 = arith.constant 4 : i32
        %mul3A_704 = arith.muli %add3A_702, %mul3A_703 : i32
        %add3A_705 = arith.constant 3 : i32
        %add3A_706 = arith.addi %mul3A_704, %add3A_705 : i32
        %add3A_707 = arith.constant 3 : i32
        %add3A_708 = arith.addi %mul3A_492, %add3A_707 : i32
        %mul3A_709 = arith.constant 128 : i32
        %mul3A_710 = arith.muli %add3A_706, %mul3A_709 : i32
        %dma_start3A_711 = arith.constant 0 : i32
        %dma_start3A_712 = arith.constant 0 : i32
        %dma_start3A_713 = tpu.memref_slice %arg7[%add3A_708, %dma_start3A_711, %dma_start3A_712] : memref<8x128x48xf32, #tpu.memory_space<vmem>> -> memref<1x128x48xf32, #tpu.memory_space<vmem>>
        %dma_start3A_714 = tpu.memref_squeeze %dma_start3A_713 : memref<1x128x48xf32, #tpu.memory_space<vmem>> -> memref<128x48xf32, #tpu.memory_space<vmem>>
        %dma_start3A_715 = tpu.memref_slice %arg5[%mul3A_710] : memref<10240xi32, #tpu.memory_space<vmem>> -> memref<128xi32, #tpu.memory_space<vmem>>
        %dma_start3A_716 = arith.constant 0 : i32
        %dma_start3A_717 = arith.constant 0 : i32
        %dma_start3A_718 = tpu.memref_slice %arg9[%dma_start3A_716, %dma_start3A_717] : memref<10112x48xf32, #tpu.memory_space<vmem_shared>> -> memref<10112x48xf32, #tpu.memory_space<vmem_shared>>
        %dma_start3A_719 = tpu.memref_slice %arg10[%add3A_708] : memref<8x!tpu.dma_semaphore, #tpu.memory_space<semaphore_mem>> -> memref<1x!tpu.dma_semaphore, #tpu.memory_space<semaphore_mem>>
        %dma_start3A_720 = tpu.memref_squeeze %dma_start3A_719 : memref<1x!tpu.dma_semaphore, #tpu.memory_space<semaphore_mem>> -> memref<!tpu.dma_semaphore, #tpu.memory_space<semaphore_mem>>
        tpu.enqueue_indirect_dma source(%dma_start3A_718 : memref<10112x48xf32, #tpu.memory_space<vmem_shared>>) target(%dma_start3A_714 : memref<128x48xf32, #tpu.memory_space<vmem>>) offsets(%dma_start3A_715 : memref<128xi32, #tpu.memory_space<vmem>>) semaphore(%dma_start3A_720 : memref<!tpu.dma_semaphore, #tpu.memory_space<semaphore_mem>>)
      } else {
      }
    }
    %scan3A_369 = arith.constant 20 : i32
    %dma_wait3A = arith.constant 0 : i32
    %dma_wait3A_370 = arith.constant 0 : i32
    %dma_wait3A_371 = arith.constant 0 : i32
    %dma_wait3A_372 = arith.constant 0 : i32
    %dma_wait3A_373 = tpu.memref_slice %arg7[%dma_wait3A, %dma_wait3A_371, %dma_wait3A_372] : memref<8x128x48xf32, #tpu.memory_space<vmem>> -> memref<1x128x48xf32, #tpu.memory_space<vmem>>
    %dma_wait3A_374 = tpu.memref_squeeze %dma_wait3A_373 : memref<1x128x48xf32, #tpu.memory_space<vmem>> -> memref<128x48xf32, #tpu.memory_space<vmem>>
    %dma_wait3A_375 = arith.constant 0 : i32
    %dma_wait3A_376 = tpu.memref_slice %arg6[%dma_wait3A_375] : memref<10240xi32, #tpu.memory_space<vmem>> -> memref<128xi32, #tpu.memory_space<vmem>>
    %dma_wait3A_377 = arith.constant 0 : i32
    %dma_wait3A_378 = arith.constant 0 : i32
    %dma_wait3A_379 = tpu.memref_slice %arg8[%dma_wait3A_377, %dma_wait3A_378] : memref<10112x48xf32, #tpu.memory_space<vmem_shared>> -> memref<10112x48xf32, #tpu.memory_space<vmem_shared>>
    %dma_wait3A_380 = tpu.memref_slice %arg11[%dma_wait3A_370] : memref<8x!tpu.dma_semaphore, #tpu.memory_space<semaphore_mem>> -> memref<1x!tpu.dma_semaphore, #tpu.memory_space<semaphore_mem>>
    %dma_wait3A_381 = tpu.memref_squeeze %dma_wait3A_380 : memref<1x!tpu.dma_semaphore, #tpu.memory_space<semaphore_mem>> -> memref<!tpu.dma_semaphore, #tpu.memory_space<semaphore_mem>>
    tpu.wait_indirect_dma semaphore(%dma_wait3A_381 : memref<!tpu.dma_semaphore, #tpu.memory_space<semaphore_mem>>) src(%dma_wait3A_374 : memref<128x48xf32, #tpu.memory_space<vmem>>) dst(%dma_wait3A_379 : memref<10112x48xf32, #tpu.memory_space<vmem_shared>>)
    %dma_wait3A_382 = arith.constant 1 : i32
    %dma_wait3A_383 = arith.constant 1 : i32
    %dma_wait3A_384 = arith.constant 0 : i32
    %dma_wait3A_385 = arith.constant 0 : i32
    %dma_wait3A_386 = tpu.memref_slice %arg7[%dma_wait3A_382, %dma_wait3A_384, %dma_wait3A_385] : memref<8x128x48xf32, #tpu.memory_space<vmem>> -> memref<1x128x48xf32, #tpu.memory_space<vmem>>
    %dma_wait3A_387 = tpu.memref_squeeze %dma_wait3A_386 : memref<1x128x48xf32, #tpu.memory_space<vmem>> -> memref<128x48xf32, #tpu.memory_space<vmem>>
    %dma_wait3A_388 = arith.constant 0 : i32
    %dma_wait3A_389 = tpu.memref_slice %arg6[%dma_wait3A_388] : memref<10240xi32, #tpu.memory_space<vmem>> -> memref<128xi32, #tpu.memory_space<vmem>>
    %dma_wait3A_390 = arith.constant 0 : i32
    %dma_wait3A_391 = arith.constant 0 : i32
    %dma_wait3A_392 = tpu.memref_slice %arg8[%dma_wait3A_390, %dma_wait3A_391] : memref<10112x48xf32, #tpu.memory_space<vmem_shared>> -> memref<10112x48xf32, #tpu.memory_space<vmem_shared>>
    %dma_wait3A_393 = tpu.memref_slice %arg11[%dma_wait3A_383] : memref<8x!tpu.dma_semaphore, #tpu.memory_space<semaphore_mem>> -> memref<1x!tpu.dma_semaphore, #tpu.memory_space<semaphore_mem>>
    %dma_wait3A_394 = tpu.memref_squeeze %dma_wait3A_393 : memref<1x!tpu.dma_semaphore, #tpu.memory_space<semaphore_mem>> -> memref<!tpu.dma_semaphore, #tpu.memory_space<semaphore_mem>>
    tpu.wait_indirect_dma semaphore(%dma_wait3A_394 : memref<!tpu.dma_semaphore, #tpu.memory_space<semaphore_mem>>) src(%dma_wait3A_387 : memref<128x48xf32, #tpu.memory_space<vmem>>) dst(%dma_wait3A_392 : memref<10112x48xf32, #tpu.memory_space<vmem_shared>>)
    %dma_wait3A_395 = arith.constant 2 : i32
    %dma_wait3A_396 = arith.constant 2 : i32
    %dma_wait3A_397 = arith.constant 0 : i32
    %dma_wait3A_398 = arith.constant 0 : i32
    %dma_wait3A_399 = tpu.memref_slice %arg7[%dma_wait3A_395, %dma_wait3A_397, %dma_wait3A_398] : memref<8x128x48xf32, #tpu.memory_space<vmem>> -> memref<1x128x48xf32, #tpu.memory_space<vmem>>
    %dma_wait3A_400 = tpu.memref_squeeze %dma_wait3A_399 : memref<1x128x48xf32, #tpu.memory_space<vmem>> -> memref<128x48xf32, #tpu.memory_space<vmem>>
    %dma_wait3A_401 = arith.constant 0 : i32
    %dma_wait3A_402 = tpu.memref_slice %arg6[%dma_wait3A_401] : memref<10240xi32, #tpu.memory_space<vmem>> -> memref<128xi32, #tpu.memory_space<vmem>>
    %dma_wait3A_403 = arith.constant 0 : i32
    %dma_wait3A_404 = arith.constant 0 : i32
    %dma_wait3A_405 = tpu.memref_slice %arg8[%dma_wait3A_403, %dma_wait3A_404] : memref<10112x48xf32, #tpu.memory_space<vmem_shared>> -> memref<10112x48xf32, #tpu.memory_space<vmem_shared>>
    %dma_wait3A_406 = tpu.memref_slice %arg11[%dma_wait3A_396] : memref<8x!tpu.dma_semaphore, #tpu.memory_space<semaphore_mem>> -> memref<1x!tpu.dma_semaphore, #tpu.memory_space<semaphore_mem>>
    %dma_wait3A_407 = tpu.memref_squeeze %dma_wait3A_406 : memref<1x!tpu.dma_semaphore, #tpu.memory_space<semaphore_mem>> -> memref<!tpu.dma_semaphore, #tpu.memory_space<semaphore_mem>>
    tpu.wait_indirect_dma semaphore(%dma_wait3A_407 : memref<!tpu.dma_semaphore, #tpu.memory_space<semaphore_mem>>) src(%dma_wait3A_400 : memref<128x48xf32, #tpu.memory_space<vmem>>) dst(%dma_wait3A_405 : memref<10112x48xf32, #tpu.memory_space<vmem_shared>>)
    %dma_wait3A_408 = arith.constant 3 : i32
    %dma_wait3A_409 = arith.constant 3 : i32
    %dma_wait3A_410 = arith.constant 0 : i32
    %dma_wait3A_411 = arith.constant 0 : i32
    %dma_wait3A_412 = tpu.memref_slice %arg7[%dma_wait3A_408, %dma_wait3A_410, %dma_wait3A_411] : memref<8x128x48xf32, #tpu.memory_space<vmem>> -> memref<1x128x48xf32, #tpu.memory_space<vmem>>
    %dma_wait3A_413 = tpu.memref_squeeze %dma_wait3A_412 : memref<1x128x48xf32, #tpu.memory_space<vmem>> -> memref<128x48xf32, #tpu.memory_space<vmem>>
    %dma_wait3A_414 = arith.constant 0 : i32
    %dma_wait3A_415 = tpu.memref_slice %arg6[%dma_wait3A_414] : memref<10240xi32, #tpu.memory_space<vmem>> -> memref<128xi32, #tpu.memory_space<vmem>>
    %dma_wait3A_416 = arith.constant 0 : i32
    %dma_wait3A_417 = arith.constant 0 : i32
    %dma_wait3A_418 = tpu.memref_slice %arg8[%dma_wait3A_416, %dma_wait3A_417] : memref<10112x48xf32, #tpu.memory_space<vmem_shared>> -> memref<10112x48xf32, #tpu.memory_space<vmem_shared>>
    %dma_wait3A_419 = tpu.memref_slice %arg11[%dma_wait3A_409] : memref<8x!tpu.dma_semaphore, #tpu.memory_space<semaphore_mem>> -> memref<1x!tpu.dma_semaphore, #tpu.memory_space<semaphore_mem>>
    %dma_wait3A_420 = tpu.memref_squeeze %dma_wait3A_419 : memref<1x!tpu.dma_semaphore, #tpu.memory_space<semaphore_mem>> -> memref<!tpu.dma_semaphore, #tpu.memory_space<semaphore_mem>>
    tpu.wait_indirect_dma semaphore(%dma_wait3A_420 : memref<!tpu.dma_semaphore, #tpu.memory_space<semaphore_mem>>) src(%dma_wait3A_413 : memref<128x48xf32, #tpu.memory_space<vmem>>) dst(%dma_wait3A_418 : memref<10112x48xf32, #tpu.memory_space<vmem_shared>>)
    %dma_wait3A_421 = arith.constant 4 : i32
    %dma_wait3A_422 = arith.constant 4 : i32
    %dma_wait3A_423 = arith.constant 0 : i32
    %dma_wait3A_424 = arith.constant 0 : i32
    %dma_wait3A_425 = tpu.memref_slice %arg7[%dma_wait3A_421, %dma_wait3A_423, %dma_wait3A_424] : memref<8x128x48xf32, #tpu.memory_space<vmem>> -> memref<1x128x48xf32, #tpu.memory_space<vmem>>
    %dma_wait3A_426 = tpu.memref_squeeze %dma_wait3A_425 : memref<1x128x48xf32, #tpu.memory_space<vmem>> -> memref<128x48xf32, #tpu.memory_space<vmem>>
    %dma_wait3A_427 = arith.constant 0 : i32
    %dma_wait3A_428 = tpu.memref_slice %arg6[%dma_wait3A_427] : memref<10240xi32, #tpu.memory_space<vmem>> -> memref<128xi32, #tpu.memory_space<vmem>>
    %dma_wait3A_429 = arith.constant 0 : i32
    %dma_wait3A_430 = arith.constant 0 : i32
    %dma_wait3A_431 = tpu.memref_slice %arg8[%dma_wait3A_429, %dma_wait3A_430] : memref<10112x48xf32, #tpu.memory_space<vmem_shared>> -> memref<10112x48xf32, #tpu.memory_space<vmem_shared>>
    %dma_wait3A_432 = tpu.memref_slice %arg11[%dma_wait3A_422] : memref<8x!tpu.dma_semaphore, #tpu.memory_space<semaphore_mem>> -> memref<1x!tpu.dma_semaphore, #tpu.memory_space<semaphore_mem>>
    %dma_wait3A_433 = tpu.memref_squeeze %dma_wait3A_432 : memref<1x!tpu.dma_semaphore, #tpu.memory_space<semaphore_mem>> -> memref<!tpu.dma_semaphore, #tpu.memory_space<semaphore_mem>>
    tpu.wait_indirect_dma semaphore(%dma_wait3A_433 : memref<!tpu.dma_semaphore, #tpu.memory_space<semaphore_mem>>) src(%dma_wait3A_426 : memref<128x48xf32, #tpu.memory_space<vmem>>) dst(%dma_wait3A_431 : memref<10112x48xf32, #tpu.memory_space<vmem_shared>>)
    %dma_wait3A_434 = arith.constant 5 : i32
    %dma_wait3A_435 = arith.constant 5 : i32
    %dma_wait3A_436 = arith.constant 0 : i32
    %dma_wait3A_437 = arith.constant 0 : i32
    %dma_wait3A_438 = tpu.memref_slice %arg7[%dma_wait3A_434, %dma_wait3A_436, %dma_wait3A_437] : memref<8x128x48xf32, #tpu.memory_space<vmem>> -> memref<1x128x48xf32, #tpu.memory_space<vmem>>
    %dma_wait3A_439 = tpu.memref_squeeze %dma_wait3A_438 : memref<1x128x48xf32, #tpu.memory_space<vmem>> -> memref<128x48xf32, #tpu.memory_space<vmem>>
    %dma_wait3A_440 = arith.constant 0 : i32
    %dma_wait3A_441 = tpu.memref_slice %arg6[%dma_wait3A_440] : memref<10240xi32, #tpu.memory_space<vmem>> -> memref<128xi32, #tpu.memory_space<vmem>>
    %dma_wait3A_442 = arith.constant 0 : i32
    %dma_wait3A_443 = arith.constant 0 : i32
    %dma_wait3A_444 = tpu.memref_slice %arg8[%dma_wait3A_442, %dma_wait3A_443] : memref<10112x48xf32, #tpu.memory_space<vmem_shared>> -> memref<10112x48xf32, #tpu.memory_space<vmem_shared>>
    %dma_wait3A_445 = tpu.memref_slice %arg11[%dma_wait3A_435] : memref<8x!tpu.dma_semaphore, #tpu.memory_space<semaphore_mem>> -> memref<1x!tpu.dma_semaphore, #tpu.memory_space<semaphore_mem>>
    %dma_wait3A_446 = tpu.memref_squeeze %dma_wait3A_445 : memref<1x!tpu.dma_semaphore, #tpu.memory_space<semaphore_mem>> -> memref<!tpu.dma_semaphore, #tpu.memory_space<semaphore_mem>>
    tpu.wait_indirect_dma semaphore(%dma_wait3A_446 : memref<!tpu.dma_semaphore, #tpu.memory_space<semaphore_mem>>) src(%dma_wait3A_439 : memref<128x48xf32, #tpu.memory_space<vmem>>) dst(%dma_wait3A_444 : memref<10112x48xf32, #tpu.memory_space<vmem_shared>>)
    %dma_wait3A_447 = arith.constant 6 : i32
    %dma_wait3A_448 = arith.constant 6 : i32
    %dma_wait3A_449 = arith.constant 0 : i32
    %dma_wait3A_450 = arith.constant 0 : i32
    %dma_wait3A_451 = tpu.memref_slice %arg7[%dma_wait3A_447, %dma_wait3A_449, %dma_wait3A_450] : memref<8x128x48xf32, #tpu.memory_space<vmem>> -> memref<1x128x48xf32, #tpu.memory_space<vmem>>
    %dma_wait3A_452 = tpu.memref_squeeze %dma_wait3A_451 : memref<1x128x48xf32, #tpu.memory_space<vmem>> -> memref<128x48xf32, #tpu.memory_space<vmem>>
    %dma_wait3A_453 = arith.constant 0 : i32
    %dma_wait3A_454 = tpu.memref_slice %arg6[%dma_wait3A_453] : memref<10240xi32, #tpu.memory_space<vmem>> -> memref<128xi32, #tpu.memory_space<vmem>>
    %dma_wait3A_455 = arith.constant 0 : i32
    %dma_wait3A_456 = arith.constant 0 : i32
    %dma_wait3A_457 = tpu.memref_slice %arg8[%dma_wait3A_455, %dma_wait3A_456] : memref<10112x48xf32, #tpu.memory_space<vmem_shared>> -> memref<10112x48xf32, #tpu.memory_space<vmem_shared>>
    %dma_wait3A_458 = tpu.memref_slice %arg11[%dma_wait3A_448] : memref<8x!tpu.dma_semaphore, #tpu.memory_space<semaphore_mem>> -> memref<1x!tpu.dma_semaphore, #tpu.memory_space<semaphore_mem>>
    %dma_wait3A_459 = tpu.memref_squeeze %dma_wait3A_458 : memref<1x!tpu.dma_semaphore, #tpu.memory_space<semaphore_mem>> -> memref<!tpu.dma_semaphore, #tpu.memory_space<semaphore_mem>>
    tpu.wait_indirect_dma semaphore(%dma_wait3A_459 : memref<!tpu.dma_semaphore, #tpu.memory_space<semaphore_mem>>) src(%dma_wait3A_452 : memref<128x48xf32, #tpu.memory_space<vmem>>) dst(%dma_wait3A_457 : memref<10112x48xf32, #tpu.memory_space<vmem_shared>>)
    %dma_wait3A_460 = arith.constant 7 : i32
    %dma_wait3A_461 = arith.constant 7 : i32
    %dma_wait3A_462 = arith.constant 0 : i32
    %dma_wait3A_463 = arith.constant 0 : i32
    %dma_wait3A_464 = tpu.memref_slice %arg7[%dma_wait3A_460, %dma_wait3A_462, %dma_wait3A_463] : memref<8x128x48xf32, #tpu.memory_space<vmem>> -> memref<1x128x48xf32, #tpu.memory_space<vmem>>
    %dma_wait3A_465 = tpu.memref_squeeze %dma_wait3A_464 : memref<1x128x48xf32, #tpu.memory_space<vmem>> -> memref<128x48xf32, #tpu.memory_space<vmem>>
    %dma_wait3A_466 = arith.constant 0 : i32
    %dma_wait3A_467 = tpu.memref_slice %arg6[%dma_wait3A_466] : memref<10240xi32, #tpu.memory_space<vmem>> -> memref<128xi32, #tpu.memory_space<vmem>>
    %dma_wait3A_468 = arith.constant 0 : i32
    %dma_wait3A_469 = arith.constant 0 : i32
    %dma_wait3A_470 = tpu.memref_slice %arg8[%dma_wait3A_468, %dma_wait3A_469] : memref<10112x48xf32, #tpu.memory_space<vmem_shared>> -> memref<10112x48xf32, #tpu.memory_space<vmem_shared>>
    %dma_wait3A_471 = tpu.memref_slice %arg11[%dma_wait3A_461] : memref<8x!tpu.dma_semaphore, #tpu.memory_space<semaphore_mem>> -> memref<1x!tpu.dma_semaphore, #tpu.memory_space<semaphore_mem>>
    %dma_wait3A_472 = tpu.memref_squeeze %dma_wait3A_471 : memref<1x!tpu.dma_semaphore, #tpu.memory_space<semaphore_mem>> -> memref<!tpu.dma_semaphore, #tpu.memory_space<semaphore_mem>>
    tpu.wait_indirect_dma semaphore(%dma_wait3A_472 : memref<!tpu.dma_semaphore, #tpu.memory_space<semaphore_mem>>) src(%dma_wait3A_465 : memref<128x48xf32, #tpu.memory_space<vmem>>) dst(%dma_wait3A_470 : memref<10112x48xf32, #tpu.memory_space<vmem_shared>>)
    %barrier3A_473 = arith.constant 0 : index
    tpu.barrier barrier_id(%barrier3A_473)
    %mul3A_474 = arith.constant 632 : i32
    %mul3A_475 = arith.muli %arg1, %mul3A_474 : i32
    %mul3A_476 = arith.constant 632 : i32
    %mul3A_477 = arith.muli %arg1, %mul3A_476 : i32
    "tpu.region"() ({
      %run_scoped3A_478 = tpu.sem_alloc : memref<!tpu.dma_semaphore, #tpu.memory_space<semaphore_mem>>
      %dma_start3A_479 = arith.constant 0 : i32
      %dma_start3A_480 = tpu.memref_slice %arg4[%arg0, %mul3A_477, %dma_start3A_479] : memref<2x10112x48xf32, #tpu.memory_space<hbm>> -> memref<1x632x48xf32, #tpu.memory_space<hbm>>
      %dma_start3A_481 = tpu.memref_squeeze %dma_start3A_480 : memref<1x632x48xf32, #tpu.memory_space<hbm>> -> memref<632x48xf32, #tpu.memory_space<hbm>>
      %dma_start3A_482 = arith.constant 0 : i32
      %dma_start3A_483 = tpu.memref_slice %arg8[%mul3A_475, %dma_start3A_482] : memref<10112x48xf32, #tpu.memory_space<vmem_shared>> -> memref<632x48xf32, #tpu.memory_space<vmem_shared>>
      tpu.enqueue_dma source(%dma_start3A_483 : memref<632x48xf32, #tpu.memory_space<vmem_shared>>) target(%dma_start3A_481 : memref<632x48xf32, #tpu.memory_space<hbm>>) target_semaphore(%run_scoped3A_478 : memref<!tpu.dma_semaphore, #tpu.memory_space<semaphore_mem>>)
      %dma_wait3A_484 = arith.constant 0 : i32
      %dma_wait3A_485 = tpu.memref_slice %arg4[%arg0, %mul3A_477, %dma_wait3A_484] : memref<2x10112x48xf32, #tpu.memory_space<hbm>> -> memref<1x632x48xf32, #tpu.memory_space<hbm>>
      %dma_wait3A_486 = tpu.memref_squeeze %dma_wait3A_485 : memref<1x632x48xf32, #tpu.memory_space<hbm>> -> memref<632x48xf32, #tpu.memory_space<hbm>>
      %dma_wait3A_487 = arith.constant 0 : i32
      %dma_wait3A_488 = tpu.memref_slice %arg8[%mul3A_475, %dma_wait3A_487] : memref<10112x48xf32, #tpu.memory_space<vmem_shared>> -> memref<632x48xf32, #tpu.memory_space<vmem_shared>>
      tpu.wait_dma2 semaphore(%run_scoped3A_478 : memref<!tpu.dma_semaphore, #tpu.memory_space<semaphore_mem>>) src(%dma_wait3A_488 : memref<632x48xf32, #tpu.memory_space<vmem_shared>>) dst(%dma_wait3A_486 : memref<632x48xf32, #tpu.memory_space<hbm>>)
      tpu.yield
    }) : () -> ()
    return
  }
}

#map = affine_map<(d0, d1) -> (0, 0)>
#map1 = affine_map<(d0, d1) -> (0, 0, 0)>
module attributes {stable_mosaic.version = 14 : i64} {
  func.func @k(%arg0: i32, %arg1: i32, %arg2: memref<2x320000xi32, #tpu.memory_space<hbm>>, %arg3: memref<10112x32xf32, #tpu.memory_space<hbm>>, %arg4: memref<2x10112x32xf32, #tpu.memory_space<hbm>>, %arg5: memref<10240xi32, #tpu.memory_space<vmem>>, %arg6: memref<10240xi32, #tpu.memory_space<vmem>>, %arg7: memref<8x128x32xf32, #tpu.memory_space<vmem>>, %arg8: memref<10112x32xf32, #tpu.memory_space<vmem_shared>>, %arg9: memref<10112x32xf32, #tpu.memory_space<vmem_shared>>, %arg10: memref<8x!tpu.dma_semaphore, #tpu.memory_space<semaphore_mem>>, %arg11: memref<8x!tpu.dma_semaphore, #tpu.memory_space<semaphore_mem>>) attributes {dimension_semantics = [#tpu.dimension_semantics<core_parallel>, #tpu.dimension_semantics<subcore_parallel>], iteration_bounds = array<i64: 2, 16>, scalar_prefetch = 0 : i64, scratch_operands = 7 : i64, tpu.core_type = #tpu.core_type<sc_vector_subcore>, window_params = [{transform_indices = #map}, {transform_indices = #map}, {transform_indices = #map1}]} {
    %mul3A = arith.constant 16 : i32
    %mul3A_0 = arith.muli %arg0, %mul3A : i32
    %add3A = arith.addi %mul3A_0, %arg1 : i32
    %mul3A_1 = arith.constant 10000 : i32
    %mul3A_2 = arith.muli %add3A, %mul3A_1 : i32
    %run_scoped3A = arith.constant 0 : i32
    "tpu.region"() ({
      %run_scoped3A_478 = tpu.sem_alloc : memref<!tpu.dma_semaphore, #tpu.memory_space<semaphore_mem>>
      %dma_start3A_479 = arith.constant 0 : i32
      %dma_start3A_480 = tpu.memref_slice %arg5[%dma_start3A_479] : memref<10240xi32, #tpu.memory_space<vmem>> -> memref<10000xi32, #tpu.memory_space<vmem>>
      %dma_start3A_481 = tpu.memref_slice %arg2[%run_scoped3A, %mul3A_2] : memref<2x320000xi32, #tpu.memory_space<hbm>> -> memref<1x10000xi32, #tpu.memory_space<hbm>>
      %dma_start3A_482 = tpu.memref_squeeze %dma_start3A_481 : memref<1x10000xi32, #tpu.memory_space<hbm>> -> memref<10000xi32, #tpu.memory_space<hbm>>
      %dma_start3A_483 = arith.constant 0 : i32
      %dma_start3A_484 = tpu.memref_slice %arg5[%dma_start3A_483] : memref<10240xi32, #tpu.memory_space<vmem>> -> memref<10000xi32, #tpu.memory_space<vmem>>
      %dma_start3A_485 = tpu.memref_slice %arg2[%run_scoped3A, %mul3A_2] : memref<2x320000xi32, #tpu.memory_space<hbm>> -> memref<1x10000xi32, #tpu.memory_space<hbm>>
      %dma_start3A_486 = tpu.memref_squeeze %dma_start3A_485 : memref<1x10000xi32, #tpu.memory_space<hbm>> -> memref<10000xi32, #tpu.memory_space<hbm>>
      tpu.enqueue_dma source(%dma_start3A_486 : memref<10000xi32, #tpu.memory_space<hbm>>) target(%dma_start3A_484 : memref<10000xi32, #tpu.memory_space<vmem>>) target_semaphore(%run_scoped3A_478 : memref<!tpu.dma_semaphore, #tpu.memory_space<semaphore_mem>>)
      %dma_wait3A_487 = arith.constant 0 : i32
      %dma_wait3A_488 = tpu.memref_slice %arg5[%dma_wait3A_487] : memref<10240xi32, #tpu.memory_space<vmem>> -> memref<10000xi32, #tpu.memory_space<vmem>>
      %dma_wait3A_489 = tpu.memref_slice %arg2[%run_scoped3A, %mul3A_2] : memref<2x320000xi32, #tpu.memory_space<hbm>> -> memref<1x10000xi32, #tpu.memory_space<hbm>>
      %dma_wait3A_490 = tpu.memref_squeeze %dma_wait3A_489 : memref<1x10000xi32, #tpu.memory_space<hbm>> -> memref<10000xi32, #tpu.memory_space<hbm>>
      %dma_wait3A_491 = arith.constant 0 : i32
      %dma_wait3A_492 = tpu.memref_slice %arg5[%dma_wait3A_491] : memref<10240xi32, #tpu.memory_space<vmem>> -> memref<10000xi32, #tpu.memory_space<vmem>>
      %dma_wait3A_493 = tpu.memref_slice %arg2[%run_scoped3A, %mul3A_2] : memref<2x320000xi32, #tpu.memory_space<hbm>> -> memref<1x10000xi32, #tpu.memory_space<hbm>>
      %dma_wait3A_494 = tpu.memref_squeeze %dma_wait3A_493 : memref<1x10000xi32, #tpu.memory_space<hbm>> -> memref<10000xi32, #tpu.memory_space<hbm>>
      tpu.wait_dma2 semaphore(%run_scoped3A_478 : memref<!tpu.dma_semaphore, #tpu.memory_space<semaphore_mem>>) src(%dma_wait3A_494 : memref<10000xi32, #tpu.memory_space<hbm>>) dst(%dma_wait3A_492 : memref<10000xi32, #tpu.memory_space<vmem>>)
      tpu.yield
    }) : () -> ()
    %iota3A = tpu.iota {dimensions = array<i32: 0>} : vector<16xi32>
    %add3A_3 = arith.constant 10000 : i32
    %add3A_4 = vector.broadcast %add3A_3 : i32 to vector<16xi32>
    %add3A_5 = arith.addi %add3A_4, %iota3A : vector<16xi32>
    %add3A_6 = arith.constant 0 : i32
    %add3A_7 = vector.broadcast %add3A_6 : i32 to vector<16xi32>
    %add3A_8 = arith.addi %add3A_5, %add3A_7 : vector<16xi32>
    %swap3A = arith.constant 10000 : index
    %swap3A_9 = tpu.vector_load %arg5[%swap3A] {strides = array<i32>} : memref<10240xi32, #tpu.memory_space<vmem>>, vector<16xi32>,
    %swap3A_10 = vector.shape_cast %swap3A_9 : vector<16xi32> to vector<16xi32>
    %swap3A_11 = vector.shape_cast %add3A_8 : vector<16xi32> to vector<16xi32>
    tpu.vector_store %arg5[%swap3A], %swap3A_11 {strides = array<i32>} : memref<10240xi32, #tpu.memory_space<vmem>>, vector<16xi32>,
    %add3A_12 = arith.constant 10000 : i32
    %add3A_13 = vector.broadcast %add3A_12 : i32 to vector<16xi32>
    %add3A_14 = arith.addi %add3A_13, %iota3A : vector<16xi32>
    %add3A_15 = arith.constant 16 : i32
    %add3A_16 = vector.broadcast %add3A_15 : i32 to vector<16xi32>
    %add3A_17 = arith.addi %add3A_14, %add3A_16 : vector<16xi32>
    %swap3A_18 = arith.constant 10016 : index
    %swap3A_19 = tpu.vector_load %arg5[%swap3A_18] {strides = array<i32>} : memref<10240xi32, #tpu.memory_space<vmem>>, vector<16xi32>,
    %swap3A_20 = vector.shape_cast %swap3A_19 : vector<16xi32> to vector<16xi32>
    %swap3A_21 = vector.shape_cast %add3A_17 : vector<16xi32> to vector<16xi32>
    tpu.vector_store %arg5[%swap3A_18], %swap3A_21 {strides = array<i32>} : memref<10240xi32, #tpu.memory_space<vmem>>, vector<16xi32>,
    %add3A_22 = arith.constant 10000 : i32
    %add3A_23 = vector.broadcast %add3A_22 : i32 to vector<16xi32>
    %add3A_24 = arith.addi %add3A_23, %iota3A : vector<16xi32>
    %add3A_25 = arith.constant 32 : i32
    %add3A_26 = vector.broadcast %add3A_25 : i32 to vector<16xi32>
    %add3A_27 = arith.addi %add3A_24, %add3A_26 : vector<16xi32>
    %swap3A_28 = arith.constant 10032 : index
    %swap3A_29 = tpu.vector_load %arg5[%swap3A_28] {strides = array<i32>} : memref<10240xi32, #tpu.memory_space<vmem>>, vector<16xi32>,
    %swap3A_30 = vector.shape_cast %swap3A_29 : vector<16xi32> to vector<16xi32>
    %swap3A_31 = vector.shape_cast %add3A_27 : vector<16xi32> to vector<16xi32>
    tpu.vector_store %arg5[%swap3A_28], %swap3A_31 {strides = array<i32>} : memref<10240xi32, #tpu.memory_space<vmem>>, vector<16xi32>,
    %add3A_32 = arith.constant 10000 : i32
    %add3A_33 = vector.broadcast %add3A_32 : i32 to vector<16xi32>
    %add3A_34 = arith.addi %add3A_33, %iota3A : vector<16xi32>
    %add3A_35 = arith.constant 48 : i32
    %add3A_36 = vector.broadcast %add3A_35 : i32 to vector<16xi32>
    %add3A_37 = arith.addi %add3A_34, %add3A_36 : vector<16xi32>
    %swap3A_38 = arith.constant 10048 : index
    %swap3A_39 = tpu.vector_load %arg5[%swap3A_38] {strides = array<i32>} : memref<10240xi32, #tpu.memory_space<vmem>>, vector<16xi32>,
    %swap3A_40 = vector.shape_cast %swap3A_39 : vector<16xi32> to vector<16xi32>
    %swap3A_41 = vector.shape_cast %add3A_37 : vector<16xi32> to vector<16xi32>
    tpu.vector_store %arg5[%swap3A_38], %swap3A_41 {strides = array<i32>} : memref<10240xi32, #tpu.memory_space<vmem>>, vector<16xi32>,
    %add3A_42 = arith.constant 10000 : i32
    %add3A_43 = vector.broadcast %add3A_42 : i32 to vector<16xi32>
    %add3A_44 = arith.addi %add3A_43, %iota3A : vector<16xi32>
    %add3A_45 = arith.constant 64 : i32
    %add3A_46 = vector.broadcast %add3A_45 : i32 to vector<16xi32>
    %add3A_47 = arith.addi %add3A_44, %add3A_46 : vector<16xi32>
    %swap3A_48 = arith.constant 10064 : index
    %swap3A_49 = tpu.vector_load %arg5[%swap3A_48] {strides = array<i32>} : memref<10240xi32, #tpu.memory_space<vmem>>, vector<16xi32>,
    %swap3A_50 = vector.shape_cast %swap3A_49 : vector<16xi32> to vector<16xi32>
    %swap3A_51 = vector.shape_cast %add3A_47 : vector<16xi32> to vector<16xi32>
    tpu.vector_store %arg5[%swap3A_48], %swap3A_51 {strides = array<i32>} : memref<10240xi32, #tpu.memory_space<vmem>>, vector<16xi32>,
    %add3A_52 = arith.constant 10000 : i32
    %add3A_53 = vector.broadcast %add3A_52 : i32 to vector<16xi32>
    %add3A_54 = arith.addi %add3A_53, %iota3A : vector<16xi32>
    %add3A_55 = arith.constant 80 : i32
    %add3A_56 = vector.broadcast %add3A_55 : i32 to vector<16xi32>
    %add3A_57 = arith.addi %add3A_54, %add3A_56 : vector<16xi32>
    %swap3A_58 = arith.constant 10080 : index
    %swap3A_59 = tpu.vector_load %arg5[%swap3A_58] {strides = array<i32>} : memref<10240xi32, #tpu.memory_space<vmem>>, vector<16xi32>,
    %swap3A_60 = vector.shape_cast %swap3A_59 : vector<16xi32> to vector<16xi32>
    %swap3A_61 = vector.shape_cast %add3A_57 : vector<16xi32> to vector<16xi32>
    tpu.vector_store %arg5[%swap3A_58], %swap3A_61 {strides = array<i32>} : memref<10240xi32, #tpu.memory_space<vmem>>, vector<16xi32>,
    %add3A_62 = arith.constant 10000 : i32
    %add3A_63 = vector.broadcast %add3A_62 : i32 to vector<16xi32>
    %add3A_64 = arith.addi %add3A_63, %iota3A : vector<16xi32>
    %add3A_65 = arith.constant 96 : i32
    %add3A_66 = vector.broadcast %add3A_65 : i32 to vector<16xi32>
    %add3A_67 = arith.addi %add3A_64, %add3A_66 : vector<16xi32>
    %swap3A_68 = arith.constant 10096 : index
    %swap3A_69 = tpu.vector_load %arg5[%swap3A_68] {strides = array<i32>} : memref<10240xi32, #tpu.memory_space<vmem>>, vector<16xi32>,
    %swap3A_70 = vector.shape_cast %swap3A_69 : vector<16xi32> to vector<16xi32>
    %swap3A_71 = vector.shape_cast %add3A_67 : vector<16xi32> to vector<16xi32>
    tpu.vector_store %arg5[%swap3A_68], %swap3A_71 {strides = array<i32>} : memref<10240xi32, #tpu.memory_space<vmem>>, vector<16xi32>,
    %add3A_72 = arith.constant 10000 : i32
    %add3A_73 = vector.broadcast %add3A_72 : i32 to vector<16xi32>
    %add3A_74 = arith.addi %add3A_73, %iota3A : vector<16xi32>
    %add3A_75 = arith.constant 0 : i32
    %add3A_76 = vector.broadcast %add3A_75 : i32 to vector<16xi32>
    %add3A_77 = arith.addi %add3A_74, %add3A_76 : vector<16xi32>
    %swap3A_78 = arith.constant 10112 : index
    %swap3A_79 = tpu.vector_load %arg5[%swap3A_78] {strides = array<i32>} : memref<10240xi32, #tpu.memory_space<vmem>>, vector<16xi32>,
    %swap3A_80 = vector.shape_cast %swap3A_79 : vector<16xi32> to vector<16xi32>
    %swap3A_81 = vector.shape_cast %add3A_77 : vector<16xi32> to vector<16xi32>
    tpu.vector_store %arg5[%swap3A_78], %swap3A_81 {strides = array<i32>} : memref<10240xi32, #tpu.memory_space<vmem>>, vector<16xi32>,
    %add3A_82 = arith.constant 10000 : i32
    %add3A_83 = vector.broadcast %add3A_82 : i32 to vector<16xi32>
    %add3A_84 = arith.addi %add3A_83, %iota3A : vector<16xi32>
    %add3A_85 = arith.constant 16 : i32
    %add3A_86 = vector.broadcast %add3A_85 : i32 to vector<16xi32>
    %add3A_87 = arith.addi %add3A_84, %add3A_86 : vector<16xi32>
    %swap3A_88 = arith.constant 10128 : index
    %swap3A_89 = tpu.vector_load %arg5[%swap3A_88] {strides = array<i32>} : memref<10240xi32, #tpu.memory_space<vmem>>, vector<16xi32>,
    %swap3A_90 = vector.shape_cast %swap3A_89 : vector<16xi32> to vector<16xi32>
    %swap3A_91 = vector.shape_cast %add3A_87 : vector<16xi32> to vector<16xi32>
    tpu.vector_store %arg5[%swap3A_88], %swap3A_91 {strides = array<i32>} : memref<10240xi32, #tpu.memory_space<vmem>>, vector<16xi32>,
    %add3A_92 = arith.constant 10000 : i32
    %add3A_93 = vector.broadcast %add3A_92 : i32 to vector<16xi32>
    %add3A_94 = arith.addi %add3A_93, %iota3A : vector<16xi32>
    %add3A_95 = arith.constant 32 : i32
    %add3A_96 = vector.broadcast %add3A_95 : i32 to vector<16xi32>
    %add3A_97 = arith.addi %add3A_94, %add3A_96 : vector<16xi32>
    %swap3A_98 = arith.constant 10144 : index
    %swap3A_99 = tpu.vector_load %arg5[%swap3A_98] {strides = array<i32>} : memref<10240xi32, #tpu.memory_space<vmem>>, vector<16xi32>,
    %swap3A_100 = vector.shape_cast %swap3A_99 : vector<16xi32> to vector<16xi32>
    %swap3A_101 = vector.shape_cast %add3A_97 : vector<16xi32> to vector<16xi32>
    tpu.vector_store %arg5[%swap3A_98], %swap3A_101 {strides = array<i32>} : memref<10240xi32, #tpu.memory_space<vmem>>, vector<16xi32>,
    %add3A_102 = arith.constant 10000 : i32
    %add3A_103 = vector.broadcast %add3A_102 : i32 to vector<16xi32>
    %add3A_104 = arith.addi %add3A_103, %iota3A : vector<16xi32>
    %add3A_105 = arith.constant 48 : i32
    %add3A_106 = vector.broadcast %add3A_105 : i32 to vector<16xi32>
    %add3A_107 = arith.addi %add3A_104, %add3A_106 : vector<16xi32>
    %swap3A_108 = arith.constant 10160 : index
    %swap3A_109 = tpu.vector_load %arg5[%swap3A_108] {strides = array<i32>} : memref<10240xi32, #tpu.memory_space<vmem>>, vector<16xi32>,
    %swap3A_110 = vector.shape_cast %swap3A_109 : vector<16xi32> to vector<16xi32>
    %swap3A_111 = vector.shape_cast %add3A_107 : vector<16xi32> to vector<16xi32>
    tpu.vector_store %arg5[%swap3A_108], %swap3A_111 {strides = array<i32>} : memref<10240xi32, #tpu.memory_space<vmem>>, vector<16xi32>,
    %add3A_112 = arith.constant 10000 : i32
    %add3A_113 = vector.broadcast %add3A_112 : i32 to vector<16xi32>
    %add3A_114 = arith.addi %add3A_113, %iota3A : vector<16xi32>
    %add3A_115 = arith.constant 64 : i32
    %add3A_116 = vector.broadcast %add3A_115 : i32 to vector<16xi32>
    %add3A_117 = arith.addi %add3A_114, %add3A_116 : vector<16xi32>
    %swap3A_118 = arith.constant 10176 : index
    %swap3A_119 = tpu.vector_load %arg5[%swap3A_118] {strides = array<i32>} : memref<10240xi32, #tpu.memory_space<vmem>>, vector<16xi32>,
    %swap3A_120 = vector.shape_cast %swap3A_119 : vector<16xi32> to vector<16xi32>
    %swap3A_121 = vector.shape_cast %add3A_117 : vector<16xi32> to vector<16xi32>
    tpu.vector_store %arg5[%swap3A_118], %swap3A_121 {strides = array<i32>} : memref<10240xi32, #tpu.memory_space<vmem>>, vector<16xi32>,
    %add3A_122 = arith.constant 10000 : i32
    %add3A_123 = vector.broadcast %add3A_122 : i32 to vector<16xi32>
    %add3A_124 = arith.addi %add3A_123, %iota3A : vector<16xi32>
    %add3A_125 = arith.constant 80 : i32
    %add3A_126 = vector.broadcast %add3A_125 : i32 to vector<16xi32>
    %add3A_127 = arith.addi %add3A_124, %add3A_126 : vector<16xi32>
    %swap3A_128 = arith.constant 10192 : index
    %swap3A_129 = tpu.vector_load %arg5[%swap3A_128] {strides = array<i32>} : memref<10240xi32, #tpu.memory_space<vmem>>, vector<16xi32>,
    %swap3A_130 = vector.shape_cast %swap3A_129 : vector<16xi32> to vector<16xi32>
    %swap3A_131 = vector.shape_cast %add3A_127 : vector<16xi32> to vector<16xi32>
    tpu.vector_store %arg5[%swap3A_128], %swap3A_131 {strides = array<i32>} : memref<10240xi32, #tpu.memory_space<vmem>>, vector<16xi32>,
    %add3A_132 = arith.constant 10000 : i32
    %add3A_133 = vector.broadcast %add3A_132 : i32 to vector<16xi32>
    %add3A_134 = arith.addi %add3A_133, %iota3A : vector<16xi32>
    %add3A_135 = arith.constant 96 : i32
    %add3A_136 = vector.broadcast %add3A_135 : i32 to vector<16xi32>
    %add3A_137 = arith.addi %add3A_134, %add3A_136 : vector<16xi32>
    %swap3A_138 = arith.constant 10208 : index
    %swap3A_139 = tpu.vector_load %arg5[%swap3A_138] {strides = array<i32>} : memref<10240xi32, #tpu.memory_space<vmem>>, vector<16xi32>,
    %swap3A_140 = vector.shape_cast %swap3A_139 : vector<16xi32> to vector<16xi32>
    %swap3A_141 = vector.shape_cast %add3A_137 : vector<16xi32> to vector<16xi32>
    tpu.vector_store %arg5[%swap3A_138], %swap3A_141 {strides = array<i32>} : memref<10240xi32, #tpu.memory_space<vmem>>, vector<16xi32>,
    %add3A_142 = arith.constant 10000 : i32
    %add3A_143 = vector.broadcast %add3A_142 : i32 to vector<16xi32>
    %add3A_144 = arith.addi %add3A_143, %iota3A : vector<16xi32>
    %add3A_145 = arith.constant 0 : i32
    %add3A_146 = vector.broadcast %add3A_145 : i32 to vector<16xi32>
    %add3A_147 = arith.addi %add3A_144, %add3A_146 : vector<16xi32>
    %swap3A_148 = arith.constant 10224 : index
    %swap3A_149 = tpu.vector_load %arg5[%swap3A_148] {strides = array<i32>} : memref<10240xi32, #tpu.memory_space<vmem>>, vector<16xi32>,
    %swap3A_150 = vector.shape_cast %swap3A_149 : vector<16xi32> to vector<16xi32>
    %swap3A_151 = vector.shape_cast %add3A_147 : vector<16xi32> to vector<16xi32>
    tpu.vector_store %arg5[%swap3A_148], %swap3A_151 {strides = array<i32>} : memref<10240xi32, #tpu.memory_space<vmem>>, vector<16xi32>,
    %mul3A_152 = arith.constant 10000 : i32
    %mul3A_153 = arith.muli %add3A, %mul3A_152 : i32
    %run_scoped3A_154 = arith.constant 1 : i32
    "tpu.region"() ({
      %run_scoped3A_478 = tpu.sem_alloc : memref<!tpu.dma_semaphore, #tpu.memory_space<semaphore_mem>>
      %dma_start3A_479 = arith.constant 0 : i32
      %dma_start3A_480 = tpu.memref_slice %arg6[%dma_start3A_479] : memref<10240xi32, #tpu.memory_space<vmem>> -> memref<10000xi32, #tpu.memory_space<vmem>>
      %dma_start3A_481 = tpu.memref_slice %arg2[%run_scoped3A_154, %mul3A_153] : memref<2x320000xi32, #tpu.memory_space<hbm>> -> memref<1x10000xi32, #tpu.memory_space<hbm>>
      %dma_start3A_482 = tpu.memref_squeeze %dma_start3A_481 : memref<1x10000xi32, #tpu.memory_space<hbm>> -> memref<10000xi32, #tpu.memory_space<hbm>>
      %dma_start3A_483 = arith.constant 0 : i32
      %dma_start3A_484 = tpu.memref_slice %arg6[%dma_start3A_483] : memref<10240xi32, #tpu.memory_space<vmem>> -> memref<10000xi32, #tpu.memory_space<vmem>>
      %dma_start3A_485 = tpu.memref_slice %arg2[%run_scoped3A_154, %mul3A_153] : memref<2x320000xi32, #tpu.memory_space<hbm>> -> memref<1x10000xi32, #tpu.memory_space<hbm>>
      %dma_start3A_486 = tpu.memref_squeeze %dma_start3A_485 : memref<1x10000xi32, #tpu.memory_space<hbm>> -> memref<10000xi32, #tpu.memory_space<hbm>>
      tpu.enqueue_dma source(%dma_start3A_486 : memref<10000xi32, #tpu.memory_space<hbm>>) target(%dma_start3A_484 : memref<10000xi32, #tpu.memory_space<vmem>>) target_semaphore(%run_scoped3A_478 : memref<!tpu.dma_semaphore, #tpu.memory_space<semaphore_mem>>)
      %dma_wait3A_487 = arith.constant 0 : i32
      %dma_wait3A_488 = tpu.memref_slice %arg6[%dma_wait3A_487] : memref<10240xi32, #tpu.memory_space<vmem>> -> memref<10000xi32, #tpu.memory_space<vmem>>
      %dma_wait3A_489 = tpu.memref_slice %arg2[%run_scoped3A_154, %mul3A_153] : memref<2x320000xi32, #tpu.memory_space<hbm>> -> memref<1x10000xi32, #tpu.memory_space<hbm>>
      %dma_wait3A_490 = tpu.memref_squeeze %dma_wait3A_489 : memref<1x10000xi32, #tpu.memory_space<hbm>> -> memref<10000xi32, #tpu.memory_space<hbm>>
      %dma_wait3A_491 = arith.constant 0 : i32
      %dma_wait3A_492 = tpu.memref_slice %arg6[%dma_wait3A_491] : memref<10240xi32, #tpu.memory_space<vmem>> -> memref<10000xi32, #tpu.memory_space<vmem>>
      %dma_wait3A_493 = tpu.memref_slice %arg2[%run_scoped3A_154, %mul3A_153] : memref<2x320000xi32, #tpu.memory_space<hbm>> -> memref<1x10000xi32, #tpu.memory_space<hbm>>
      %dma_wait3A_494 = tpu.memref_squeeze %dma_wait3A_493 : memref<1x10000xi32, #tpu.memory_space<hbm>> -> memref<10000xi32, #tpu.memory_space<hbm>>
      tpu.wait_dma2 semaphore(%run_scoped3A_478 : memref<!tpu.dma_semaphore, #tpu.memory_space<semaphore_mem>>) src(%dma_wait3A_494 : memref<10000xi32, #tpu.memory_space<hbm>>) dst(%dma_wait3A_492 : memref<10000xi32, #tpu.memory_space<vmem>>)
      tpu.yield
    }) : () -> ()
    %iota3A_155 = tpu.iota {dimensions = array<i32: 0>} : vector<16xi32>
    %add3A_156 = arith.constant 10000 : i32
    %add3A_157 = vector.broadcast %add3A_156 : i32 to vector<16xi32>
    %add3A_158 = arith.addi %add3A_157, %iota3A_155 : vector<16xi32>
    %add3A_159 = arith.constant 0 : i32
    %add3A_160 = vector.broadcast %add3A_159 : i32 to vector<16xi32>
    %add3A_161 = arith.addi %add3A_158, %add3A_160 : vector<16xi32>
    %swap3A_162 = arith.constant 10000 : index
    %swap3A_163 = tpu.vector_load %arg6[%swap3A_162] {strides = array<i32>} : memref<10240xi32, #tpu.memory_space<vmem>>, vector<16xi32>,
    %swap3A_164 = vector.shape_cast %swap3A_163 : vector<16xi32> to vector<16xi32>
    %swap3A_165 = vector.shape_cast %add3A_161 : vector<16xi32> to vector<16xi32>
    tpu.vector_store %arg6[%swap3A_162], %swap3A_165 {strides = array<i32>} : memref<10240xi32, #tpu.memory_space<vmem>>, vector<16xi32>,
    %add3A_166 = arith.constant 10000 : i32
    %add3A_167 = vector.broadcast %add3A_166 : i32 to vector<16xi32>
    %add3A_168 = arith.addi %add3A_167, %iota3A_155 : vector<16xi32>
    %add3A_169 = arith.constant 16 : i32
    %add3A_170 = vector.broadcast %add3A_169 : i32 to vector<16xi32>
    %add3A_171 = arith.addi %add3A_168, %add3A_170 : vector<16xi32>
    %swap3A_172 = arith.constant 10016 : index
    %swap3A_173 = tpu.vector_load %arg6[%swap3A_172] {strides = array<i32>} : memref<10240xi32, #tpu.memory_space<vmem>>, vector<16xi32>,
    %swap3A_174 = vector.shape_cast %swap3A_173 : vector<16xi32> to vector<16xi32>
    %swap3A_175 = vector.shape_cast %add3A_171 : vector<16xi32> to vector<16xi32>
    tpu.vector_store %arg6[%swap3A_172], %swap3A_175 {strides = array<i32>} : memref<10240xi32, #tpu.memory_space<vmem>>, vector<16xi32>,
    %add3A_176 = arith.constant 10000 : i32
    %add3A_177 = vector.broadcast %add3A_176 : i32 to vector<16xi32>
    %add3A_178 = arith.addi %add3A_177, %iota3A_155 : vector<16xi32>
    %add3A_179 = arith.constant 32 : i32
    %add3A_180 = vector.broadcast %add3A_179 : i32 to vector<16xi32>
    %add3A_181 = arith.addi %add3A_178, %add3A_180 : vector<16xi32>
    %swap3A_182 = arith.constant 10032 : index
    %swap3A_183 = tpu.vector_load %arg6[%swap3A_182] {strides = array<i32>} : memref<10240xi32, #tpu.memory_space<vmem>>, vector<16xi32>,
    %swap3A_184 = vector.shape_cast %swap3A_183 : vector<16xi32> to vector<16xi32>
    %swap3A_185 = vector.shape_cast %add3A_181 : vector<16xi32> to vector<16xi32>
    tpu.vector_store %arg6[%swap3A_182], %swap3A_185 {strides = array<i32>} : memref<10240xi32, #tpu.memory_space<vmem>>, vector<16xi32>,
    %add3A_186 = arith.constant 10000 : i32
    %add3A_187 = vector.broadcast %add3A_186 : i32 to vector<16xi32>
    %add3A_188 = arith.addi %add3A_187, %iota3A_155 : vector<16xi32>
    %add3A_189 = arith.constant 48 : i32
    %add3A_190 = vector.broadcast %add3A_189 : i32 to vector<16xi32>
    %add3A_191 = arith.addi %add3A_188, %add3A_190 : vector<16xi32>
    %swap3A_192 = arith.constant 10048 : index
    %swap3A_193 = tpu.vector_load %arg6[%swap3A_192] {strides = array<i32>} : memref<10240xi32, #tpu.memory_space<vmem>>, vector<16xi32>,
    %swap3A_194 = vector.shape_cast %swap3A_193 : vector<16xi32> to vector<16xi32>
    %swap3A_195 = vector.shape_cast %add3A_191 : vector<16xi32> to vector<16xi32>
    tpu.vector_store %arg6[%swap3A_192], %swap3A_195 {strides = array<i32>} : memref<10240xi32, #tpu.memory_space<vmem>>, vector<16xi32>,
    %add3A_196 = arith.constant 10000 : i32
    %add3A_197 = vector.broadcast %add3A_196 : i32 to vector<16xi32>
    %add3A_198 = arith.addi %add3A_197, %iota3A_155 : vector<16xi32>
    %add3A_199 = arith.constant 64 : i32
    %add3A_200 = vector.broadcast %add3A_199 : i32 to vector<16xi32>
    %add3A_201 = arith.addi %add3A_198, %add3A_200 : vector<16xi32>
    %swap3A_202 = arith.constant 10064 : index
    %swap3A_203 = tpu.vector_load %arg6[%swap3A_202] {strides = array<i32>} : memref<10240xi32, #tpu.memory_space<vmem>>, vector<16xi32>,
    %swap3A_204 = vector.shape_cast %swap3A_203 : vector<16xi32> to vector<16xi32>
    %swap3A_205 = vector.shape_cast %add3A_201 : vector<16xi32> to vector<16xi32>
    tpu.vector_store %arg6[%swap3A_202], %swap3A_205 {strides = array<i32>} : memref<10240xi32, #tpu.memory_space<vmem>>, vector<16xi32>,
    %add3A_206 = arith.constant 10000 : i32
    %add3A_207 = vector.broadcast %add3A_206 : i32 to vector<16xi32>
    %add3A_208 = arith.addi %add3A_207, %iota3A_155 : vector<16xi32>
    %add3A_209 = arith.constant 80 : i32
    %add3A_210 = vector.broadcast %add3A_209 : i32 to vector<16xi32>
    %add3A_211 = arith.addi %add3A_208, %add3A_210 : vector<16xi32>
    %swap3A_212 = arith.constant 10080 : index
    %swap3A_213 = tpu.vector_load %arg6[%swap3A_212] {strides = array<i32>} : memref<10240xi32, #tpu.memory_space<vmem>>, vector<16xi32>,
    %swap3A_214 = vector.shape_cast %swap3A_213 : vector<16xi32> to vector<16xi32>
    %swap3A_215 = vector.shape_cast %add3A_211 : vector<16xi32> to vector<16xi32>
    tpu.vector_store %arg6[%swap3A_212], %swap3A_215 {strides = array<i32>} : memref<10240xi32, #tpu.memory_space<vmem>>, vector<16xi32>,
    %add3A_216 = arith.constant 10000 : i32
    %add3A_217 = vector.broadcast %add3A_216 : i32 to vector<16xi32>
    %add3A_218 = arith.addi %add3A_217, %iota3A_155 : vector<16xi32>
    %add3A_219 = arith.constant 96 : i32
    %add3A_220 = vector.broadcast %add3A_219 : i32 to vector<16xi32>
    %add3A_221 = arith.addi %add3A_218, %add3A_220 : vector<16xi32>
    %swap3A_222 = arith.constant 10096 : index
    %swap3A_223 = tpu.vector_load %arg6[%swap3A_222] {strides = array<i32>} : memref<10240xi32, #tpu.memory_space<vmem>>, vector<16xi32>,
    %swap3A_224 = vector.shape_cast %swap3A_223 : vector<16xi32> to vector<16xi32>
    %swap3A_225 = vector.shape_cast %add3A_221 : vector<16xi32> to vector<16xi32>
    tpu.vector_store %arg6[%swap3A_222], %swap3A_225 {strides = array<i32>} : memref<10240xi32, #tpu.memory_space<vmem>>, vector<16xi32>,
    %add3A_226 = arith.constant 10000 : i32
    %add3A_227 = vector.broadcast %add3A_226 : i32 to vector<16xi32>
    %add3A_228 = arith.addi %add3A_227, %iota3A_155 : vector<16xi32>
    %add3A_229 = arith.constant 0 : i32
    %add3A_230 = vector.broadcast %add3A_229 : i32 to vector<16xi32>
    %add3A_231 = arith.addi %add3A_228, %add3A_230 : vector<16xi32>
    %swap3A_232 = arith.constant 10112 : index
    %swap3A_233 = tpu.vector_load %arg6[%swap3A_232] {strides = array<i32>} : memref<10240xi32, #tpu.memory_space<vmem>>, vector<16xi32>,
    %swap3A_234 = vector.shape_cast %swap3A_233 : vector<16xi32> to vector<16xi32>
    %swap3A_235 = vector.shape_cast %add3A_231 : vector<16xi32> to vector<16xi32>
    tpu.vector_store %arg6[%swap3A_232], %swap3A_235 {strides = array<i32>} : memref<10240xi32, #tpu.memory_space<vmem>>, vector<16xi32>,
    %add3A_236 = arith.constant 10000 : i32
    %add3A_237 = vector.broadcast %add3A_236 : i32 to vector<16xi32>
    %add3A_238 = arith.addi %add3A_237, %iota3A_155 : vector<16xi32>
    %add3A_239 = arith.constant 16 : i32
    %add3A_240 = vector.broadcast %add3A_239 : i32 to vector<16xi32>
    %add3A_241 = arith.addi %add3A_238, %add3A_240 : vector<16xi32>
    %swap3A_242 = arith.constant 10128 : index
    %swap3A_243 = tpu.vector_load %arg6[%swap3A_242] {strides = array<i32>} : memref<10240xi32, #tpu.memory_space<vmem>>, vector<16xi32>,
    %swap3A_244 = vector.shape_cast %swap3A_243 : vector<16xi32> to vector<16xi32>
    %swap3A_245 = vector.shape_cast %add3A_241 : vector<16xi32> to vector<16xi32>
    tpu.vector_store %arg6[%swap3A_242], %swap3A_245 {strides = array<i32>} : memref<10240xi32, #tpu.memory_space<vmem>>, vector<16xi32>,
    %add3A_246 = arith.constant 10000 : i32
    %add3A_247 = vector.broadcast %add3A_246 : i32 to vector<16xi32>
    %add3A_248 = arith.addi %add3A_247, %iota3A_155 : vector<16xi32>
    %add3A_249 = arith.constant 32 : i32
    %add3A_250 = vector.broadcast %add3A_249 : i32 to vector<16xi32>
    %add3A_251 = arith.addi %add3A_248, %add3A_250 : vector<16xi32>
    %swap3A_252 = arith.constant 10144 : index
    %swap3A_253 = tpu.vector_load %arg6[%swap3A_252] {strides = array<i32>} : memref<10240xi32, #tpu.memory_space<vmem>>, vector<16xi32>,
    %swap3A_254 = vector.shape_cast %swap3A_253 : vector<16xi32> to vector<16xi32>
    %swap3A_255 = vector.shape_cast %add3A_251 : vector<16xi32> to vector<16xi32>
    tpu.vector_store %arg6[%swap3A_252], %swap3A_255 {strides = array<i32>} : memref<10240xi32, #tpu.memory_space<vmem>>, vector<16xi32>,
    %add3A_256 = arith.constant 10000 : i32
    %add3A_257 = vector.broadcast %add3A_256 : i32 to vector<16xi32>
    %add3A_258 = arith.addi %add3A_257, %iota3A_155 : vector<16xi32>
    %add3A_259 = arith.constant 48 : i32
    %add3A_260 = vector.broadcast %add3A_259 : i32 to vector<16xi32>
    %add3A_261 = arith.addi %add3A_258, %add3A_260 : vector<16xi32>
    %swap3A_262 = arith.constant 10160 : index
    %swap3A_263 = tpu.vector_load %arg6[%swap3A_262] {strides = array<i32>} : memref<10240xi32, #tpu.memory_space<vmem>>, vector<16xi32>,
    %swap3A_264 = vector.shape_cast %swap3A_263 : vector<16xi32> to vector<16xi32>
    %swap3A_265 = vector.shape_cast %add3A_261 : vector<16xi32> to vector<16xi32>
    tpu.vector_store %arg6[%swap3A_262], %swap3A_265 {strides = array<i32>} : memref<10240xi32, #tpu.memory_space<vmem>>, vector<16xi32>,
    %add3A_266 = arith.constant 10000 : i32
    %add3A_267 = vector.broadcast %add3A_266 : i32 to vector<16xi32>
    %add3A_268 = arith.addi %add3A_267, %iota3A_155 : vector<16xi32>
    %add3A_269 = arith.constant 64 : i32
    %add3A_270 = vector.broadcast %add3A_269 : i32 to vector<16xi32>
    %add3A_271 = arith.addi %add3A_268, %add3A_270 : vector<16xi32>
    %swap3A_272 = arith.constant 10176 : index
    %swap3A_273 = tpu.vector_load %arg6[%swap3A_272] {strides = array<i32>} : memref<10240xi32, #tpu.memory_space<vmem>>, vector<16xi32>,
    %swap3A_274 = vector.shape_cast %swap3A_273 : vector<16xi32> to vector<16xi32>
    %swap3A_275 = vector.shape_cast %add3A_271 : vector<16xi32> to vector<16xi32>
    tpu.vector_store %arg6[%swap3A_272], %swap3A_275 {strides = array<i32>} : memref<10240xi32, #tpu.memory_space<vmem>>, vector<16xi32>,
    %add3A_276 = arith.constant 10000 : i32
    %add3A_277 = vector.broadcast %add3A_276 : i32 to vector<16xi32>
    %add3A_278 = arith.addi %add3A_277, %iota3A_155 : vector<16xi32>
    %add3A_279 = arith.constant 80 : i32
    %add3A_280 = vector.broadcast %add3A_279 : i32 to vector<16xi32>
    %add3A_281 = arith.addi %add3A_278, %add3A_280 : vector<16xi32>
    %swap3A_282 = arith.constant 10192 : index
    %swap3A_283 = tpu.vector_load %arg6[%swap3A_282] {strides = array<i32>} : memref<10240xi32, #tpu.memory_space<vmem>>, vector<16xi32>,
    %swap3A_284 = vector.shape_cast %swap3A_283 : vector<16xi32> to vector<16xi32>
    %swap3A_285 = vector.shape_cast %add3A_281 : vector<16xi32> to vector<16xi32>
    tpu.vector_store %arg6[%swap3A_282], %swap3A_285 {strides = array<i32>} : memref<10240xi32, #tpu.memory_space<vmem>>, vector<16xi32>,
    %add3A_286 = arith.constant 10000 : i32
    %add3A_287 = vector.broadcast %add3A_286 : i32 to vector<16xi32>
    %add3A_288 = arith.addi %add3A_287, %iota3A_155 : vector<16xi32>
    %add3A_289 = arith.constant 96 : i32
    %add3A_290 = vector.broadcast %add3A_289 : i32 to vector<16xi32>
    %add3A_291 = arith.addi %add3A_288, %add3A_290 : vector<16xi32>
    %swap3A_292 = arith.constant 10208 : index
    %swap3A_293 = tpu.vector_load %arg6[%swap3A_292] {strides = array<i32>} : memref<10240xi32, #tpu.memory_space<vmem>>, vector<16xi32>,
    %swap3A_294 = vector.shape_cast %swap3A_293 : vector<16xi32> to vector<16xi32>
    %swap3A_295 = vector.shape_cast %add3A_291 : vector<16xi32> to vector<16xi32>
    tpu.vector_store %arg6[%swap3A_292], %swap3A_295 {strides = array<i32>} : memref<10240xi32, #tpu.memory_space<vmem>>, vector<16xi32>,
    %add3A_296 = arith.constant 10000 : i32
    %add3A_297 = vector.broadcast %add3A_296 : i32 to vector<16xi32>
    %add3A_298 = arith.addi %add3A_297, %iota3A_155 : vector<16xi32>
    %add3A_299 = arith.constant 0 : i32
    %add3A_300 = vector.broadcast %add3A_299 : i32 to vector<16xi32>
    %add3A_301 = arith.addi %add3A_298, %add3A_300 : vector<16xi32>
    %swap3A_302 = arith.constant 10224 : index
    %swap3A_303 = tpu.vector_load %arg6[%swap3A_302] {strides = array<i32>} : memref<10240xi32, #tpu.memory_space<vmem>>, vector<16xi32>,
    %swap3A_304 = vector.shape_cast %swap3A_303 : vector<16xi32> to vector<16xi32>
    %swap3A_305 = vector.shape_cast %add3A_301 : vector<16xi32> to vector<16xi32>
    tpu.vector_store %arg6[%swap3A_302], %swap3A_305 {strides = array<i32>} : memref<10240xi32, #tpu.memory_space<vmem>>, vector<16xi32>,
    %mul3A_306 = arith.constant 632 : i32
    %mul3A_307 = arith.muli %arg1, %mul3A_306 : i32
    %mul3A_308 = arith.constant 632 : i32
    %mul3A_309 = arith.muli %arg1, %mul3A_308 : i32
    "tpu.region"() ({
      %run_scoped3A_478 = tpu.sem_alloc : memref<!tpu.dma_semaphore, #tpu.memory_space<semaphore_mem>>
      %dma_start3A_479 = arith.constant 0 : i32
      %dma_start3A_480 = tpu.memref_slice %arg9[%mul3A_309, %dma_start3A_479] : memref<10112x32xf32, #tpu.memory_space<vmem_shared>> -> memref<632x32xf32, #tpu.memory_space<vmem_shared>>
      %dma_start3A_481 = arith.constant 0 : i32
      %dma_start3A_482 = tpu.memref_slice %arg3[%mul3A_307, %dma_start3A_481] : memref<10112x32xf32, #tpu.memory_space<hbm>> -> memref<632x32xf32, #tpu.memory_space<hbm>>
      tpu.enqueue_dma source(%dma_start3A_482 : memref<632x32xf32, #tpu.memory_space<hbm>>) target(%dma_start3A_480 : memref<632x32xf32, #tpu.memory_space<vmem_shared>>) target_semaphore(%run_scoped3A_478 : memref<!tpu.dma_semaphore, #tpu.memory_space<semaphore_mem>>)
      %dma_wait3A_483 = arith.constant 0 : i32
      %dma_wait3A_484 = tpu.memref_slice %arg9[%mul3A_309, %dma_wait3A_483] : memref<10112x32xf32, #tpu.memory_space<vmem_shared>> -> memref<632x32xf32, #tpu.memory_space<vmem_shared>>
      %dma_wait3A_485 = arith.constant 0 : i32
      %dma_wait3A_486 = tpu.memref_slice %arg3[%mul3A_307, %dma_wait3A_485] : memref<10112x32xf32, #tpu.memory_space<hbm>> -> memref<632x32xf32, #tpu.memory_space<hbm>>
      tpu.wait_dma2 semaphore(%run_scoped3A_478 : memref<!tpu.dma_semaphore, #tpu.memory_space<semaphore_mem>>) src(%dma_wait3A_486 : memref<632x32xf32, #tpu.memory_space<hbm>>) dst(%dma_wait3A_484 : memref<632x32xf32, #tpu.memory_space<vmem_shared>>)
      tpu.yield
    }) : () -> ()
    %mul3A_310 = arith.constant 632 : i32
    %mul3A_311 = arith.muli %arg1, %mul3A_310 : i32
    %mul3A_312 = arith.constant 632 : i32
    %mul3A_313 = arith.muli %arg1, %mul3A_312 : i32
    "tpu.region"() ({
      %run_scoped3A_478 = tpu.sem_alloc : memref<!tpu.dma_semaphore, #tpu.memory_space<semaphore_mem>>
      %dma_start3A_479 = arith.constant 0 : i32
      %dma_start3A_480 = tpu.memref_slice %arg8[%mul3A_313, %dma_start3A_479] : memref<10112x32xf32, #tpu.memory_space<vmem_shared>> -> memref<632x32xf32, #tpu.memory_space<vmem_shared>>
      %dma_start3A_481 = arith.constant 0 : i32
      %dma_start3A_482 = tpu.memref_slice %arg3[%mul3A_311, %dma_start3A_481] : memref<10112x32xf32, #tpu.memory_space<hbm>> -> memref<632x32xf32, #tpu.memory_space<hbm>>
      tpu.enqueue_dma source(%dma_start3A_482 : memref<632x32xf32, #tpu.memory_space<hbm>>) target(%dma_start3A_480 : memref<632x32xf32, #tpu.memory_space<vmem_shared>>) target_semaphore(%run_scoped3A_478 : memref<!tpu.dma_semaphore, #tpu.memory_space<semaphore_mem>>)
      %dma_wait3A_483 = arith.constant 0 : i32
      %dma_wait3A_484 = tpu.memref_slice %arg8[%mul3A_313, %dma_wait3A_483] : memref<10112x32xf32, #tpu.memory_space<vmem_shared>> -> memref<632x32xf32, #tpu.memory_space<vmem_shared>>
      %dma_wait3A_485 = arith.constant 0 : i32
      %dma_wait3A_486 = tpu.memref_slice %arg3[%mul3A_311, %dma_wait3A_485] : memref<10112x32xf32, #tpu.memory_space<hbm>> -> memref<632x32xf32, #tpu.memory_space<hbm>>
      tpu.wait_dma2 semaphore(%run_scoped3A_478 : memref<!tpu.dma_semaphore, #tpu.memory_space<semaphore_mem>>) src(%dma_wait3A_486 : memref<632x32xf32, #tpu.memory_space<hbm>>) dst(%dma_wait3A_484 : memref<632x32xf32, #tpu.memory_space<vmem_shared>>)
      tpu.yield
    }) : () -> ()
    %barrier3A = arith.constant 0 : index
    tpu.barrier barrier_id(%barrier3A)
    %dma_start3A = arith.constant 0 : i32
    %dma_start3A_314 = arith.constant 0 : i32
    %dma_start3A_315 = arith.constant 0 : i32
    %dma_start3A_316 = arith.constant 0 : i32
    %dma_start3A_317 = tpu.memref_slice %arg7[%dma_start3A, %dma_start3A_315, %dma_start3A_316] : memref<8x128x32xf32, #tpu.memory_space<vmem>> -> memref<1x128x32xf32, #tpu.memory_space<vmem>>
    %dma_start3A_318 = tpu.memref_squeeze %dma_start3A_317 : memref<1x128x32xf32, #tpu.memory_space<vmem>> -> memref<128x32xf32, #tpu.memory_space<vmem>>
    %dma_start3A_319 = arith.constant 0 : i32
    %dma_start3A_320 = tpu.memref_slice %arg5[%dma_start3A_319] : memref<10240xi32, #tpu.memory_space<vmem>> -> memref<128xi32, #tpu.memory_space<vmem>>
    %dma_start3A_321 = arith.constant 0 : i32
    %dma_start3A_322 = arith.constant 0 : i32
    %dma_start3A_323 = tpu.memref_slice %arg9[%dma_start3A_321, %dma_start3A_322] : memref<10112x32xf32, #tpu.memory_space<vmem_shared>> -> memref<10112x32xf32, #tpu.memory_space<vmem_shared>>
    %dma_start3A_324 = tpu.memref_slice %arg10[%dma_start3A_314] : memref<8x!tpu.dma_semaphore, #tpu.memory_space<semaphore_mem>> -> memref<1x!tpu.dma_semaphore, #tpu.memory_space<semaphore_mem>>
    %dma_start3A_325 = tpu.memref_squeeze %dma_start3A_324 : memref<1x!tpu.dma_semaphore, #tpu.memory_space<semaphore_mem>> -> memref<!tpu.dma_semaphore, #tpu.memory_space<semaphore_mem>>
    tpu.enqueue_indirect_dma source(%dma_start3A_323 : memref<10112x32xf32, #tpu.memory_space<vmem_shared>>) target(%dma_start3A_318 : memref<128x32xf32, #tpu.memory_space<vmem>>) offsets(%dma_start3A_320 : memref<128xi32, #tpu.memory_space<vmem>>) semaphore(%dma_start3A_325 : memref<!tpu.dma_semaphore, #tpu.memory_space<semaphore_mem>>)
    %dma_start3A_326 = arith.constant 1 : i32
    %dma_start3A_327 = arith.constant 1 : i32
    %dma_start3A_328 = arith.constant 0 : i32
    %dma_start3A_329 = arith.constant 0 : i32
    %dma_start3A_330 = tpu.memref_slice %arg7[%dma_start3A_326, %dma_start3A_328, %dma_start3A_329] : memref<8x128x32xf32, #tpu.memory_space<vmem>> -> memref<1x128x32xf32, #tpu.memory_space<vmem>>
    %dma_start3A_331 = tpu.memref_squeeze %dma_start3A_330 : memref<1x128x32xf32, #tpu.memory_space<vmem>> -> memref<128x32xf32, #tpu.memory_space<vmem>>
    %dma_start3A_332 = arith.constant 128 : i32
    %dma_start3A_333 = tpu.memref_slice %arg5[%dma_start3A_332] : memref<10240xi32, #tpu.memory_space<vmem>> -> memref<128xi32, #tpu.memory_space<vmem>>
    %dma_start3A_334 = arith.constant 0 : i32
    %dma_start3A_335 = arith.constant 0 : i32
    %dma_start3A_336 = tpu.memref_slice %arg9[%dma_start3A_334, %dma_start3A_335] : memref<10112x32xf32, #tpu.memory_space<vmem_shared>> -> memref<10112x32xf32, #tpu.memory_space<vmem_shared>>
    %dma_start3A_337 = tpu.memref_slice %arg10[%dma_start3A_327] : memref<8x!tpu.dma_semaphore, #tpu.memory_space<semaphore_mem>> -> memref<1x!tpu.dma_semaphore, #tpu.memory_space<semaphore_mem>>
    %dma_start3A_338 = tpu.memref_squeeze %dma_start3A_337 : memref<1x!tpu.dma_semaphore, #tpu.memory_space<semaphore_mem>> -> memref<!tpu.dma_semaphore, #tpu.memory_space<semaphore_mem>>
    tpu.enqueue_indirect_dma source(%dma_start3A_336 : memref<10112x32xf32, #tpu.memory_space<vmem_shared>>) target(%dma_start3A_331 : memref<128x32xf32, #tpu.memory_space<vmem>>) offsets(%dma_start3A_333 : memref<128xi32, #tpu.memory_space<vmem>>) semaphore(%dma_start3A_338 : memref<!tpu.dma_semaphore, #tpu.memory_space<semaphore_mem>>)
    %dma_start3A_339 = arith.constant 2 : i32
    %dma_start3A_340 = arith.constant 2 : i32
    %dma_start3A_341 = arith.constant 0 : i32
    %dma_start3A_342 = arith.constant 0 : i32
    %dma_start3A_343 = tpu.memref_slice %arg7[%dma_start3A_339, %dma_start3A_341, %dma_start3A_342] : memref<8x128x32xf32, #tpu.memory_space<vmem>> -> memref<1x128x32xf32, #tpu.memory_space<vmem>>
    %dma_start3A_344 = tpu.memref_squeeze %dma_start3A_343 : memref<1x128x32xf32, #tpu.memory_space<vmem>> -> memref<128x32xf32, #tpu.memory_space<vmem>>
    %dma_start3A_345 = arith.constant 256 : i32
    %dma_start3A_346 = tpu.memref_slice %arg5[%dma_start3A_345] : memref<10240xi32, #tpu.memory_space<vmem>> -> memref<128xi32, #tpu.memory_space<vmem>>
    %dma_start3A_347 = arith.constant 0 : i32
    %dma_start3A_348 = arith.constant 0 : i32
    %dma_start3A_349 = tpu.memref_slice %arg9[%dma_start3A_347, %dma_start3A_348] : memref<10112x32xf32, #tpu.memory_space<vmem_shared>> -> memref<10112x32xf32, #tpu.memory_space<vmem_shared>>
    %dma_start3A_350 = tpu.memref_slice %arg10[%dma_start3A_340] : memref<8x!tpu.dma_semaphore, #tpu.memory_space<semaphore_mem>> -> memref<1x!tpu.dma_semaphore, #tpu.memory_space<semaphore_mem>>
    %dma_start3A_351 = tpu.memref_squeeze %dma_start3A_350 : memref<1x!tpu.dma_semaphore, #tpu.memory_space<semaphore_mem>> -> memref<!tpu.dma_semaphore, #tpu.memory_space<semaphore_mem>>
    tpu.enqueue_indirect_dma source(%dma_start3A_349 : memref<10112x32xf32, #tpu.memory_space<vmem_shared>>) target(%dma_start3A_344 : memref<128x32xf32, #tpu.memory_space<vmem>>) offsets(%dma_start3A_346 : memref<128xi32, #tpu.memory_space<vmem>>) semaphore(%dma_start3A_351 : memref<!tpu.dma_semaphore, #tpu.memory_space<semaphore_mem>>)
    %dma_start3A_352 = arith.constant 3 : i32
    %dma_start3A_353 = arith.constant 3 : i32
    %dma_start3A_354 = arith.constant 0 : i32
    %dma_start3A_355 = arith.constant 0 : i32
    %dma_start3A_356 = tpu.memref_slice %arg7[%dma_start3A_352, %dma_start3A_354, %dma_start3A_355] : memref<8x128x32xf32, #tpu.memory_space<vmem>> -> memref<1x128x32xf32, #tpu.memory_space<vmem>>
    %dma_start3A_357 = tpu.memref_squeeze %dma_start3A_356 : memref<1x128x32xf32, #tpu.memory_space<vmem>> -> memref<128x32xf32, #tpu.memory_space<vmem>>
    %dma_start3A_358 = arith.constant 384 : i32
    %dma_start3A_359 = tpu.memref_slice %arg5[%dma_start3A_358] : memref<10240xi32, #tpu.memory_space<vmem>> -> memref<128xi32, #tpu.memory_space<vmem>>
    %dma_start3A_360 = arith.constant 0 : i32
    %dma_start3A_361 = arith.constant 0 : i32
    %dma_start3A_362 = tpu.memref_slice %arg9[%dma_start3A_360, %dma_start3A_361] : memref<10112x32xf32, #tpu.memory_space<vmem_shared>> -> memref<10112x32xf32, #tpu.memory_space<vmem_shared>>
    %dma_start3A_363 = tpu.memref_slice %arg10[%dma_start3A_353] : memref<8x!tpu.dma_semaphore, #tpu.memory_space<semaphore_mem>> -> memref<1x!tpu.dma_semaphore, #tpu.memory_space<semaphore_mem>>
    %dma_start3A_364 = tpu.memref_squeeze %dma_start3A_363 : memref<1x!tpu.dma_semaphore, #tpu.memory_space<semaphore_mem>> -> memref<!tpu.dma_semaphore, #tpu.memory_space<semaphore_mem>>
    tpu.enqueue_indirect_dma source(%dma_start3A_362 : memref<10112x32xf32, #tpu.memory_space<vmem_shared>>) target(%dma_start3A_357 : memref<128x32xf32, #tpu.memory_space<vmem>>) offsets(%dma_start3A_359 : memref<128xi32, #tpu.memory_space<vmem>>) semaphore(%dma_start3A_364 : memref<!tpu.dma_semaphore, #tpu.memory_space<semaphore_mem>>)
    %scan3A = arith.constant 0 : i32
    %scan3A_365 = arith.constant 0 : i32
    %scan3A_366 = arith.constant 20 : i32
    %scan3A_367 = arith.addi %scan3A_365, %scan3A_366 : i32
    %scan3A_368 = arith.constant 1 : i32
    scf.for %scan3A_478 = %scan3A_365 to %scan3A_367 step %scan3A_368  : i32 {
      %jit3A = arith.constant 2 : i32
      %eq3A = arith.constant 0 : i32
      %eq3A_479 = arith.cmpi eq, %jit3A, %eq3A : i32
      %jit3A_480 = arith.constant 1 : i32
      %select_n3A = arith.select %eq3A_479, %jit3A_480, %jit3A : i32
      %rem3A = arith.remsi %scan3A_478, %select_n3A : i32
      %ne3A = arith.constant 0 : i32
      %ne3A_481 = arith.cmpi ne, %rem3A, %ne3A : i32
      %lt3A = arith.constant 0 : i32
      %lt3A_482 = arith.cmpi slt, %rem3A, %lt3A : i32
      %lt3A_483 = arith.constant 0 : i32
      %lt3A_484 = arith.cmpi slt, %select_n3A, %lt3A_483 : i32
      %ne3A_485 = arith.xori %lt3A_482, %lt3A_484 : i1
      %and3A = arith.andi %ne3A_485, %ne3A_481 : i1
      %add3A_486 = arith.addi %rem3A, %select_n3A : i32
      %select_n3A_487 = arith.select %and3A, %add3A_486, %rem3A : i32
      %mul3A_488 = arith.constant 4 : i32
      %mul3A_489 = arith.muli %select_n3A_487, %mul3A_488 : i32
      %sub3A = arith.constant 1 : i32
      %sub3A_490 = arith.subi %sub3A, %select_n3A_487 : i32
      %mul3A_491 = arith.constant 4 : i32
      %mul3A_492 = arith.muli %sub3A_490, %mul3A_491 : i32
      %add3A_493 = arith.constant 0 : i32
      %add3A_494 = arith.addi %mul3A_489, %add3A_493 : i32
      %dma_wait3A_495 = arith.constant 0 : i32
      %dma_wait3A_496 = arith.constant 0 : i32
      %dma_wait3A_497 = tpu.memref_slice %arg7[%add3A_494, %dma_wait3A_495, %dma_wait3A_496] : memref<8x128x32xf32, #tpu.memory_space<vmem>> -> memref<1x128x32xf32, #tpu.memory_space<vmem>>
      %dma_wait3A_498 = tpu.memref_squeeze %dma_wait3A_497 : memref<1x128x32xf32, #tpu.memory_space<vmem>> -> memref<128x32xf32, #tpu.memory_space<vmem>>
      %dma_wait3A_499 = arith.constant 0 : i32
      %dma_wait3A_500 = tpu.memref_slice %arg5[%dma_wait3A_499] : memref<10240xi32, #tpu.memory_space<vmem>> -> memref<128xi32, #tpu.memory_space<vmem>>
      %dma_wait3A_501 = arith.constant 0 : i32
      %dma_wait3A_502 = arith.constant 0 : i32
      %dma_wait3A_503 = tpu.memref_slice %arg9[%dma_wait3A_501, %dma_wait3A_502] : memref<10112x32xf32, #tpu.memory_space<vmem_shared>> -> memref<10112x32xf32, #tpu.memory_space<vmem_shared>>
      %dma_wait3A_504 = tpu.memref_slice %arg10[%add3A_494] : memref<8x!tpu.dma_semaphore, #tpu.memory_space<semaphore_mem>> -> memref<1x!tpu.dma_semaphore, #tpu.memory_space<semaphore_mem>>
      %dma_wait3A_505 = tpu.memref_squeeze %dma_wait3A_504 : memref<1x!tpu.dma_semaphore, #tpu.memory_space<semaphore_mem>> -> memref<!tpu.dma_semaphore, #tpu.memory_space<semaphore_mem>>
      tpu.wait_indirect_dma semaphore(%dma_wait3A_505 : memref<!tpu.dma_semaphore, #tpu.memory_space<semaphore_mem>>) src(%dma_wait3A_503 : memref<10112x32xf32, #tpu.memory_space<vmem_shared>>) dst(%dma_wait3A_498 : memref<128x32xf32, #tpu.memory_space<vmem>>)
      %add3A_506 = arith.constant 1 : i32
      %add3A_507 = arith.addi %mul3A_489, %add3A_506 : i32
      %dma_wait3A_508 = arith.constant 0 : i32
      %dma_wait3A_509 = arith.constant 0 : i32
      %dma_wait3A_510 = tpu.memref_slice %arg7[%add3A_507, %dma_wait3A_508, %dma_wait3A_509] : memref<8x128x32xf32, #tpu.memory_space<vmem>> -> memref<1x128x32xf32, #tpu.memory_space<vmem>>
      %dma_wait3A_511 = tpu.memref_squeeze %dma_wait3A_510 : memref<1x128x32xf32, #tpu.memory_space<vmem>> -> memref<128x32xf32, #tpu.memory_space<vmem>>
      %dma_wait3A_512 = arith.constant 0 : i32
      %dma_wait3A_513 = tpu.memref_slice %arg5[%dma_wait3A_512] : memref<10240xi32, #tpu.memory_space<vmem>> -> memref<128xi32, #tpu.memory_space<vmem>>
      %dma_wait3A_514 = arith.constant 0 : i32
      %dma_wait3A_515 = arith.constant 0 : i32
      %dma_wait3A_516 = tpu.memref_slice %arg9[%dma_wait3A_514, %dma_wait3A_515] : memref<10112x32xf32, #tpu.memory_space<vmem_shared>> -> memref<10112x32xf32, #tpu.memory_space<vmem_shared>>
      %dma_wait3A_517 = tpu.memref_slice %arg10[%add3A_507] : memref<8x!tpu.dma_semaphore, #tpu.memory_space<semaphore_mem>> -> memref<1x!tpu.dma_semaphore, #tpu.memory_space<semaphore_mem>>
      %dma_wait3A_518 = tpu.memref_squeeze %dma_wait3A_517 : memref<1x!tpu.dma_semaphore, #tpu.memory_space<semaphore_mem>> -> memref<!tpu.dma_semaphore, #tpu.memory_space<semaphore_mem>>
      tpu.wait_indirect_dma semaphore(%dma_wait3A_518 : memref<!tpu.dma_semaphore, #tpu.memory_space<semaphore_mem>>) src(%dma_wait3A_516 : memref<10112x32xf32, #tpu.memory_space<vmem_shared>>) dst(%dma_wait3A_511 : memref<128x32xf32, #tpu.memory_space<vmem>>)
      %add3A_519 = arith.constant 2 : i32
      %add3A_520 = arith.addi %mul3A_489, %add3A_519 : i32
      %dma_wait3A_521 = arith.constant 0 : i32
      %dma_wait3A_522 = arith.constant 0 : i32
      %dma_wait3A_523 = tpu.memref_slice %arg7[%add3A_520, %dma_wait3A_521, %dma_wait3A_522] : memref<8x128x32xf32, #tpu.memory_space<vmem>> -> memref<1x128x32xf32, #tpu.memory_space<vmem>>
      %dma_wait3A_524 = tpu.memref_squeeze %dma_wait3A_523 : memref<1x128x32xf32, #tpu.memory_space<vmem>> -> memref<128x32xf32, #tpu.memory_space<vmem>>
      %dma_wait3A_525 = arith.constant 0 : i32
      %dma_wait3A_526 = tpu.memref_slice %arg5[%dma_wait3A_525] : memref<10240xi32, #tpu.memory_space<vmem>> -> memref<128xi32, #tpu.memory_space<vmem>>
      %dma_wait3A_527 = arith.constant 0 : i32
      %dma_wait3A_528 = arith.constant 0 : i32
      %dma_wait3A_529 = tpu.memref_slice %arg9[%dma_wait3A_527, %dma_wait3A_528] : memref<10112x32xf32, #tpu.memory_space<vmem_shared>> -> memref<10112x32xf32, #tpu.memory_space<vmem_shared>>
      %dma_wait3A_530 = tpu.memref_slice %arg10[%add3A_520] : memref<8x!tpu.dma_semaphore, #tpu.memory_space<semaphore_mem>> -> memref<1x!tpu.dma_semaphore, #tpu.memory_space<semaphore_mem>>
      %dma_wait3A_531 = tpu.memref_squeeze %dma_wait3A_530 : memref<1x!tpu.dma_semaphore, #tpu.memory_space<semaphore_mem>> -> memref<!tpu.dma_semaphore, #tpu.memory_space<semaphore_mem>>
      tpu.wait_indirect_dma semaphore(%dma_wait3A_531 : memref<!tpu.dma_semaphore, #tpu.memory_space<semaphore_mem>>) src(%dma_wait3A_529 : memref<10112x32xf32, #tpu.memory_space<vmem_shared>>) dst(%dma_wait3A_524 : memref<128x32xf32, #tpu.memory_space<vmem>>)
      %add3A_532 = arith.constant 3 : i32
      %add3A_533 = arith.addi %mul3A_489, %add3A_532 : i32
      %dma_wait3A_534 = arith.constant 0 : i32
      %dma_wait3A_535 = arith.constant 0 : i32
      %dma_wait3A_536 = tpu.memref_slice %arg7[%add3A_533, %dma_wait3A_534, %dma_wait3A_535] : memref<8x128x32xf32, #tpu.memory_space<vmem>> -> memref<1x128x32xf32, #tpu.memory_space<vmem>>
      %dma_wait3A_537 = tpu.memref_squeeze %dma_wait3A_536 : memref<1x128x32xf32, #tpu.memory_space<vmem>> -> memref<128x32xf32, #tpu.memory_space<vmem>>
      %dma_wait3A_538 = arith.constant 0 : i32
      %dma_wait3A_539 = tpu.memref_slice %arg5[%dma_wait3A_538] : memref<10240xi32, #tpu.memory_space<vmem>> -> memref<128xi32, #tpu.memory_space<vmem>>
      %dma_wait3A_540 = arith.constant 0 : i32
      %dma_wait3A_541 = arith.constant 0 : i32
      %dma_wait3A_542 = tpu.memref_slice %arg9[%dma_wait3A_540, %dma_wait3A_541] : memref<10112x32xf32, #tpu.memory_space<vmem_shared>> -> memref<10112x32xf32, #tpu.memory_space<vmem_shared>>
      %dma_wait3A_543 = tpu.memref_slice %arg10[%add3A_533] : memref<8x!tpu.dma_semaphore, #tpu.memory_space<semaphore_mem>> -> memref<1x!tpu.dma_semaphore, #tpu.memory_space<semaphore_mem>>
      %dma_wait3A_544 = tpu.memref_squeeze %dma_wait3A_543 : memref<1x!tpu.dma_semaphore, #tpu.memory_space<semaphore_mem>> -> memref<!tpu.dma_semaphore, #tpu.memory_space<semaphore_mem>>
      tpu.wait_indirect_dma semaphore(%dma_wait3A_544 : memref<!tpu.dma_semaphore, #tpu.memory_space<semaphore_mem>>) src(%dma_wait3A_542 : memref<10112x32xf32, #tpu.memory_space<vmem_shared>>) dst(%dma_wait3A_537 : memref<128x32xf32, #tpu.memory_space<vmem>>)
      %mul3A_545 = arith.constant 4 : i32
      %mul3A_546 = arith.muli %scan3A_478, %mul3A_545 : i32
      %add3A_547 = arith.constant 0 : i32
      %add3A_548 = arith.addi %mul3A_546, %add3A_547 : i32
      %add3A_549 = arith.constant 0 : i32
      %add3A_550 = arith.addi %mul3A_489, %add3A_549 : i32
      %mul3A_551 = arith.constant 128 : i32
      %mul3A_552 = arith.muli %add3A_548, %mul3A_551 : i32
      %dma_start3A_553 = arith.constant 0 : i32
      %dma_start3A_554 = arith.constant 0 : i32
      %dma_start3A_555 = tpu.memref_slice %arg7[%add3A_550, %dma_start3A_553, %dma_start3A_554] : memref<8x128x32xf32, #tpu.memory_space<vmem>> -> memref<1x128x32xf32, #tpu.memory_space<vmem>>
      %dma_start3A_556 = tpu.memref_squeeze %dma_start3A_555 : memref<1x128x32xf32, #tpu.memory_space<vmem>> -> memref<128x32xf32, #tpu.memory_space<vmem>>
      %dma_start3A_557 = tpu.memref_slice %arg6[%mul3A_552] : memref<10240xi32, #tpu.memory_space<vmem>> -> memref<128xi32, #tpu.memory_space<vmem>>
      %dma_start3A_558 = arith.constant 0 : i32
      %dma_start3A_559 = arith.constant 0 : i32
      %dma_start3A_560 = tpu.memref_slice %arg8[%dma_start3A_558, %dma_start3A_559] : memref<10112x32xf32, #tpu.memory_space<vmem_shared>> -> memref<10112x32xf32, #tpu.memory_space<vmem_shared>>
      %dma_start3A_561 = tpu.memref_slice %arg11[%add3A_550] : memref<8x!tpu.dma_semaphore, #tpu.memory_space<semaphore_mem>> -> memref<1x!tpu.dma_semaphore, #tpu.memory_space<semaphore_mem>>
      %dma_start3A_562 = tpu.memref_squeeze %dma_start3A_561 : memref<1x!tpu.dma_semaphore, #tpu.memory_space<semaphore_mem>> -> memref<!tpu.dma_semaphore, #tpu.memory_space<semaphore_mem>>
      tpu.enqueue_indirect_dma source(%dma_start3A_556 : memref<128x32xf32, #tpu.memory_space<vmem>>) target(%dma_start3A_560 : memref<10112x32xf32, #tpu.memory_space<vmem_shared>>) offsets(%dma_start3A_557 : memref<128xi32, #tpu.memory_space<vmem>>) semaphore(%dma_start3A_562 : memref<!tpu.dma_semaphore, #tpu.memory_space<semaphore_mem>>) {add = true}
      %mul3A_563 = arith.constant 4 : i32
      %mul3A_564 = arith.muli %scan3A_478, %mul3A_563 : i32
      %add3A_565 = arith.constant 1 : i32
      %add3A_566 = arith.addi %mul3A_564, %add3A_565 : i32
      %add3A_567 = arith.constant 1 : i32
      %add3A_568 = arith.addi %mul3A_489, %add3A_567 : i32
      %mul3A_569 = arith.constant 128 : i32
      %mul3A_570 = arith.muli %add3A_566, %mul3A_569 : i32
      %dma_start3A_571 = arith.constant 0 : i32
      %dma_start3A_572 = arith.constant 0 : i32
      %dma_start3A_573 = tpu.memref_slice %arg7[%add3A_568, %dma_start3A_571, %dma_start3A_572] : memref<8x128x32xf32, #tpu.memory_space<vmem>> -> memref<1x128x32xf32, #tpu.memory_space<vmem>>
      %dma_start3A_574 = tpu.memref_squeeze %dma_start3A_573 : memref<1x128x32xf32, #tpu.memory_space<vmem>> -> memref<128x32xf32, #tpu.memory_space<vmem>>
      %dma_start3A_575 = tpu.memref_slice %arg6[%mul3A_570] : memref<10240xi32, #tpu.memory_space<vmem>> -> memref<128xi32, #tpu.memory_space<vmem>>
      %dma_start3A_576 = arith.constant 0 : i32
      %dma_start3A_577 = arith.constant 0 : i32
      %dma_start3A_578 = tpu.memref_slice %arg8[%dma_start3A_576, %dma_start3A_577] : memref<10112x32xf32, #tpu.memory_space<vmem_shared>> -> memref<10112x32xf32, #tpu.memory_space<vmem_shared>>
      %dma_start3A_579 = tpu.memref_slice %arg11[%add3A_568] : memref<8x!tpu.dma_semaphore, #tpu.memory_space<semaphore_mem>> -> memref<1x!tpu.dma_semaphore, #tpu.memory_space<semaphore_mem>>
      %dma_start3A_580 = tpu.memref_squeeze %dma_start3A_579 : memref<1x!tpu.dma_semaphore, #tpu.memory_space<semaphore_mem>> -> memref<!tpu.dma_semaphore, #tpu.memory_space<semaphore_mem>>
      tpu.enqueue_indirect_dma source(%dma_start3A_574 : memref<128x32xf32, #tpu.memory_space<vmem>>) target(%dma_start3A_578 : memref<10112x32xf32, #tpu.memory_space<vmem_shared>>) offsets(%dma_start3A_575 : memref<128xi32, #tpu.memory_space<vmem>>) semaphore(%dma_start3A_580 : memref<!tpu.dma_semaphore, #tpu.memory_space<semaphore_mem>>) {add = true}
      %mul3A_581 = arith.constant 4 : i32
      %mul3A_582 = arith.muli %scan3A_478, %mul3A_581 : i32
      %add3A_583 = arith.constant 2 : i32
      %add3A_584 = arith.addi %mul3A_582, %add3A_583 : i32
      %add3A_585 = arith.constant 2 : i32
      %add3A_586 = arith.addi %mul3A_489, %add3A_585 : i32
      %mul3A_587 = arith.constant 128 : i32
      %mul3A_588 = arith.muli %add3A_584, %mul3A_587 : i32
      %dma_start3A_589 = arith.constant 0 : i32
      %dma_start3A_590 = arith.constant 0 : i32
      %dma_start3A_591 = tpu.memref_slice %arg7[%add3A_586, %dma_start3A_589, %dma_start3A_590] : memref<8x128x32xf32, #tpu.memory_space<vmem>> -> memref<1x128x32xf32, #tpu.memory_space<vmem>>
      %dma_start3A_592 = tpu.memref_squeeze %dma_start3A_591 : memref<1x128x32xf32, #tpu.memory_space<vmem>> -> memref<128x32xf32, #tpu.memory_space<vmem>>
      %dma_start3A_593 = tpu.memref_slice %arg6[%mul3A_588] : memref<10240xi32, #tpu.memory_space<vmem>> -> memref<128xi32, #tpu.memory_space<vmem>>
      %dma_start3A_594 = arith.constant 0 : i32
      %dma_start3A_595 = arith.constant 0 : i32
      %dma_start3A_596 = tpu.memref_slice %arg8[%dma_start3A_594, %dma_start3A_595] : memref<10112x32xf32, #tpu.memory_space<vmem_shared>> -> memref<10112x32xf32, #tpu.memory_space<vmem_shared>>
      %dma_start3A_597 = tpu.memref_slice %arg11[%add3A_586] : memref<8x!tpu.dma_semaphore, #tpu.memory_space<semaphore_mem>> -> memref<1x!tpu.dma_semaphore, #tpu.memory_space<semaphore_mem>>
      %dma_start3A_598 = tpu.memref_squeeze %dma_start3A_597 : memref<1x!tpu.dma_semaphore, #tpu.memory_space<semaphore_mem>> -> memref<!tpu.dma_semaphore, #tpu.memory_space<semaphore_mem>>
      tpu.enqueue_indirect_dma source(%dma_start3A_592 : memref<128x32xf32, #tpu.memory_space<vmem>>) target(%dma_start3A_596 : memref<10112x32xf32, #tpu.memory_space<vmem_shared>>) offsets(%dma_start3A_593 : memref<128xi32, #tpu.memory_space<vmem>>) semaphore(%dma_start3A_598 : memref<!tpu.dma_semaphore, #tpu.memory_space<semaphore_mem>>) {add = true}
      %mul3A_599 = arith.constant 4 : i32
      %mul3A_600 = arith.muli %scan3A_478, %mul3A_599 : i32
      %add3A_601 = arith.constant 3 : i32
      %add3A_602 = arith.addi %mul3A_600, %add3A_601 : i32
      %add3A_603 = arith.constant 3 : i32
      %add3A_604 = arith.addi %mul3A_489, %add3A_603 : i32
      %mul3A_605 = arith.constant 128 : i32
      %mul3A_606 = arith.muli %add3A_602, %mul3A_605 : i32
      %dma_start3A_607 = arith.constant 0 : i32
      %dma_start3A_608 = arith.constant 0 : i32
      %dma_start3A_609 = tpu.memref_slice %arg7[%add3A_604, %dma_start3A_607, %dma_start3A_608] : memref<8x128x32xf32, #tpu.memory_space<vmem>> -> memref<1x128x32xf32, #tpu.memory_space<vmem>>
      %dma_start3A_610 = tpu.memref_squeeze %dma_start3A_609 : memref<1x128x32xf32, #tpu.memory_space<vmem>> -> memref<128x32xf32, #tpu.memory_space<vmem>>
      %dma_start3A_611 = tpu.memref_slice %arg6[%mul3A_606] : memref<10240xi32, #tpu.memory_space<vmem>> -> memref<128xi32, #tpu.memory_space<vmem>>
      %dma_start3A_612 = arith.constant 0 : i32
      %dma_start3A_613 = arith.constant 0 : i32
      %dma_start3A_614 = tpu.memref_slice %arg8[%dma_start3A_612, %dma_start3A_613] : memref<10112x32xf32, #tpu.memory_space<vmem_shared>> -> memref<10112x32xf32, #tpu.memory_space<vmem_shared>>
      %dma_start3A_615 = tpu.memref_slice %arg11[%add3A_604] : memref<8x!tpu.dma_semaphore, #tpu.memory_space<semaphore_mem>> -> memref<1x!tpu.dma_semaphore, #tpu.memory_space<semaphore_mem>>
      %dma_start3A_616 = tpu.memref_squeeze %dma_start3A_615 : memref<1x!tpu.dma_semaphore, #tpu.memory_space<semaphore_mem>> -> memref<!tpu.dma_semaphore, #tpu.memory_space<semaphore_mem>>
      tpu.enqueue_indirect_dma source(%dma_start3A_610 : memref<128x32xf32, #tpu.memory_space<vmem>>) target(%dma_start3A_614 : memref<10112x32xf32, #tpu.memory_space<vmem_shared>>) offsets(%dma_start3A_611 : memref<128xi32, #tpu.memory_space<vmem>>) semaphore(%dma_start3A_616 : memref<!tpu.dma_semaphore, #tpu.memory_space<semaphore_mem>>) {add = true}
      %add3A_617 = arith.constant 1 : i32
      %add3A_618 = arith.addi %scan3A_478, %add3A_617 : i32
      %lt3A_619 = arith.constant 20 : i32
      %lt3A_620 = arith.cmpi slt, %add3A_618, %lt3A_619 : i32
      %convert_element_type3A = arith.extui %lt3A_620 : i1 to i32
      %cond3A = arith.constant 0 : i32
      %cond3A_621 = arith.cmpi ne, %convert_element_type3A, %cond3A : i32
      scf.if %cond3A_621 {
        %ge3A = arith.constant 1 : i32
        %ge3A_622 = arith.cmpi sge, %scan3A_478, %ge3A : i32
        %convert_element_type3A_623 = arith.extui %ge3A_622 : i1 to i32
        %cond3A_624 = arith.constant 0 : i32
        %cond3A_625 = arith.cmpi ne, %convert_element_type3A_623, %cond3A_624 : i32
        scf.if %cond3A_625 {
          %add3A_721 = arith.constant 0 : i32
          %add3A_722 = arith.addi %mul3A_492, %add3A_721 : i32
          %dma_wait3A_723 = arith.constant 0 : i32
          %dma_wait3A_724 = arith.constant 0 : i32
          %dma_wait3A_725 = tpu.memref_slice %arg7[%add3A_722, %dma_wait3A_723, %dma_wait3A_724] : memref<8x128x32xf32, #tpu.memory_space<vmem>> -> memref<1x128x32xf32, #tpu.memory_space<vmem>>
          %dma_wait3A_726 = tpu.memref_squeeze %dma_wait3A_725 : memref<1x128x32xf32, #tpu.memory_space<vmem>> -> memref<128x32xf32, #tpu.memory_space<vmem>>
          %dma_wait3A_727 = arith.constant 0 : i32
          %dma_wait3A_728 = tpu.memref_slice %arg6[%dma_wait3A_727] : memref<10240xi32, #tpu.memory_space<vmem>> -> memref<128xi32, #tpu.memory_space<vmem>>
          %dma_wait3A_729 = arith.constant 0 : i32
          %dma_wait3A_730 = arith.constant 0 : i32
          %dma_wait3A_731 = tpu.memref_slice %arg8[%dma_wait3A_729, %dma_wait3A_730] : memref<10112x32xf32, #tpu.memory_space<vmem_shared>> -> memref<10112x32xf32, #tpu.memory_space<vmem_shared>>
          %dma_wait3A_732 = tpu.memref_slice %arg11[%add3A_722] : memref<8x!tpu.dma_semaphore, #tpu.memory_space<semaphore_mem>> -> memref<1x!tpu.dma_semaphore, #tpu.memory_space<semaphore_mem>>
          %dma_wait3A_733 = tpu.memref_squeeze %dma_wait3A_732 : memref<1x!tpu.dma_semaphore, #tpu.memory_space<semaphore_mem>> -> memref<!tpu.dma_semaphore, #tpu.memory_space<semaphore_mem>>
          tpu.wait_indirect_dma semaphore(%dma_wait3A_733 : memref<!tpu.dma_semaphore, #tpu.memory_space<semaphore_mem>>) src(%dma_wait3A_726 : memref<128x32xf32, #tpu.memory_space<vmem>>) dst(%dma_wait3A_731 : memref<10112x32xf32, #tpu.memory_space<vmem_shared>>)
        } else {
        }
        %add3A_626 = arith.constant 1 : i32
        %add3A_627 = arith.addi %scan3A_478, %add3A_626 : i32
        %mul3A_628 = arith.constant 4 : i32
        %mul3A_629 = arith.muli %add3A_627, %mul3A_628 : i32
        %add3A_630 = arith.constant 0 : i32
        %add3A_631 = arith.addi %mul3A_629, %add3A_630 : i32
        %add3A_632 = arith.constant 0 : i32
        %add3A_633 = arith.addi %mul3A_492, %add3A_632 : i32
        %mul3A_634 = arith.constant 128 : i32
        %mul3A_635 = arith.muli %add3A_631, %mul3A_634 : i32
        %dma_start3A_636 = arith.constant 0 : i32
        %dma_start3A_637 = arith.constant 0 : i32
        %dma_start3A_638 = tpu.memref_slice %arg7[%add3A_633, %dma_start3A_636, %dma_start3A_637] : memref<8x128x32xf32, #tpu.memory_space<vmem>> -> memref<1x128x32xf32, #tpu.memory_space<vmem>>
        %dma_start3A_639 = tpu.memref_squeeze %dma_start3A_638 : memref<1x128x32xf32, #tpu.memory_space<vmem>> -> memref<128x32xf32, #tpu.memory_space<vmem>>
        %dma_start3A_640 = tpu.memref_slice %arg5[%mul3A_635] : memref<10240xi32, #tpu.memory_space<vmem>> -> memref<128xi32, #tpu.memory_space<vmem>>
        %dma_start3A_641 = arith.constant 0 : i32
        %dma_start3A_642 = arith.constant 0 : i32
        %dma_start3A_643 = tpu.memref_slice %arg9[%dma_start3A_641, %dma_start3A_642] : memref<10112x32xf32, #tpu.memory_space<vmem_shared>> -> memref<10112x32xf32, #tpu.memory_space<vmem_shared>>
        %dma_start3A_644 = tpu.memref_slice %arg10[%add3A_633] : memref<8x!tpu.dma_semaphore, #tpu.memory_space<semaphore_mem>> -> memref<1x!tpu.dma_semaphore, #tpu.memory_space<semaphore_mem>>
        %dma_start3A_645 = tpu.memref_squeeze %dma_start3A_644 : memref<1x!tpu.dma_semaphore, #tpu.memory_space<semaphore_mem>> -> memref<!tpu.dma_semaphore, #tpu.memory_space<semaphore_mem>>
        tpu.enqueue_indirect_dma source(%dma_start3A_643 : memref<10112x32xf32, #tpu.memory_space<vmem_shared>>) target(%dma_start3A_639 : memref<128x32xf32, #tpu.memory_space<vmem>>) offsets(%dma_start3A_640 : memref<128xi32, #tpu.memory_space<vmem>>) semaphore(%dma_start3A_645 : memref<!tpu.dma_semaphore, #tpu.memory_space<semaphore_mem>>)
        %ge3A_646 = arith.constant 1 : i32
        %ge3A_647 = arith.cmpi sge, %scan3A_478, %ge3A_646 : i32
        %convert_element_type3A_648 = arith.extui %ge3A_647 : i1 to i32
        %cond3A_649 = arith.constant 0 : i32
        %cond3A_650 = arith.cmpi ne, %convert_element_type3A_648, %cond3A_649 : i32
        scf.if %cond3A_650 {
          %add3A_721 = arith.constant 1 : i32
          %add3A_722 = arith.addi %mul3A_492, %add3A_721 : i32
          %dma_wait3A_723 = arith.constant 0 : i32
          %dma_wait3A_724 = arith.constant 0 : i32
          %dma_wait3A_725 = tpu.memref_slice %arg7[%add3A_722, %dma_wait3A_723, %dma_wait3A_724] : memref<8x128x32xf32, #tpu.memory_space<vmem>> -> memref<1x128x32xf32, #tpu.memory_space<vmem>>
          %dma_wait3A_726 = tpu.memref_squeeze %dma_wait3A_725 : memref<1x128x32xf32, #tpu.memory_space<vmem>> -> memref<128x32xf32, #tpu.memory_space<vmem>>
          %dma_wait3A_727 = arith.constant 0 : i32
          %dma_wait3A_728 = tpu.memref_slice %arg6[%dma_wait3A_727] : memref<10240xi32, #tpu.memory_space<vmem>> -> memref<128xi32, #tpu.memory_space<vmem>>
          %dma_wait3A_729 = arith.constant 0 : i32
          %dma_wait3A_730 = arith.constant 0 : i32
          %dma_wait3A_731 = tpu.memref_slice %arg8[%dma_wait3A_729, %dma_wait3A_730] : memref<10112x32xf32, #tpu.memory_space<vmem_shared>> -> memref<10112x32xf32, #tpu.memory_space<vmem_shared>>
          %dma_wait3A_732 = tpu.memref_slice %arg11[%add3A_722] : memref<8x!tpu.dma_semaphore, #tpu.memory_space<semaphore_mem>> -> memref<1x!tpu.dma_semaphore, #tpu.memory_space<semaphore_mem>>
          %dma_wait3A_733 = tpu.memref_squeeze %dma_wait3A_732 : memref<1x!tpu.dma_semaphore, #tpu.memory_space<semaphore_mem>> -> memref<!tpu.dma_semaphore, #tpu.memory_space<semaphore_mem>>
          tpu.wait_indirect_dma semaphore(%dma_wait3A_733 : memref<!tpu.dma_semaphore, #tpu.memory_space<semaphore_mem>>) src(%dma_wait3A_726 : memref<128x32xf32, #tpu.memory_space<vmem>>) dst(%dma_wait3A_731 : memref<10112x32xf32, #tpu.memory_space<vmem_shared>>)
        } else {
        }
        %add3A_651 = arith.constant 1 : i32
        %add3A_652 = arith.addi %scan3A_478, %add3A_651 : i32
        %mul3A_653 = arith.constant 4 : i32
        %mul3A_654 = arith.muli %add3A_652, %mul3A_653 : i32
        %add3A_655 = arith.constant 1 : i32
        %add3A_656 = arith.addi %mul3A_654, %add3A_655 : i32
        %add3A_657 = arith.constant 1 : i32
        %add3A_658 = arith.addi %mul3A_492, %add3A_657 : i32
        %mul3A_659 = arith.constant 128 : i32
        %mul3A_660 = arith.muli %add3A_656, %mul3A_659 : i32
        %dma_start3A_661 = arith.constant 0 : i32
        %dma_start3A_662 = arith.constant 0 : i32
        %dma_start3A_663 = tpu.memref_slice %arg7[%add3A_658, %dma_start3A_661, %dma_start3A_662] : memref<8x128x32xf32, #tpu.memory_space<vmem>> -> memref<1x128x32xf32, #tpu.memory_space<vmem>>
        %dma_start3A_664 = tpu.memref_squeeze %dma_start3A_663 : memref<1x128x32xf32, #tpu.memory_space<vmem>> -> memref<128x32xf32, #tpu.memory_space<vmem>>
        %dma_start3A_665 = tpu.memref_slice %arg5[%mul3A_660] : memref<10240xi32, #tpu.memory_space<vmem>> -> memref<128xi32, #tpu.memory_space<vmem>>
        %dma_start3A_666 = arith.constant 0 : i32
        %dma_start3A_667 = arith.constant 0 : i32
        %dma_start3A_668 = tpu.memref_slice %arg9[%dma_start3A_666, %dma_start3A_667] : memref<10112x32xf32, #tpu.memory_space<vmem_shared>> -> memref<10112x32xf32, #tpu.memory_space<vmem_shared>>
        %dma_start3A_669 = tpu.memref_slice %arg10[%add3A_658] : memref<8x!tpu.dma_semaphore, #tpu.memory_space<semaphore_mem>> -> memref<1x!tpu.dma_semaphore, #tpu.memory_space<semaphore_mem>>
        %dma_start3A_670 = tpu.memref_squeeze %dma_start3A_669 : memref<1x!tpu.dma_semaphore, #tpu.memory_space<semaphore_mem>> -> memref<!tpu.dma_semaphore, #tpu.memory_space<semaphore_mem>>
        tpu.enqueue_indirect_dma source(%dma_start3A_668 : memref<10112x32xf32, #tpu.memory_space<vmem_shared>>) target(%dma_start3A_664 : memref<128x32xf32, #tpu.memory_space<vmem>>) offsets(%dma_start3A_665 : memref<128xi32, #tpu.memory_space<vmem>>) semaphore(%dma_start3A_670 : memref<!tpu.dma_semaphore, #tpu.memory_space<semaphore_mem>>)
        %ge3A_671 = arith.constant 1 : i32
        %ge3A_672 = arith.cmpi sge, %scan3A_478, %ge3A_671 : i32
        %convert_element_type3A_673 = arith.extui %ge3A_672 : i1 to i32
        %cond3A_674 = arith.constant 0 : i32
        %cond3A_675 = arith.cmpi ne, %convert_element_type3A_673, %cond3A_674 : i32
        scf.if %cond3A_675 {
          %add3A_721 = arith.constant 2 : i32
          %add3A_722 = arith.addi %mul3A_492, %add3A_721 : i32
          %dma_wait3A_723 = arith.constant 0 : i32
          %dma_wait3A_724 = arith.constant 0 : i32
          %dma_wait3A_725 = tpu.memref_slice %arg7[%add3A_722, %dma_wait3A_723, %dma_wait3A_724] : memref<8x128x32xf32, #tpu.memory_space<vmem>> -> memref<1x128x32xf32, #tpu.memory_space<vmem>>
          %dma_wait3A_726 = tpu.memref_squeeze %dma_wait3A_725 : memref<1x128x32xf32, #tpu.memory_space<vmem>> -> memref<128x32xf32, #tpu.memory_space<vmem>>
          %dma_wait3A_727 = arith.constant 0 : i32
          %dma_wait3A_728 = tpu.memref_slice %arg6[%dma_wait3A_727] : memref<10240xi32, #tpu.memory_space<vmem>> -> memref<128xi32, #tpu.memory_space<vmem>>
          %dma_wait3A_729 = arith.constant 0 : i32
          %dma_wait3A_730 = arith.constant 0 : i32
          %dma_wait3A_731 = tpu.memref_slice %arg8[%dma_wait3A_729, %dma_wait3A_730] : memref<10112x32xf32, #tpu.memory_space<vmem_shared>> -> memref<10112x32xf32, #tpu.memory_space<vmem_shared>>
          %dma_wait3A_732 = tpu.memref_slice %arg11[%add3A_722] : memref<8x!tpu.dma_semaphore, #tpu.memory_space<semaphore_mem>> -> memref<1x!tpu.dma_semaphore, #tpu.memory_space<semaphore_mem>>
          %dma_wait3A_733 = tpu.memref_squeeze %dma_wait3A_732 : memref<1x!tpu.dma_semaphore, #tpu.memory_space<semaphore_mem>> -> memref<!tpu.dma_semaphore, #tpu.memory_space<semaphore_mem>>
          tpu.wait_indirect_dma semaphore(%dma_wait3A_733 : memref<!tpu.dma_semaphore, #tpu.memory_space<semaphore_mem>>) src(%dma_wait3A_726 : memref<128x32xf32, #tpu.memory_space<vmem>>) dst(%dma_wait3A_731 : memref<10112x32xf32, #tpu.memory_space<vmem_shared>>)
        } else {
        }
        %add3A_676 = arith.constant 1 : i32
        %add3A_677 = arith.addi %scan3A_478, %add3A_676 : i32
        %mul3A_678 = arith.constant 4 : i32
        %mul3A_679 = arith.muli %add3A_677, %mul3A_678 : i32
        %add3A_680 = arith.constant 2 : i32
        %add3A_681 = arith.addi %mul3A_679, %add3A_680 : i32
        %add3A_682 = arith.constant 2 : i32
        %add3A_683 = arith.addi %mul3A_492, %add3A_682 : i32
        %mul3A_684 = arith.constant 128 : i32
        %mul3A_685 = arith.muli %add3A_681, %mul3A_684 : i32
        %dma_start3A_686 = arith.constant 0 : i32
        %dma_start3A_687 = arith.constant 0 : i32
        %dma_start3A_688 = tpu.memref_slice %arg7[%add3A_683, %dma_start3A_686, %dma_start3A_687] : memref<8x128x32xf32, #tpu.memory_space<vmem>> -> memref<1x128x32xf32, #tpu.memory_space<vmem>>
        %dma_start3A_689 = tpu.memref_squeeze %dma_start3A_688 : memref<1x128x32xf32, #tpu.memory_space<vmem>> -> memref<128x32xf32, #tpu.memory_space<vmem>>
        %dma_start3A_690 = tpu.memref_slice %arg5[%mul3A_685] : memref<10240xi32, #tpu.memory_space<vmem>> -> memref<128xi32, #tpu.memory_space<vmem>>
        %dma_start3A_691 = arith.constant 0 : i32
        %dma_start3A_692 = arith.constant 0 : i32
        %dma_start3A_693 = tpu.memref_slice %arg9[%dma_start3A_691, %dma_start3A_692] : memref<10112x32xf32, #tpu.memory_space<vmem_shared>> -> memref<10112x32xf32, #tpu.memory_space<vmem_shared>>
        %dma_start3A_694 = tpu.memref_slice %arg10[%add3A_683] : memref<8x!tpu.dma_semaphore, #tpu.memory_space<semaphore_mem>> -> memref<1x!tpu.dma_semaphore, #tpu.memory_space<semaphore_mem>>
        %dma_start3A_695 = tpu.memref_squeeze %dma_start3A_694 : memref<1x!tpu.dma_semaphore, #tpu.memory_space<semaphore_mem>> -> memref<!tpu.dma_semaphore, #tpu.memory_space<semaphore_mem>>
        tpu.enqueue_indirect_dma source(%dma_start3A_693 : memref<10112x32xf32, #tpu.memory_space<vmem_shared>>) target(%dma_start3A_689 : memref<128x32xf32, #tpu.memory_space<vmem>>) offsets(%dma_start3A_690 : memref<128xi32, #tpu.memory_space<vmem>>) semaphore(%dma_start3A_695 : memref<!tpu.dma_semaphore, #tpu.memory_space<semaphore_mem>>)
        %ge3A_696 = arith.constant 1 : i32
        %ge3A_697 = arith.cmpi sge, %scan3A_478, %ge3A_696 : i32
        %convert_element_type3A_698 = arith.extui %ge3A_697 : i1 to i32
        %cond3A_699 = arith.constant 0 : i32
        %cond3A_700 = arith.cmpi ne, %convert_element_type3A_698, %cond3A_699 : i32
        scf.if %cond3A_700 {
          %add3A_721 = arith.constant 3 : i32
          %add3A_722 = arith.addi %mul3A_492, %add3A_721 : i32
          %dma_wait3A_723 = arith.constant 0 : i32
          %dma_wait3A_724 = arith.constant 0 : i32
          %dma_wait3A_725 = tpu.memref_slice %arg7[%add3A_722, %dma_wait3A_723, %dma_wait3A_724] : memref<8x128x32xf32, #tpu.memory_space<vmem>> -> memref<1x128x32xf32, #tpu.memory_space<vmem>>
          %dma_wait3A_726 = tpu.memref_squeeze %dma_wait3A_725 : memref<1x128x32xf32, #tpu.memory_space<vmem>> -> memref<128x32xf32, #tpu.memory_space<vmem>>
          %dma_wait3A_727 = arith.constant 0 : i32
          %dma_wait3A_728 = tpu.memref_slice %arg6[%dma_wait3A_727] : memref<10240xi32, #tpu.memory_space<vmem>> -> memref<128xi32, #tpu.memory_space<vmem>>
          %dma_wait3A_729 = arith.constant 0 : i32
          %dma_wait3A_730 = arith.constant 0 : i32
          %dma_wait3A_731 = tpu.memref_slice %arg8[%dma_wait3A_729, %dma_wait3A_730] : memref<10112x32xf32, #tpu.memory_space<vmem_shared>> -> memref<10112x32xf32, #tpu.memory_space<vmem_shared>>
          %dma_wait3A_732 = tpu.memref_slice %arg11[%add3A_722] : memref<8x!tpu.dma_semaphore, #tpu.memory_space<semaphore_mem>> -> memref<1x!tpu.dma_semaphore, #tpu.memory_space<semaphore_mem>>
          %dma_wait3A_733 = tpu.memref_squeeze %dma_wait3A_732 : memref<1x!tpu.dma_semaphore, #tpu.memory_space<semaphore_mem>> -> memref<!tpu.dma_semaphore, #tpu.memory_space<semaphore_mem>>
          tpu.wait_indirect_dma semaphore(%dma_wait3A_733 : memref<!tpu.dma_semaphore, #tpu.memory_space<semaphore_mem>>) src(%dma_wait3A_726 : memref<128x32xf32, #tpu.memory_space<vmem>>) dst(%dma_wait3A_731 : memref<10112x32xf32, #tpu.memory_space<vmem_shared>>)
        } else {
        }
        %add3A_701 = arith.constant 1 : i32
        %add3A_702 = arith.addi %scan3A_478, %add3A_701 : i32
        %mul3A_703 = arith.constant 4 : i32
        %mul3A_704 = arith.muli %add3A_702, %mul3A_703 : i32
        %add3A_705 = arith.constant 3 : i32
        %add3A_706 = arith.addi %mul3A_704, %add3A_705 : i32
        %add3A_707 = arith.constant 3 : i32
        %add3A_708 = arith.addi %mul3A_492, %add3A_707 : i32
        %mul3A_709 = arith.constant 128 : i32
        %mul3A_710 = arith.muli %add3A_706, %mul3A_709 : i32
        %dma_start3A_711 = arith.constant 0 : i32
        %dma_start3A_712 = arith.constant 0 : i32
        %dma_start3A_713 = tpu.memref_slice %arg7[%add3A_708, %dma_start3A_711, %dma_start3A_712] : memref<8x128x32xf32, #tpu.memory_space<vmem>> -> memref<1x128x32xf32, #tpu.memory_space<vmem>>
        %dma_start3A_714 = tpu.memref_squeeze %dma_start3A_713 : memref<1x128x32xf32, #tpu.memory_space<vmem>> -> memref<128x32xf32, #tpu.memory_space<vmem>>
        %dma_start3A_715 = tpu.memref_slice %arg5[%mul3A_710] : memref<10240xi32, #tpu.memory_space<vmem>> -> memref<128xi32, #tpu.memory_space<vmem>>
        %dma_start3A_716 = arith.constant 0 : i32
        %dma_start3A_717 = arith.constant 0 : i32
        %dma_start3A_718 = tpu.memref_slice %arg9[%dma_start3A_716, %dma_start3A_717] : memref<10112x32xf32, #tpu.memory_space<vmem_shared>> -> memref<10112x32xf32, #tpu.memory_space<vmem_shared>>
        %dma_start3A_719 = tpu.memref_slice %arg10[%add3A_708] : memref<8x!tpu.dma_semaphore, #tpu.memory_space<semaphore_mem>> -> memref<1x!tpu.dma_semaphore, #tpu.memory_space<semaphore_mem>>
        %dma_start3A_720 = tpu.memref_squeeze %dma_start3A_719 : memref<1x!tpu.dma_semaphore, #tpu.memory_space<semaphore_mem>> -> memref<!tpu.dma_semaphore, #tpu.memory_space<semaphore_mem>>
        tpu.enqueue_indirect_dma source(%dma_start3A_718 : memref<10112x32xf32, #tpu.memory_space<vmem_shared>>) target(%dma_start3A_714 : memref<128x32xf32, #tpu.memory_space<vmem>>) offsets(%dma_start3A_715 : memref<128xi32, #tpu.memory_space<vmem>>) semaphore(%dma_start3A_720 : memref<!tpu.dma_semaphore, #tpu.memory_space<semaphore_mem>>)
      } else {
      }
    }
    %scan3A_369 = arith.constant 20 : i32
    %dma_wait3A = arith.constant 0 : i32
    %dma_wait3A_370 = arith.constant 0 : i32
    %dma_wait3A_371 = arith.constant 0 : i32
    %dma_wait3A_372 = arith.constant 0 : i32
    %dma_wait3A_373 = tpu.memref_slice %arg7[%dma_wait3A, %dma_wait3A_371, %dma_wait3A_372] : memref<8x128x32xf32, #tpu.memory_space<vmem>> -> memref<1x128x32xf32, #tpu.memory_space<vmem>>
    %dma_wait3A_374 = tpu.memref_squeeze %dma_wait3A_373 : memref<1x128x32xf32, #tpu.memory_space<vmem>> -> memref<128x32xf32, #tpu.memory_space<vmem>>
    %dma_wait3A_375 = arith.constant 0 : i32
    %dma_wait3A_376 = tpu.memref_slice %arg6[%dma_wait3A_375] : memref<10240xi32, #tpu.memory_space<vmem>> -> memref<128xi32, #tpu.memory_space<vmem>>
    %dma_wait3A_377 = arith.constant 0 : i32
    %dma_wait3A_378 = arith.constant 0 : i32
    %dma_wait3A_379 = tpu.memref_slice %arg8[%dma_wait3A_377, %dma_wait3A_378] : memref<10112x32xf32, #tpu.memory_space<vmem_shared>> -> memref<10112x32xf32, #tpu.memory_space<vmem_shared>>
    %dma_wait3A_380 = tpu.memref_slice %arg11[%dma_wait3A_370] : memref<8x!tpu.dma_semaphore, #tpu.memory_space<semaphore_mem>> -> memref<1x!tpu.dma_semaphore, #tpu.memory_space<semaphore_mem>>
    %dma_wait3A_381 = tpu.memref_squeeze %dma_wait3A_380 : memref<1x!tpu.dma_semaphore, #tpu.memory_space<semaphore_mem>> -> memref<!tpu.dma_semaphore, #tpu.memory_space<semaphore_mem>>
    tpu.wait_indirect_dma semaphore(%dma_wait3A_381 : memref<!tpu.dma_semaphore, #tpu.memory_space<semaphore_mem>>) src(%dma_wait3A_374 : memref<128x32xf32, #tpu.memory_space<vmem>>) dst(%dma_wait3A_379 : memref<10112x32xf32, #tpu.memory_space<vmem_shared>>)
    %dma_wait3A_382 = arith.constant 1 : i32
    %dma_wait3A_383 = arith.constant 1 : i32
    %dma_wait3A_384 = arith.constant 0 : i32
    %dma_wait3A_385 = arith.constant 0 : i32
    %dma_wait3A_386 = tpu.memref_slice %arg7[%dma_wait3A_382, %dma_wait3A_384, %dma_wait3A_385] : memref<8x128x32xf32, #tpu.memory_space<vmem>> -> memref<1x128x32xf32, #tpu.memory_space<vmem>>
    %dma_wait3A_387 = tpu.memref_squeeze %dma_wait3A_386 : memref<1x128x32xf32, #tpu.memory_space<vmem>> -> memref<128x32xf32, #tpu.memory_space<vmem>>
    %dma_wait3A_388 = arith.constant 0 : i32
    %dma_wait3A_389 = tpu.memref_slice %arg6[%dma_wait3A_388] : memref<10240xi32, #tpu.memory_space<vmem>> -> memref<128xi32, #tpu.memory_space<vmem>>
    %dma_wait3A_390 = arith.constant 0 : i32
    %dma_wait3A_391 = arith.constant 0 : i32
    %dma_wait3A_392 = tpu.memref_slice %arg8[%dma_wait3A_390, %dma_wait3A_391] : memref<10112x32xf32, #tpu.memory_space<vmem_shared>> -> memref<10112x32xf32, #tpu.memory_space<vmem_shared>>
    %dma_wait3A_393 = tpu.memref_slice %arg11[%dma_wait3A_383] : memref<8x!tpu.dma_semaphore, #tpu.memory_space<semaphore_mem>> -> memref<1x!tpu.dma_semaphore, #tpu.memory_space<semaphore_mem>>
    %dma_wait3A_394 = tpu.memref_squeeze %dma_wait3A_393 : memref<1x!tpu.dma_semaphore, #tpu.memory_space<semaphore_mem>> -> memref<!tpu.dma_semaphore, #tpu.memory_space<semaphore_mem>>
    tpu.wait_indirect_dma semaphore(%dma_wait3A_394 : memref<!tpu.dma_semaphore, #tpu.memory_space<semaphore_mem>>) src(%dma_wait3A_387 : memref<128x32xf32, #tpu.memory_space<vmem>>) dst(%dma_wait3A_392 : memref<10112x32xf32, #tpu.memory_space<vmem_shared>>)
    %dma_wait3A_395 = arith.constant 2 : i32
    %dma_wait3A_396 = arith.constant 2 : i32
    %dma_wait3A_397 = arith.constant 0 : i32
    %dma_wait3A_398 = arith.constant 0 : i32
    %dma_wait3A_399 = tpu.memref_slice %arg7[%dma_wait3A_395, %dma_wait3A_397, %dma_wait3A_398] : memref<8x128x32xf32, #tpu.memory_space<vmem>> -> memref<1x128x32xf32, #tpu.memory_space<vmem>>
    %dma_wait3A_400 = tpu.memref_squeeze %dma_wait3A_399 : memref<1x128x32xf32, #tpu.memory_space<vmem>> -> memref<128x32xf32, #tpu.memory_space<vmem>>
    %dma_wait3A_401 = arith.constant 0 : i32
    %dma_wait3A_402 = tpu.memref_slice %arg6[%dma_wait3A_401] : memref<10240xi32, #tpu.memory_space<vmem>> -> memref<128xi32, #tpu.memory_space<vmem>>
    %dma_wait3A_403 = arith.constant 0 : i32
    %dma_wait3A_404 = arith.constant 0 : i32
    %dma_wait3A_405 = tpu.memref_slice %arg8[%dma_wait3A_403, %dma_wait3A_404] : memref<10112x32xf32, #tpu.memory_space<vmem_shared>> -> memref<10112x32xf32, #tpu.memory_space<vmem_shared>>
    %dma_wait3A_406 = tpu.memref_slice %arg11[%dma_wait3A_396] : memref<8x!tpu.dma_semaphore, #tpu.memory_space<semaphore_mem>> -> memref<1x!tpu.dma_semaphore, #tpu.memory_space<semaphore_mem>>
    %dma_wait3A_407 = tpu.memref_squeeze %dma_wait3A_406 : memref<1x!tpu.dma_semaphore, #tpu.memory_space<semaphore_mem>> -> memref<!tpu.dma_semaphore, #tpu.memory_space<semaphore_mem>>
    tpu.wait_indirect_dma semaphore(%dma_wait3A_407 : memref<!tpu.dma_semaphore, #tpu.memory_space<semaphore_mem>>) src(%dma_wait3A_400 : memref<128x32xf32, #tpu.memory_space<vmem>>) dst(%dma_wait3A_405 : memref<10112x32xf32, #tpu.memory_space<vmem_shared>>)
    %dma_wait3A_408 = arith.constant 3 : i32
    %dma_wait3A_409 = arith.constant 3 : i32
    %dma_wait3A_410 = arith.constant 0 : i32
    %dma_wait3A_411 = arith.constant 0 : i32
    %dma_wait3A_412 = tpu.memref_slice %arg7[%dma_wait3A_408, %dma_wait3A_410, %dma_wait3A_411] : memref<8x128x32xf32, #tpu.memory_space<vmem>> -> memref<1x128x32xf32, #tpu.memory_space<vmem>>
    %dma_wait3A_413 = tpu.memref_squeeze %dma_wait3A_412 : memref<1x128x32xf32, #tpu.memory_space<vmem>> -> memref<128x32xf32, #tpu.memory_space<vmem>>
    %dma_wait3A_414 = arith.constant 0 : i32
    %dma_wait3A_415 = tpu.memref_slice %arg6[%dma_wait3A_414] : memref<10240xi32, #tpu.memory_space<vmem>> -> memref<128xi32, #tpu.memory_space<vmem>>
    %dma_wait3A_416 = arith.constant 0 : i32
    %dma_wait3A_417 = arith.constant 0 : i32
    %dma_wait3A_418 = tpu.memref_slice %arg8[%dma_wait3A_416, %dma_wait3A_417] : memref<10112x32xf32, #tpu.memory_space<vmem_shared>> -> memref<10112x32xf32, #tpu.memory_space<vmem_shared>>
    %dma_wait3A_419 = tpu.memref_slice %arg11[%dma_wait3A_409] : memref<8x!tpu.dma_semaphore, #tpu.memory_space<semaphore_mem>> -> memref<1x!tpu.dma_semaphore, #tpu.memory_space<semaphore_mem>>
    %dma_wait3A_420 = tpu.memref_squeeze %dma_wait3A_419 : memref<1x!tpu.dma_semaphore, #tpu.memory_space<semaphore_mem>> -> memref<!tpu.dma_semaphore, #tpu.memory_space<semaphore_mem>>
    tpu.wait_indirect_dma semaphore(%dma_wait3A_420 : memref<!tpu.dma_semaphore, #tpu.memory_space<semaphore_mem>>) src(%dma_wait3A_413 : memref<128x32xf32, #tpu.memory_space<vmem>>) dst(%dma_wait3A_418 : memref<10112x32xf32, #tpu.memory_space<vmem_shared>>)
    %dma_wait3A_421 = arith.constant 4 : i32
    %dma_wait3A_422 = arith.constant 4 : i32
    %dma_wait3A_423 = arith.constant 0 : i32
    %dma_wait3A_424 = arith.constant 0 : i32
    %dma_wait3A_425 = tpu.memref_slice %arg7[%dma_wait3A_421, %dma_wait3A_423, %dma_wait3A_424] : memref<8x128x32xf32, #tpu.memory_space<vmem>> -> memref<1x128x32xf32, #tpu.memory_space<vmem>>
    %dma_wait3A_426 = tpu.memref_squeeze %dma_wait3A_425 : memref<1x128x32xf32, #tpu.memory_space<vmem>> -> memref<128x32xf32, #tpu.memory_space<vmem>>
    %dma_wait3A_427 = arith.constant 0 : i32
    %dma_wait3A_428 = tpu.memref_slice %arg6[%dma_wait3A_427] : memref<10240xi32, #tpu.memory_space<vmem>> -> memref<128xi32, #tpu.memory_space<vmem>>
    %dma_wait3A_429 = arith.constant 0 : i32
    %dma_wait3A_430 = arith.constant 0 : i32
    %dma_wait3A_431 = tpu.memref_slice %arg8[%dma_wait3A_429, %dma_wait3A_430] : memref<10112x32xf32, #tpu.memory_space<vmem_shared>> -> memref<10112x32xf32, #tpu.memory_space<vmem_shared>>
    %dma_wait3A_432 = tpu.memref_slice %arg11[%dma_wait3A_422] : memref<8x!tpu.dma_semaphore, #tpu.memory_space<semaphore_mem>> -> memref<1x!tpu.dma_semaphore, #tpu.memory_space<semaphore_mem>>
    %dma_wait3A_433 = tpu.memref_squeeze %dma_wait3A_432 : memref<1x!tpu.dma_semaphore, #tpu.memory_space<semaphore_mem>> -> memref<!tpu.dma_semaphore, #tpu.memory_space<semaphore_mem>>
    tpu.wait_indirect_dma semaphore(%dma_wait3A_433 : memref<!tpu.dma_semaphore, #tpu.memory_space<semaphore_mem>>) src(%dma_wait3A_426 : memref<128x32xf32, #tpu.memory_space<vmem>>) dst(%dma_wait3A_431 : memref<10112x32xf32, #tpu.memory_space<vmem_shared>>)
    %dma_wait3A_434 = arith.constant 5 : i32
    %dma_wait3A_435 = arith.constant 5 : i32
    %dma_wait3A_436 = arith.constant 0 : i32
    %dma_wait3A_437 = arith.constant 0 : i32
    %dma_wait3A_438 = tpu.memref_slice %arg7[%dma_wait3A_434, %dma_wait3A_436, %dma_wait3A_437] : memref<8x128x32xf32, #tpu.memory_space<vmem>> -> memref<1x128x32xf32, #tpu.memory_space<vmem>>
    %dma_wait3A_439 = tpu.memref_squeeze %dma_wait3A_438 : memref<1x128x32xf32, #tpu.memory_space<vmem>> -> memref<128x32xf32, #tpu.memory_space<vmem>>
    %dma_wait3A_440 = arith.constant 0 : i32
    %dma_wait3A_441 = tpu.memref_slice %arg6[%dma_wait3A_440] : memref<10240xi32, #tpu.memory_space<vmem>> -> memref<128xi32, #tpu.memory_space<vmem>>
    %dma_wait3A_442 = arith.constant 0 : i32
    %dma_wait3A_443 = arith.constant 0 : i32
    %dma_wait3A_444 = tpu.memref_slice %arg8[%dma_wait3A_442, %dma_wait3A_443] : memref<10112x32xf32, #tpu.memory_space<vmem_shared>> -> memref<10112x32xf32, #tpu.memory_space<vmem_shared>>
    %dma_wait3A_445 = tpu.memref_slice %arg11[%dma_wait3A_435] : memref<8x!tpu.dma_semaphore, #tpu.memory_space<semaphore_mem>> -> memref<1x!tpu.dma_semaphore, #tpu.memory_space<semaphore_mem>>
    %dma_wait3A_446 = tpu.memref_squeeze %dma_wait3A_445 : memref<1x!tpu.dma_semaphore, #tpu.memory_space<semaphore_mem>> -> memref<!tpu.dma_semaphore, #tpu.memory_space<semaphore_mem>>
    tpu.wait_indirect_dma semaphore(%dma_wait3A_446 : memref<!tpu.dma_semaphore, #tpu.memory_space<semaphore_mem>>) src(%dma_wait3A_439 : memref<128x32xf32, #tpu.memory_space<vmem>>) dst(%dma_wait3A_444 : memref<10112x32xf32, #tpu.memory_space<vmem_shared>>)
    %dma_wait3A_447 = arith.constant 6 : i32
    %dma_wait3A_448 = arith.constant 6 : i32
    %dma_wait3A_449 = arith.constant 0 : i32
    %dma_wait3A_450 = arith.constant 0 : i32
    %dma_wait3A_451 = tpu.memref_slice %arg7[%dma_wait3A_447, %dma_wait3A_449, %dma_wait3A_450] : memref<8x128x32xf32, #tpu.memory_space<vmem>> -> memref<1x128x32xf32, #tpu.memory_space<vmem>>
    %dma_wait3A_452 = tpu.memref_squeeze %dma_wait3A_451 : memref<1x128x32xf32, #tpu.memory_space<vmem>> -> memref<128x32xf32, #tpu.memory_space<vmem>>
    %dma_wait3A_453 = arith.constant 0 : i32
    %dma_wait3A_454 = tpu.memref_slice %arg6[%dma_wait3A_453] : memref<10240xi32, #tpu.memory_space<vmem>> -> memref<128xi32, #tpu.memory_space<vmem>>
    %dma_wait3A_455 = arith.constant 0 : i32
    %dma_wait3A_456 = arith.constant 0 : i32
    %dma_wait3A_457 = tpu.memref_slice %arg8[%dma_wait3A_455, %dma_wait3A_456] : memref<10112x32xf32, #tpu.memory_space<vmem_shared>> -> memref<10112x32xf32, #tpu.memory_space<vmem_shared>>
    %dma_wait3A_458 = tpu.memref_slice %arg11[%dma_wait3A_448] : memref<8x!tpu.dma_semaphore, #tpu.memory_space<semaphore_mem>> -> memref<1x!tpu.dma_semaphore, #tpu.memory_space<semaphore_mem>>
    %dma_wait3A_459 = tpu.memref_squeeze %dma_wait3A_458 : memref<1x!tpu.dma_semaphore, #tpu.memory_space<semaphore_mem>> -> memref<!tpu.dma_semaphore, #tpu.memory_space<semaphore_mem>>
    tpu.wait_indirect_dma semaphore(%dma_wait3A_459 : memref<!tpu.dma_semaphore, #tpu.memory_space<semaphore_mem>>) src(%dma_wait3A_452 : memref<128x32xf32, #tpu.memory_space<vmem>>) dst(%dma_wait3A_457 : memref<10112x32xf32, #tpu.memory_space<vmem_shared>>)
    %dma_wait3A_460 = arith.constant 7 : i32
    %dma_wait3A_461 = arith.constant 7 : i32
    %dma_wait3A_462 = arith.constant 0 : i32
    %dma_wait3A_463 = arith.constant 0 : i32
    %dma_wait3A_464 = tpu.memref_slice %arg7[%dma_wait3A_460, %dma_wait3A_462, %dma_wait3A_463] : memref<8x128x32xf32, #tpu.memory_space<vmem>> -> memref<1x128x32xf32, #tpu.memory_space<vmem>>
    %dma_wait3A_465 = tpu.memref_squeeze %dma_wait3A_464 : memref<1x128x32xf32, #tpu.memory_space<vmem>> -> memref<128x32xf32, #tpu.memory_space<vmem>>
    %dma_wait3A_466 = arith.constant 0 : i32
    %dma_wait3A_467 = tpu.memref_slice %arg6[%dma_wait3A_466] : memref<10240xi32, #tpu.memory_space<vmem>> -> memref<128xi32, #tpu.memory_space<vmem>>
    %dma_wait3A_468 = arith.constant 0 : i32
    %dma_wait3A_469 = arith.constant 0 : i32
    %dma_wait3A_470 = tpu.memref_slice %arg8[%dma_wait3A_468, %dma_wait3A_469] : memref<10112x32xf32, #tpu.memory_space<vmem_shared>> -> memref<10112x32xf32, #tpu.memory_space<vmem_shared>>
    %dma_wait3A_471 = tpu.memref_slice %arg11[%dma_wait3A_461] : memref<8x!tpu.dma_semaphore, #tpu.memory_space<semaphore_mem>> -> memref<1x!tpu.dma_semaphore, #tpu.memory_space<semaphore_mem>>
    %dma_wait3A_472 = tpu.memref_squeeze %dma_wait3A_471 : memref<1x!tpu.dma_semaphore, #tpu.memory_space<semaphore_mem>> -> memref<!tpu.dma_semaphore, #tpu.memory_space<semaphore_mem>>
    tpu.wait_indirect_dma semaphore(%dma_wait3A_472 : memref<!tpu.dma_semaphore, #tpu.memory_space<semaphore_mem>>) src(%dma_wait3A_465 : memref<128x32xf32, #tpu.memory_space<vmem>>) dst(%dma_wait3A_470 : memref<10112x32xf32, #tpu.memory_space<vmem_shared>>)
    %barrier3A_473 = arith.constant 0 : index
    tpu.barrier barrier_id(%barrier3A_473)
    %mul3A_474 = arith.constant 632 : i32
    %mul3A_475 = arith.muli %arg1, %mul3A_474 : i32
    %mul3A_476 = arith.constant 632 : i32
    %mul3A_477 = arith.muli %arg1, %mul3A_476 : i32
    "tpu.region"() ({
      %run_scoped3A_478 = tpu.sem_alloc : memref<!tpu.dma_semaphore, #tpu.memory_space<semaphore_mem>>
      %dma_start3A_479 = arith.constant 0 : i32
      %dma_start3A_480 = tpu.memref_slice %arg4[%arg0, %mul3A_477, %dma_start3A_479] : memref<2x10112x32xf32, #tpu.memory_space<hbm>> -> memref<1x632x32xf32, #tpu.memory_space<hbm>>
      %dma_start3A_481 = tpu.memref_squeeze %dma_start3A_480 : memref<1x632x32xf32, #tpu.memory_space<hbm>> -> memref<632x32xf32, #tpu.memory_space<hbm>>
      %dma_start3A_482 = arith.constant 0 : i32
      %dma_start3A_483 = tpu.memref_slice %arg8[%mul3A_475, %dma_start3A_482] : memref<10112x32xf32, #tpu.memory_space<vmem_shared>> -> memref<632x32xf32, #tpu.memory_space<vmem_shared>>
      tpu.enqueue_dma source(%dma_start3A_483 : memref<632x32xf32, #tpu.memory_space<vmem_shared>>) target(%dma_start3A_481 : memref<632x32xf32, #tpu.memory_space<hbm>>) target_semaphore(%run_scoped3A_478 : memref<!tpu.dma_semaphore, #tpu.memory_space<semaphore_mem>>)
      %dma_wait3A_484 = arith.constant 0 : i32
      %dma_wait3A_485 = tpu.memref_slice %arg4[%arg0, %mul3A_477, %dma_wait3A_484] : memref<2x10112x32xf32, #tpu.memory_space<hbm>> -> memref<1x632x32xf32, #tpu.memory_space<hbm>>
      %dma_wait3A_486 = tpu.memref_squeeze %dma_wait3A_485 : memref<1x632x32xf32, #tpu.memory_space<hbm>> -> memref<632x32xf32, #tpu.memory_space<hbm>>
      %dma_wait3A_487 = arith.constant 0 : i32
      %dma_wait3A_488 = tpu.memref_slice %arg8[%mul3A_475, %dma_wait3A_487] : memref<10112x32xf32, #tpu.memory_space<vmem_shared>> -> memref<632x32xf32, #tpu.memory_space<vmem_shared>>
      tpu.wait_dma2 semaphore(%run_scoped3A_478 : memref<!tpu.dma_semaphore, #tpu.memory_space<semaphore_mem>>) src(%dma_wait3A_488 : memref<632x32xf32, #tpu.memory_space<vmem_shared>>) dst(%dma_wait3A_486 : memref<632x32xf32, #tpu.memory_space<hbm>>)
      tpu.yield
    }) : () -> ()
    return
  }
}

module attributes {stable_mosaic.version = 14 : i64} {
  func.func @body(%arg0: memref<10000x128xf32, #tpu.memory_space<vmem>>, %arg1: memref<128x32xf32, #tpu.memory_space<vmem>>, %arg2: memref<1x32xf32, #tpu.memory_space<vmem>>, %arg3: memref<10112x32xf32, #tpu.memory_space<vmem>>) attributes {dimension_semantics = [], scalar_prefetch = 0 : i64, scratch_operands = 0 : i64, tpu.core_type = #tpu.core_type<tc>} {
    %get3A = arith.constant 0 : index
    %get3A_0 = arith.constant 0 : index
    %get3A_1 = vector.load %arg0[%get3A, %get3A_0] : memref<10000x128xf32, #tpu.memory_space<vmem>>, vector<10000x128xf32>
    %get3A_2 = arith.constant 0 : index
    %get3A_3 = arith.constant 0 : index
    %get3A_4 = vector.load %arg1[%get3A_2, %get3A_3] : memref<128x32xf32, #tpu.memory_space<vmem>>, vector<128x32xf32>
    %dot_general3A = arith.constant dense<0.000000e+00> : vector<10000x32xf32>
    %dot_general3A_5 = tpu.matmul %get3A_1, %get3A_4, %dot_general3A {dimension_numbers = #tpu.dot_dimension_numbers<[1], [0], [0], [1], [0, 0, 1, 1], [], []>, transpose_lhs_hint = false} : vector<10000x128xf32>, vector<128x32xf32>, vector<10000x32xf32> -> vector<10000x32xf32>
    %get3A_6 = arith.constant 0 : index
    %get3A_7 = arith.constant 0 : index
    %get3A_8 = vector.load %arg2[%get3A_6, %get3A_7] : memref<1x32xf32, #tpu.memory_space<vmem>>, vector<1x32xf32>
    %add3A = vector.broadcast %get3A_8 : vector<1x32xf32> to vector<10000x32xf32>
    %add3A_9 = arith.addf %dot_general3A_5, %add3A : vector<10000x32xf32>
    %swap3A = arith.constant 0 : index
    %swap3A_10 = arith.constant 0 : index
    %swap3A_11 = vector.load %arg3[%swap3A, %swap3A_10] : memref<10112x32xf32, #tpu.memory_space<vmem>>, vector<10000x32xf32>
    tpu.vector_store %arg3[%swap3A, %swap3A_10], %add3A_9 {strides = array<i32>} : memref<10112x32xf32, #tpu.memory_space<vmem>>, vector<10000x32xf32>,
    %broadcast_in_dim3A = arith.constant 0.000000e+00 : f32
    %broadcast_in_dim3A_12 = vector.broadcast %broadcast_in_dim3A : f32 to vector<112x32xf32>
    %swap3A_13 = arith.constant 10000 : index
    %swap3A_14 = arith.constant 0 : index
    %swap3A_15 = vector.load %arg3[%swap3A_13, %swap3A_14] : memref<10112x32xf32, #tpu.memory_space<vmem>>, vector<112x32xf32>
    tpu.vector_store %arg3[%swap3A_13, %swap3A_14], %broadcast_in_dim3A_12 {strides = array<i32>} : memref<10112x32xf32, #tpu.memory_space<vmem>>, vector<112x32xf32>,
    return
  }
}

module attributes {stable_mosaic.version = 14 : i64} {
  func.func @body(%arg0: memref<10112x32xf32, #tpu.memory_space<vmem>>, %arg1: memref<2x10112x16xf32, #tpu.memory_space<vmem>>, %arg2: memref<10112x48xf32, #tpu.memory_space<vmem>>, %arg3: memref<10112x16xf32, #tpu.memory_space<vmem>>) attributes {dimension_semantics = [], scalar_prefetch = 0 : i64, scratch_operands = 0 : i64, tpu.core_type = #tpu.core_type<tc>} {
    %get3A = arith.constant 0 : index
    %get3A_0 = arith.constant 0 : index
    %get3A_1 = arith.constant 0 : index
    %get3A_2 = vector.load %arg1[%get3A, %get3A_0, %get3A_1] : memref<2x10112x16xf32, #tpu.memory_space<vmem>>, vector<1x10112x16xf32>
    %get3A_3 = vector.shape_cast %get3A_2 : vector<1x10112x16xf32> to vector<10112x16xf32>
    %get3A_4 = arith.constant 1 : index
    %get3A_5 = arith.constant 0 : index
    %get3A_6 = arith.constant 0 : index
    %get3A_7 = vector.load %arg1[%get3A_4, %get3A_5, %get3A_6] : memref<2x10112x16xf32, #tpu.memory_space<vmem>>, vector<1x10112x16xf32>
    %get3A_8 = vector.shape_cast %get3A_7 : vector<1x10112x16xf32> to vector<10112x16xf32>
    %add3A = arith.addf %get3A_3, %get3A_8 : vector<10112x16xf32>
    %slice3A = vector.extract_strided_slice %add3A {offsets = [0, 0], sizes = [10112, 1], strides = [1, 1]} : vector<10112x16xf32> to vector<10112x1xf32>
    %add3A_9 = arith.constant 1.000000e+00 : f32
    %add3A_10 = vector.broadcast %add3A_9 : f32 to vector<10112x1xf32>
    %add3A_11 = arith.addf %slice3A, %add3A_10 : vector<10112x1xf32>
    %rsqrt3A = math.rsqrt %add3A_11 : vector<10112x1xf32>
    %broadcast_in_dim3A = vector.shape_cast %rsqrt3A : vector<10112x1xf32> to vector<10112x1xf32>
    %broadcast_in_dim3A_12 = vector.broadcast %broadcast_in_dim3A : vector<10112x1xf32> to vector<10112x16xf32>
    %get3A_13 = arith.constant 0 : index
    %get3A_14 = arith.constant 0 : index
    %get3A_15 = vector.load %arg0[%get3A_13, %get3A_14] : memref<10112x32xf32, #tpu.memory_space<vmem>>, vector<10112x32xf32>
    %mul3A = vector.broadcast %rsqrt3A : vector<10112x1xf32> to vector<10112x32xf32>
    %mul3A_16 = arith.mulf %get3A_15, %mul3A : vector<10112x32xf32>
    %concatenate3A = tpu.concatenate %mul3A_16, %broadcast_in_dim3A_12 in 1 : vector<10112x32xf32>, vector<10112x16xf32> -> vector<10112x48xf32>
    %swap3A = arith.constant 0 : index
    %swap3A_17 = arith.constant 0 : index
    %swap3A_18 = vector.load %arg2[%swap3A, %swap3A_17] : memref<10112x48xf32, #tpu.memory_space<vmem>>, vector<10112x48xf32>
    tpu.vector_store %arg2[%swap3A, %swap3A_17], %concatenate3A {strides = array<i32>} : memref<10112x48xf32, #tpu.memory_space<vmem>>, vector<10112x48xf32>,
    %swap3A_19 = arith.constant 0 : index
    %swap3A_20 = arith.constant 0 : index
    %swap3A_21 = vector.load %arg3[%swap3A_19, %swap3A_20] : memref<10112x16xf32, #tpu.memory_space<vmem>>, vector<10112x16xf32>
    tpu.vector_store %arg3[%swap3A_19, %swap3A_20], %broadcast_in_dim3A_12 {strides = array<i32>} : memref<10112x16xf32, #tpu.memory_space<vmem>>, vector<10112x16xf32>,
    return
  }
}

module attributes {stable_mosaic.version = 14 : i64} {
  func.func @body(%arg0: memref<2x10112x48xf32, #tpu.memory_space<vmem>>, %arg1: memref<10112x48xf32, #tpu.memory_space<vmem>>, %arg2: memref<10112x16xf32, #tpu.memory_space<vmem>>, %arg3: memref<10112x32xf32, #tpu.memory_space<vmem>>, %arg4: memref<10112x16xf32, #tpu.memory_space<vmem>>) attributes {dimension_semantics = [], scalar_prefetch = 0 : i64, scratch_operands = 0 : i64, tpu.core_type = #tpu.core_type<tc>} {
    %get3A = arith.constant 0 : index
    %get3A_0 = arith.constant 0 : index
    %get3A_1 = vector.load %arg2[%get3A, %get3A_0] : memref<10112x16xf32, #tpu.memory_space<vmem>>, vector<10112x1xf32>
    %get3A_2 = arith.constant 0 : index
    %get3A_3 = arith.constant 0 : index
    %get3A_4 = arith.constant 0 : index
    %get3A_5 = vector.load %arg0[%get3A_2, %get3A_3, %get3A_4] : memref<2x10112x48xf32, #tpu.memory_space<vmem>>, vector<1x10112x48xf32>
    %get3A_6 = vector.shape_cast %get3A_5 : vector<1x10112x48xf32> to vector<10112x48xf32>
    %get3A_7 = arith.constant 1 : index
    %get3A_8 = arith.constant 0 : index
    %get3A_9 = arith.constant 0 : index
    %get3A_10 = vector.load %arg0[%get3A_7, %get3A_8, %get3A_9] : memref<2x10112x48xf32, #tpu.memory_space<vmem>>, vector<1x10112x48xf32>
    %get3A_11 = vector.shape_cast %get3A_10 : vector<1x10112x48xf32> to vector<10112x48xf32>
    %add3A = arith.addf %get3A_6, %get3A_11 : vector<10112x48xf32>
    %slice3A = vector.extract_strided_slice %add3A {offsets = [0, 0], sizes = [10112, 32], strides = [1, 1]} : vector<10112x48xf32> to vector<10112x32xf32>
    %get3A_12 = arith.constant 0 : index
    %get3A_13 = arith.constant 0 : index
    %get3A_14 = vector.load %arg1[%get3A_12, %get3A_13] : memref<10112x48xf32, #tpu.memory_space<vmem>>, vector<10112x32xf32>
    %sub3A = arith.subf %slice3A, %get3A_14 : vector<10112x32xf32>
    %mul3A = vector.broadcast %get3A_1 : vector<10112x1xf32> to vector<10112x32xf32>
    %mul3A_15 = arith.mulf %mul3A, %sub3A : vector<10112x32xf32>
    %gt3A = arith.constant 0.000000e+00 : f32
    %gt3A_16 = vector.broadcast %gt3A : f32 to vector<10112x32xf32>
    %gt3A_17 = arith.cmpf ogt, %mul3A_15, %gt3A_16 : vector<10112x32xf32>
    %min3A = arith.constant 0.000000e+00 : f32
    %min3A_18 = vector.broadcast %min3A : f32 to vector<10112x32xf32>
    %min3A_19 = arith.minimumf %mul3A_15, %min3A_18 : vector<10112x32xf32>
    %exp3A = math.exp %min3A_19 : vector<10112x32xf32>
    %sub3A_20 = arith.constant 1.000000e+00 : f32
    %sub3A_21 = vector.broadcast %sub3A_20 : f32 to vector<10112x32xf32>
    %sub3A_22 = arith.subf %exp3A, %sub3A_21 : vector<10112x32xf32>
    %select_n3A = arith.select %gt3A_17, %mul3A_15, %sub3A_22 : vector<10112x32xi1>, vector<10112x32xf32>
    %mul3A_23 = vector.broadcast %get3A_1 : vector<10112x1xf32> to vector<10112x32xf32>
    %mul3A_24 = arith.mulf %select_n3A, %mul3A_23 : vector<10112x32xf32>
    %swap3A = arith.constant 0 : index
    %swap3A_25 = arith.constant 0 : index
    %swap3A_26 = vector.load %arg3[%swap3A, %swap3A_25] : memref<10112x32xf32, #tpu.memory_space<vmem>>, vector<10112x32xf32>
    tpu.vector_store %arg3[%swap3A, %swap3A_25], %mul3A_24 {strides = array<i32>} : memref<10112x32xf32, #tpu.memory_space<vmem>>, vector<10112x32xf32>,
    %slice3A_27 = vector.extract_strided_slice %add3A {offsets = [0, 32], sizes = [10112, 1], strides = [1, 1]} : vector<10112x48xf32> to vector<10112x1xf32>
    %mul3A_28 = arith.constant 2.000000e+00 : f32
    %mul3A_29 = vector.broadcast %mul3A_28 : f32 to vector<10112x1xf32>
    %mul3A_30 = arith.mulf %mul3A_29, %get3A_1 : vector<10112x1xf32>
    %sub3A_31 = arith.subf %slice3A_27, %mul3A_30 : vector<10112x1xf32>
    %mul3A_32 = arith.mulf %get3A_1, %sub3A_31 : vector<10112x1xf32>
    %mul3A_33 = arith.mulf %get3A_1, %get3A_1 : vector<10112x1xf32>
    %add3A_34 = arith.addf %mul3A_32, %mul3A_33 : vector<10112x1xf32>
    %broadcast_in_dim3A = vector.shape_cast %add3A_34 : vector<10112x1xf32> to vector<10112x1xf32>
    %broadcast_in_dim3A_35 = vector.broadcast %broadcast_in_dim3A : vector<10112x1xf32> to vector<10112x16xf32>
    %swap3A_36 = arith.constant 0 : index
    %swap3A_37 = arith.constant 0 : index
    %swap3A_38 = vector.load %arg4[%swap3A_36, %swap3A_37] : memref<10112x16xf32, #tpu.memory_space<vmem>>, vector<10112x16xf32>
    tpu.vector_store %arg4[%swap3A_36, %swap3A_37], %broadcast_in_dim3A_35 {strides = array<i32>} : memref<10112x16xf32, #tpu.memory_space<vmem>>, vector<10112x16xf32>,
    return
  }
}

module attributes {stable_mosaic.version = 14 : i64} {
  func.func @body(%arg0: memref<2x10112x32xf32, #tpu.memory_space<vmem>>, %arg1: memref<10112x32xf32, #tpu.memory_space<vmem>>, %arg2: memref<10112x16xf32, #tpu.memory_space<vmem>>, %arg3: memref<10112x16xf32, #tpu.memory_space<vmem>>, %arg4: memref<32x64xf32, #tpu.memory_space<vmem>>, %arg5: memref<1x64xf32, #tpu.memory_space<vmem>>, %arg6: memref<10000x64xf32, #tpu.memory_space<vmem>>) attributes {dimension_semantics = [], scalar_prefetch = 0 : i64, scratch_operands = 0 : i64, tpu.core_type = #tpu.core_type<tc>} {
    %get3A = arith.constant 0 : index
    %get3A_0 = arith.constant 0 : index
    %get3A_1 = vector.load %arg2[%get3A, %get3A_0] : memref<10112x16xf32, #tpu.memory_space<vmem>>, vector<10112x1xf32>
    %get3A_2 = arith.constant 0 : index
    %get3A_3 = arith.constant 0 : index
    %get3A_4 = arith.constant 0 : index
    %get3A_5 = vector.load %arg0[%get3A_2, %get3A_3, %get3A_4] : memref<2x10112x32xf32, #tpu.memory_space<vmem>>, vector<1x10112x32xf32>
    %get3A_6 = vector.shape_cast %get3A_5 : vector<1x10112x32xf32> to vector<10112x32xf32>
    %get3A_7 = arith.constant 1 : index
    %get3A_8 = arith.constant 0 : index
    %get3A_9 = arith.constant 0 : index
    %get3A_10 = vector.load %arg0[%get3A_7, %get3A_8, %get3A_9] : memref<2x10112x32xf32, #tpu.memory_space<vmem>>, vector<1x10112x32xf32>
    %get3A_11 = vector.shape_cast %get3A_10 : vector<1x10112x32xf32> to vector<10112x32xf32>
    %add3A = arith.addf %get3A_6, %get3A_11 : vector<10112x32xf32>
    %get3A_12 = arith.constant 0 : index
    %get3A_13 = arith.constant 0 : index
    %get3A_14 = vector.load %arg1[%get3A_12, %get3A_13] : memref<10112x32xf32, #tpu.memory_space<vmem>>, vector<10112x32xf32>
    %sub3A = arith.subf %add3A, %get3A_14 : vector<10112x32xf32>
    %mul3A = vector.broadcast %get3A_1 : vector<10112x1xf32> to vector<10112x32xf32>
    %mul3A_15 = arith.mulf %mul3A, %sub3A : vector<10112x32xf32>
    %slice3A = vector.extract_strided_slice %mul3A_15 {offsets = [0, 0], sizes = [10000, 32], strides = [1, 1]} : vector<10112x32xf32> to vector<10000x32xf32>
    %get3A_16 = arith.constant 0 : index
    %get3A_17 = arith.constant 0 : index
    %get3A_18 = vector.load %arg4[%get3A_16, %get3A_17] : memref<32x64xf32, #tpu.memory_space<vmem>>, vector<32x64xf32>
    %dot_general3A = arith.constant dense<0.000000e+00> : vector<10000x64xf32>
    %dot_general3A_19 = tpu.matmul %slice3A, %get3A_18, %dot_general3A {dimension_numbers = #tpu.dot_dimension_numbers<[1], [0], [0], [1], [0, 0, 1, 1], [], []>, transpose_lhs_hint = false} : vector<10000x32xf32>, vector<32x64xf32>, vector<10000x64xf32> -> vector<10000x64xf32>
    %get3A_20 = arith.constant 0 : index
    %get3A_21 = arith.constant 0 : index
    %get3A_22 = vector.load %arg3[%get3A_20, %get3A_21] : memref<10112x16xf32, #tpu.memory_space<vmem>>, vector<10000x1xf32>
    %get3A_23 = arith.constant 0 : index
    %get3A_24 = arith.constant 0 : index
    %get3A_25 = vector.load %arg5[%get3A_23, %get3A_24] : memref<1x64xf32, #tpu.memory_space<vmem>>, vector<1x64xf32>
    %mul3A_26 = vector.broadcast %get3A_22 : vector<10000x1xf32> to vector<10000x64xf32>
    %mul3A_27 = vector.broadcast %get3A_25 : vector<1x64xf32> to vector<10000x64xf32>
    %mul3A_28 = arith.mulf %mul3A_26, %mul3A_27 : vector<10000x64xf32>
    %add3A_29 = arith.addf %dot_general3A_19, %mul3A_28 : vector<10000x64xf32>
    %reduce_max3A = arith.constant dense<0xFF800000> : vector<10000xf32>
    %reduce_max3A_30 = vector.multi_reduction <maximumf>, %add3A_29, %reduce_max3A [1] : vector<10000x64xf32> to vector<10000xf32>
    %broadcast_in_dim3A = vector.shape_cast %reduce_max3A_30 : vector<10000xf32> to vector<10000x1xf32>
    %sub3A_31 = vector.broadcast %broadcast_in_dim3A : vector<10000x1xf32> to vector<10000x64xf32>
    %sub3A_32 = arith.subf %add3A_29, %sub3A_31 : vector<10000x64xf32>
    %exp3A = math.exp %sub3A_32 : vector<10000x64xf32>
    %reduce_sum3A = arith.constant dense<0.000000e+00> : vector<10000xf32>
    %reduce_sum3A_33 = vector.multi_reduction <add>, %exp3A, %reduce_sum3A [1] : vector<10000x64xf32> to vector<10000xf32>
    %broadcast_in_dim3A_34 = vector.shape_cast %reduce_sum3A_33 : vector<10000xf32> to vector<10000x1xf32>
    %log3A = math.log %broadcast_in_dim3A_34 : vector<10000x1xf32>
    %sub3A_35 = vector.broadcast %broadcast_in_dim3A : vector<10000x1xf32> to vector<10000x64xf32>
    %sub3A_36 = arith.subf %add3A_29, %sub3A_35 : vector<10000x64xf32>
    %sub3A_37 = vector.broadcast %log3A : vector<10000x1xf32> to vector<10000x64xf32>
    %sub3A_38 = arith.subf %sub3A_36, %sub3A_37 : vector<10000x64xf32>
    %swap3A = arith.constant 0 : index
    %swap3A_39 = arith.constant 0 : index
    %swap3A_40 = vector.load %arg6[%swap3A, %swap3A_39] : memref<10000x64xf32, #tpu.memory_space<vmem>>, vector<10000x64xf32>
    tpu.vector_store %arg6[%swap3A, %swap3A_39], %sub3A_38 {strides = array<i32>} : memref<10000x64xf32, #tpu.memory_space<vmem>>, vector<10000x64xf32>,
    return
  }
}

</mosaic_0001>

<sc_bundles>
// kernel: kernel.12.cloned.1.call-start
scs
__scs_entry_jumppad:
0x0: {  	(pc) =	sbr.rel $0x88, $3  }
0x1: {  	(tag) =	ssettag $0x0;
	lr =	simm.s32 $0x1  }
0x2: {  	[smem:$0x3F9B] =	sst lr;
	_ =	strace $0xD0000000  }
0x3: {  	_ = 	snop  }
0x4: {  	_ = 	snop  }
0x5: {  	_ = 	snop  }
0x6: {  	_ = 	snop  }
0x7: {  	_ = 	snop  }
__scs_overlays_trampoline_lowered:
0x8: {  	[smem:$0x3FAA] =	sst s0  }
0x9: {  	[smem:$0x3FAB] =	sst s1  }
0xa: {  	[smem:$0x3FAC] =	sst s2  }
0xb: {  	[smem:$0x3FAD] =	sst s3  }
0xc: {  	[smem:$0x3FAE] =	sst s4  }
0xd: {  	[smem:$0x3FAF] =	sst s5  }
0xe: {  	[smem:$0x3FB0] =	sst s6  }
0xf: {  	[smem:$0x3FB1] =	sst s7  }
0x10: {  	[smem:$0x3FB2] =	sst s8  }
0x11: {  	[smem:$0x3FB3] =	sst s9;
	s0 =	simm.s32 @!p0 $0x0  }
0x12: {  	s1 =	sld [smem:$0x3F99];
	s0 =	simm.s32 @p0 $0x1  }
0x13: {  	[smem:$0x3FB4] =	sst s0;
	s0 =	simm.s32 @!p1 $0x0  }
0x14: {  	s2 =	sld [smem:$0x3F98];
	s0 =	simm.s32 @p1 $0x1  }
0x15: {  	[smem:$0x3FB5] =	sst s0;
	s0 =	simm.s32 @!p2 $0x0  }
0x16: {  	s3 =	sld [smem:$0x3FDB];
	s0 =	simm.s32 @p2 $0x1  }
0x17: {  	s4 =	simm.s32 $0x1BF5;
	[smem:$0x3FB7] =	sst s0  }
0x18: {  	s0 =	sld [smem:$0x3F9A];
	_ =	swait.ge [sflag:s4], $0x0  }
0x19: {  	s7 =	sld [smem:$0x3F9B]  }
0x1a: {  	s8 =	sadd.s32 $0xFFFFE003, lr  }
0x1b: {  	s9 =	sadd.s32 $0xFFFFFEF7, lr;
	s5 =	simm.s32 $0xFFFFFFFF;
	p2 =	slt.u32 s8, $0xFFFFF086  }
0x1c: {  	p1 =	slt.u32 s9, $0xF7A;
	s5 =	simm.s32 @!p2 $0x0  }
0x1d: {  	s5 =	simm.s32 @p1 $0x1;
	p0 =	seq.s32 s7, s2  }
0x1e: {  	s7 =	smul.u32 @!p0 $0xF7A, s2;
	p2 =	seq.s32 @!p0 s5, $0x0  }
0x1f: {  	s9 =	smul.u32 $0xF7A, s1;
	s8 =	simm.s32 @!p0 $0x1BF5;
	p2 =	por !p2, p0  }
0x20: {  	[sflag:s8] =	ssyncset.s32 @!p0 $0xFFFFF086;
	s6 =	sadd.s32 @!p0 s3, s7;
	s7 =	simm.s32 @!p0 $0x108  }
0x21: {  	s3 =	sadd.s32 s3, s9;
	s6 =	sadd.s32 @!p0 $0x88, s6;
	s7 =	simm.s32 @p2 $0x1082  }
0x22: {  	[simem:s7], [sflag:s8] =	dma.local @!p0 [hbm:s6], $0xF7A  }
0x23: {  	s9 =	sor.u32 $0xD0000000, s2;
	s6 =	simm.s32 $0x108;
	_ =	swait.ge @!p0 [sflag:s8], $0x0  }
0x24: {  	s3 =	sadd.s32 $0x88, s3;
	s6 =	simm.s32 @!p1 $0x1082;
	[sflag:s4] =	ssyncset.s32 $0xFFFFF086  }
0x25: {  	[simem:s6], [sflag:s4] =	dma.local [hbm:s3], $0xF7A  }
0x26: {  	[smem:$0x3F9B] =	sst s1;
	(tag) =	ssettag s2;
	_ =	strace s9  }
0x27: {  	s1 =	sld [smem:$0x3FAB]  }
0x28: {  	s2 =	sld [smem:$0x3FAC]  }
0x29: {  	s4 =	sld [smem:$0x3FAE]  }
0x2a: {  	p0 =	seq.s32 s5, $0x0;
	s5 =	sld [smem:$0x3FAF]  }
0x2b: {  	s6 =	sld [smem:$0x3FB0]  }
0x2c: {  	s7 =	sld [smem:$0x3FB1]  }
0x2d: {  	s3 =	simm.s32 $0x108;
	s8 =	sld [smem:$0x3FB2]  }
0x2e: {  	s3 =	simm.s32 @!p0 $0x1082;
	s9 =	sld [smem:$0x3FB3]  }
0x2f: {  	lr =	sadd.s32 s0, s3;
	s0 =	sld [smem:$0x3FAA]  }
0x30: {  	s3 =	sld [smem:$0x3FAD]  }
0x31: {  	[smem:$0x3FB6] =	sst s10  }
0x32: {  	s10 =	sld [smem:$0x3FB4];
	_ =	sdelay $0x3  }
0x33: {  	p0 =	seq.s32 s10, $0x1;
	s10 =	sld [smem:$0x3FB6];
	_ =	sdelay $0x3  }
0x34: {  	[smem:$0x3FB6] =	sst s10  }
0x35: {  	s10 =	sld [smem:$0x3FB5];
	_ =	sdelay $0x3  }
0x36: {  	p1 =	seq.s32 s10, $0x1;
	s10 =	sld [smem:$0x3FB6];
	_ =	sdelay $0x3  }
0x37: {  	[smem:$0x3FB6] =	sst s10  }
0x38: {  	s10 =	sld [smem:$0x3FB7]  }
0x39: {  	_ = 	snop;
	(pc) =	sbr.ind lr, $3  }
0x3a: {  	_ = 	snop  }
0x3b: {  	_ = 	snop  }
0x3c: {  	p2 =	seq.s32 s10, $0x1;
	s10 =	sld [smem:$0x3FB6]  }
0x3d: {  	_ =	shalt  }
0x3e: {  	_ =	shalt  }
0x3f: {  	_ =	shalt  }
0x40: {  	_ =	shalt  }
0x41: {  	_ =	shalt  }
0x42: {  	_ =	shalt  }
0x43: {  	_ =	shalt  }
0x44: {  	_ =	shalt  }
0x45: {  	_ =	shalt  }
0x46: {  	_ =	shalt  }
0x47: {  	_ =	shalt  }
0x48: {  	_ =	shalt  }
0x49: {  	_ =	shalt  }
0x4a: {  	_ =	shalt  }
0x4b: {  	_ =	shalt  }
0x4c: {  	_ =	shalt  }
0x4d: {  	_ =	shalt  }
0x4e: {  	_ =	shalt  }
0x4f: {  	_ =	shalt  }
0x50: {  	_ =	shalt  }
0x51: {  	_ =	shalt  }
0x52: {  	_ =	shalt  }
0x53: {  	_ =	shalt  }
0x54: {  	_ =	shalt  }
0x55: {  	_ =	shalt  }
0x56: {  	_ =	shalt  }
0x57: {  	_ =	shalt  }
0x58: {  	_ =	shalt  }
0x59: {  	_ =	shalt  }
0x5a: {  	_ =	shalt  }
0x5b: {  	_ =	shalt  }
0x5c: {  	_ =	shalt  }
0x5d: {  	_ =	shalt  }
0x5e: {  	_ =	shalt  }
0x5f: {  	_ =	shalt  }
0x60: {  	_ =	shalt  }
0x61: {  	_ =	shalt  }
0x62: {  	_ =	shalt  }
0x63: {  	_ =	shalt  }
0x64: {  	_ =	shalt  }
0x65: {  	_ =	shalt  }
0x66: {  	_ =	shalt  }
0x67: {  	_ =	shalt  }
0x68: {  	_ =	shalt  }
0x69: {  	_ =	shalt  }
0x6a: {  	_ =	shalt  }
0x6b: {  	_ =	shalt  }
0x6c: {  	_ =	shalt  }
0x6d: {  	_ =	shalt  }
0x6e: {  	_ =	shalt  }
0x6f: {  	_ =	shalt  }
0x70: {  	_ =	shalt  }
0x71: {  	_ =	shalt  }
0x72: {  	_ =	shalt  }
0x73: {  	_ =	shalt  }
0x74: {  	_ =	shalt  }
0x75: {  	_ =	shalt  }
0x76: {  	_ =	shalt  }
0x77: {  	_ =	shalt  }
0x78: {  	_ =	shalt  }
0x79: {  	_ =	shalt  }
0x7a: {  	_ =	shalt  }
0x7b: {  	_ =	shalt  }
0x7c: {  	_ =	shalt  }
0x7d: {  	_ =	shalt  }
0x7e: {  	_ =	shalt  }
0x7f: {  	_ =	shalt  }
0x80: {  	_ =	shalt  }
0x81: {  	_ =	shalt  }
0x82: {  	_ =	shalt  }
0x83: {  	_ =	shalt  }
0x84: {  	_ =	shalt  }
0x85: {  	_ =	shalt  }
0x86: {  	_ =	shalt  }
0x87: {  	_ =	shalt  }
.Lfunc_end0:
.L_simem_size_0:
called_computation.1_lowered:
.L_overlay_start_0:
0x88: {  	s2 =	sld [smem:$0x3FD9]  }
0x89: {  	s3 =	sld [smem:$0x3FFE];
	_ =	sdelay $0x1  }
0x8a: {  	s1 =	srdreg.scid  }
0x8b: {  	s0 =	sand.u32 $0x1, s1  }
0x8c: {  	s17 =	sshll.u32 s0, $0xA;
	s2 =	sadd.s32 s3, s2  }
0x8d: {  	s2 =	sadd.s32 s2, s17  }
0x8e: {  	[smem:$0x3FC2] =	sst s2  }
0x8f: {  	_ = 	snop  }
0x90: {  	s2 =	sld [smem:$0x3FD0];
	(tm) =	ssettm $0x1  }
0x91: {  	s18 =	sld [smem:$0x3FFB];
	_ =	sdelay $0x3  }
0x92: {  	_ =	strace s18  }
0x93: {  	s3 =	sld [smem:$0x3FFC];
	_ =	sdelay $0x3  }
0x94: {  	_ =	strace s3  }
0x95: {  	s3 =	sld [smem:$0x3FFD];
	_ =	sdelay $0x3  }
0x96: {  	_ =	strace s3  }
0x97: {  	_ =	strace $0x8FFFFFFF  }
0x98: {  	s19 =	sld [smem:$0x3FDB];
	_ =	sdelay $0x1  }
0x99: {  	s4 =	simm.s32 $_scs_section_size  }
0x9a: {  	s5 =	simm.s32 $_size__tile_overlayer_lowered;
	s6 =	simm.s32 $_tile_overlayer_lowered  }
0x9b: {  	s22 =	simm.s32 $0x1BFF;
	s21 =	sshll.u32 s6, $0x1;
	s3 =	sadd.s32 s4, s19  }
0x9c: {  	s7 =	simm.s32 $0x0;
	s20 =	sshll.u32 s5, $0x1;
	s5 =	sadd.s32 s21, s3  }
0x9d: {  	[timem:s7], [sflag:s22] =	dma.local [hbm:s5], s20  }
0x9e: {  	_ =	swait.ge [sflag:s22], s20  }
0x9f: {  	s4 =	ssub.s32 $0x0, s20;
	[sflag:s22] =	ssyncset.done $0x0  }
0xa0: {  	[sflag:s22] =	ssyncadd.s32 s4;
	_ =	sdelay $0x1  }
0xa1: {  	s23 =	simm.s32 $0x1B8B  }
0xa2: {  	_ =	swait.ge [sflag:s23], $0x1  }
0xa3: {  	[sflag:s23] =	ssyncset.done $0x0  }
0xa4: {  	s25 =	simm.s32 $0x1B8E;
	s24 =	sld [smem:$0x3FFE];
	[sflag:s23] =	ssyncadd.s32 $0xFFFFFFFF  }
0xa5: {  	s26 =	simm.s32 $execute0_lowered;
	[smem:$0x3FD2] =	sst s25  }
0xa6: {  	s5 =	sshll.u32 s26, $0x1;
	_ =	strace $0x80000049;
	[dreg:$0x1] =	wrdreg $0xFFFFFFFF  }
0xa7: {  	s28 =	simm.s32 $_size_execute0_lowered;
	s3 =	sadd.s32 s3, s5;
	[dreg:$0x0] =	wrdreg $0x0  }
0xa8: {  	s5 =	sshll.u32 s28, $0x1;
	[dreg:$0x2] =	wrdreg s3  }
0xa9: {  	[dreg:$0x3] =	wrdreg s5  }
0xaa: {  	[dreg:$0x4] =	wrdreg $0xC0  }
0xab: {  	_ =	task [dreg:s7], $0x5FFFF  }
0xac: {  	[dreg:$0x1] =	wrdreg $0xFFFFFFFF  }
0xad: {  	[dreg:$0x0] =	wrdreg $0x60  }
0xae: {  	[dreg:$0x2] =	wrdreg s24  }
0xaf: {  	[dreg:$0x3] =	wrdreg s2  }
0xb0: {  	[dreg:$0x4] =	wrdreg $0x186800  }
0xb1: {  	[dreg:$0x5] =	wrdreg $0x110000  }
0xb2: {  	[dreg:$0x6] =	wrdreg $0x9  }
0xb3: {  	_ =	task.clear_ibuf [dreg:s7], $0x7FFFF;
	_ =	strace $0x90000049  }
0xb4: {  	s29 =	simm.s32 $0x9;
	_ =	strace $0x8000004B  }
0xb5: {  	_ =	swait.ge [sflag:s29], $0x1  }
0xb6: {  	[sflag:s29] =	ssyncadd.s32 $0xFFFFFFFF  }
0xb7: {  	_ =	strace $0x9000004B  }
0xb8: {  	_ =	sfence  }
0xb9: {  	s30 =	sld [smem:$0x0];
	_ =	sdelay $0x2  }
0xba: {  	s31 =	sshll.u32 s1, $0xD;
	s1 =	sshrl.u32 s1, $0x2  }
0xbb: {  	s3 =	sand.u32 $0x4000, s31;
	s1 =	sadd.s32 s1, s30  }
0xbc: {  	s0 =	sor.u32 s3, s0;
	s1 =	sshll.u32 s1, $0x11  }
0xbd: {  	s0 =	sor.u32 s1, s0  }
0xbe: {  	s0 =	sadd.s32 $0x8F2B, s0  }
0xbf: {  	[sflag:s0] =	ssyncadd.remote.s32 $0x1  }
0xc0: {  	_ =	sfence.sel $0xFFFF  }
0xc1: {  	[dreg:$0x0] =	wrdreg $0xFFFFFFFF;
	(pc) =	sbr.abs _section_cstart, $3  }
0xc2: {  	[dreg:$0x1] =	wrdreg $0xFFFFFFFF  }
0xc3: {  	_ =	task.clear_ibuf [dreg:s7], $0x2FFFF;
	_ =	strace $0x9FFFFFFF  }
0xc4: {  	(tm) =	ssettm $0x7FFFFFFF  }
0xc5: {  	_ =	shalt  }
tec
execute0_lowered:
.L_overlay_start_1:
0x0: {  	(tag) =	ssettag $0x1  }
0x1: {  	s0 =	rddreg [dreg:$0x0]  }
0x2: {  	s1 =	rddreg [dreg:$0x1]  }
0x3: {  	s2 =	rddreg [dreg:$0x2];
	s4 =	srdreg.scid  }
0x4: {  	s3 =	rddreg [dreg:$0x3];
	s10 =	stileid.u32  }
0x5: {  	s15 =	simm.s32 $0x80;
	s22 =	simm.s32 $0x9;
	s28 =	simm.s32 $0xE  }
0x6: {  	s29 =	simm.s32 $0xF;
	s30 =	simm.s32 $0x10;
	s31 =	simm.s32 $0x0  }
0x7: {  	s5 =	sand.u32 $0x1, s4;
	s8 =	smul.u32 $0x7680, s10;
	s4 =	simm.s32 $0x0  }
0x8: {  	s26 =	sshll.u32 s10, $0x6;
	s6 =	sshll.u32 s5, $0x4;
	s7 =	smul.u32 $0x76800, s5  }
0x9: {  	[smem:$0x7FF] =	sst s4;
	s5 =	ssub.s32 $0x2, s5;
	s12 =	sor.u32 $0x1C11, s26  }
0xa: {  	s26 =	simm.s32 $0xD;
	s6 =	sor.u32 s10, s6;
	_ =	strace $0x8000004A  }
0xb: {  	s9 =	sshrl.u32 s5, $0x1;
	s24 =	sshrl.u32 s8, $0x3;
	s11 =	sadd.s32 s8, s2  }
0xc: {  	s25 =	sadd.s32 s8, s3;
	s10 =	simm.s32 $0x11;
	s6 =	smul.u32 $0x2710, s6  }
0xd: {  	s7 =	sadd.s32 s8, s7;
	s9 =	ssub.s32 s5, s9;
	s13 =	sshrl.u32 s11, $0x3  }
.Ltmp0:
0xe: {  	s14 =	sshrl.u32 s25, $0x3;
	s25 =	simm.s32 $0xC;
	(pc) =	sbr.rel .LBB2_1-.Ltmp0, $4  }
0xf: {  	v6 =	vlaneseq.u32;
	s7 =	sshrl.u32 s7, $0x3;
	s9 =	smax.u32 s9, $0x1;
	s6 =	sshrl.u32 s6, $0x3  }
0x10: {  	v0 =	vor.u32 $0x2710, v6;
	s6 =	sadd.s32 s6, s0;
	s0 =	sadd.s32 s7, s0;
	s7 =	sadd.s32 s1, s24  }
0x11: {  	v1 =	vor.u32 $0x2720, v6;
	v2 =	vor.u32 $0x2730, v6;
	v3 =	vor.u32 $0x2740, v6;
	s24 =	simm.s32 $0xB;
	s23 =	sadd.s32 $0x2000, s6;
	s6 =	sadd.s32 $0xBC40, s6  }
0x12: {  	v4 =	vor.u32 $0x2750, v6;
	v5 =	vor.u32 $0x2760, v6;
	v6 =	vor.u32 $0x2770, v6;
	s8 =	sadd.s32 $0x15A00, s0;
	[dreg:$0x5] =	wrdreg s23;
	s23 =	simm.s32 $0xA  }
.LBB2_7:
0x13: {  	_ =	swait.ge [sflag:s22], $0x1800  }
0x14: {  	[sflag:s22] =	ssyncset.done $0x0  }
0x15: {  	[sflag:s22] =	ssyncadd.s32 $0xFFFFE800  }
0x16: {  	_ =	swait.ge [sflag:s23], $0x1800  }
0x17: {  	[sflag:s23] =	ssyncset.done $0x0  }
0x18: {  	[sflag:s23] =	ssyncadd.s32 $0xFFFFE800  }
0x19: {  	_ =	swait.ge [sflag:s24], $0x1800  }
0x1a: {  	[sflag:s24] =	ssyncset.done $0x0  }
0x1b: {  	[sflag:s24] =	ssyncadd.s32 $0xFFFFE800  }
0x1c: {  	_ =	swait.ge [sflag:s25], $0x1800  }
0x1d: {  	[sflag:s25] =	ssyncset.done $0x0  }
0x1e: {  	[sflag:s25] =	ssyncadd.s32 $0xFFFFE800  }
0x1f: {  	_ =	swait.ge [sflag:s26], $0x1800  }
0x20: {  	[sflag:s26] =	ssyncset.done $0x0  }
0x21: {  	[sflag:s26] =	ssyncadd.s32 $0xFFFFE800  }
0x22: {  	_ =	swait.ge [sflag:s28], $0x1800  }
0x23: {  	[sflag:s28] =	ssyncset.done $0x0  }
0x24: {  	[sflag:s28] =	ssyncadd.s32 $0xFFFFE800  }
0x25: {  	_ =	swait.ge [sflag:s29], $0x1800  }
0x26: {  	[sflag:s29] =	ssyncset.done $0x0  }
0x27: {  	[sflag:s29] =	ssyncadd.s32 $0xFFFFE800  }
0x28: {  	_ =	swait.ge [sflag:s30], $0x1800  }
0x29: {  	s31 =	sadd.s32 $0x1, s31;
	[sflag:s30] =	ssyncset.done $0x0  }
0x2a: {  	p0 =	sne.s32 s31, s9;
	[sflag:s30] =	ssyncadd.s32 $0xFFFFE800  }
.Ltmp1:
0x2b: {  	[bflag:$0x0] =	sbarrier.arrive $0xFFFF;
	(pc) =	sbr.rel @!p0 .LBB2_8-.Ltmp1, $4  }
0x2c: {  	[hbm:s8], [sflag:s12] =	dma.local [spmem:s14], $0xED0  }
0x2d: {  	_ =	swait.ge [sflag:s10], $0xED0  }
0x2e: {  	[sflag:s10] =	ssyncset.done $0x0  }
0x2f: {  	[sflag:s10] =	ssyncadd.s32 $0xFFFFF130  }
.LBB2_1:
0x30: {  	s0 =	rddreg [dreg:$0x5]  }
0x31: {  	[tilespmem:s4], [sflag:$0x11] =	stream.linear.gather [hbm4b:s0+s4], $0x2710, $0x38;
	[tilespmem:$0x1FD00] =	vst v63  }
0x32: {  	_ =	swait.ge [sflag:s10], $0x2710  }
0x33: {  	[sflag:s10] =	ssyncset.done $0x0  }
0x34: {  	[sflag:s10] =	ssyncadd.s32 $0xFFFFD8F0  }
0x35: {  	[tilespmem:$0x2710] =	vst v0  }
0x36: {  	[tilespmem:$0x2720] =	vst v1  }
0x37: {  	[tilespmem:$0x2730] =	vst v2  }
0x38: {  	[tilespmem:$0x2740] =	vst v3  }
0x39: {  	[tilespmem:$0x2750] =	vst v4  }
0x3a: {  	[tilespmem:$0x2760] =	vst v5  }
0x3b: {  	[tilespmem:$0x2770] =	vst v6  }
0x3c: {  	[tilespmem:$0x2780] =	vst v0  }
0x3d: {  	[tilespmem:$0x2790] =	vst v1  }
0x3e: {  	[tilespmem:$0x27A0] =	vst v2  }
0x3f: {  	[tilespmem:$0x27B0] =	vst v3  }
0x40: {  	[tilespmem:$0x27C0] =	vst v4  }
0x41: {  	[tilespmem:$0x27D0] =	vst v5  }
0x42: {  	[tilespmem:$0x27E0] =	vst v6  }
0x43: {  	s16 =	simm.s32 $0x2800;
	[tilespmem:$0x27F0] =	vst v0  }
0x44: {  	[tilespmem:s16], [sflag:$0x11] =	stream.linear.gather [hbm4b:s6+s4], $0x2710, $0x38;
	[tilespmem:$0x1FD00] =	vst v63  }
0x45: {  	_ =	swait.ge [sflag:s10], $0x2710  }
0x46: {  	[sflag:s10] =	ssyncset.done $0x0  }
0x47: {  	[sflag:s10] =	ssyncadd.s32 $0xFFFFD8F0  }
0x48: {  	[tilespmem:$0x4F10] =	vst v0  }
0x49: {  	[tilespmem:$0x4F20] =	vst v1  }
0x4a: {  	[tilespmem:$0x4F30] =	vst v2  }
0x4b: {  	[tilespmem:$0x4F40] =	vst v3  }
0x4c: {  	[tilespmem:$0x4F50] =	vst v4  }
0x4d: {  	[tilespmem:$0x4F60] =	vst v5  }
0x4e: {  	[tilespmem:$0x4F70] =	vst v6  }
0x4f: {  	[tilespmem:$0x4F80] =	vst v0  }
0x50: {  	[tilespmem:$0x4F90] =	vst v1  }
0x51: {  	[tilespmem:$0x4FA0] =	vst v2  }
0x52: {  	[tilespmem:$0x4FB0] =	vst v3  }
0x53: {  	[tilespmem:$0x4FC0] =	vst v4  }
0x54: {  	[tilespmem:$0x4FD0] =	vst v5  }
0x55: {  	[tilespmem:$0x4FE0] =	vst v6  }
0x56: {  	[tilespmem:$0x4FF0] =	vst v0  }
0x57: {  	[spmem:s13], [sflag:s12] =	dma.local [hbm:s7], $0xED0  }
0x58: {  	_ =	swait.ge [sflag:s10], $0xED0  }
0x59: {  	[sflag:s10] =	ssyncset.done $0x0  }
0x5a: {  	[sflag:s10] =	ssyncadd.s32 $0xFFFFF130  }
0x5b: {  	[spmem:s14], [sflag:s12] =	dma.local [hbm:s7], $0xED0  }
0x5c: {  	_ =	swait.ge [sflag:s10], $0xED0  }
0x5d: {  	[sflag:s10] =	ssyncset.done $0x0  }
0x5e: {  	[sflag:s10] =	ssyncadd.s32 $0xFFFFF130  }
0x5f: {  	s17 =	simm.s32 $0x5000;
	[bflag:$0x0] =	sbarrier.arrive $0xFFFF  }
0x60: {  	[tilespmem:s17], [sflag:$0x1] =	stream.indirect.gather [spmem:s2], $0x30, s4, s15, $0xb8;
	[tilespmem:$0x1FD00] =	vst v63  }
0x61: {  	s18 =	simm.s32 $0x6800  }
0x62: {  	[tilespmem:s18], [sflag:$0x2] =	stream.indirect.gather [spmem:s2], $0x30, s15, s15, $0xb8;
	[tilespmem:$0x1FD00] =	vst v63  }
.Ltmp2:
0x63: {  	_ = 	snop;
	(pc) =	sbr.rel .LBB2_2-.Ltmp2, $4  }
0x64: {  	s19 =	simm.s32 $0x100;
	s1 =	simm.s32 $0x8000;
	s20 =	simm.s32 $0x180  }
0x65: {  	[tilespmem:s1], [sflag:$0x3] =	stream.indirect.gather [spmem:s2], $0x30, s19, s15, $0xb8;
	[tilespmem:$0x1FD00] =	vst v63  }
0x66: {  	s21 =	simm.s32 $0x9800;
	s0 =	simm.s32 $0x0;
	s1 =	simm.s32 $0x0  }
0x67: {  	[tilespmem:s21], [sflag:$0x4] =	stream.indirect.gather [spmem:s2], $0x30, s20, s15, $0xb8;
	[tilespmem:$0x1FD00] =	vst v63  }
.LBB2_5:
0x68: {  	s5 =	smul.u32 $0x6000, s17;
	_ =	sdelay $0x1  }
0x69: {  	s18 =	ssub.s32 $0x5, s11;
	s19 =	sadd.s32 $0x200, s16;
	s5 =	sshrl.u32 s5, $0x2  }
0x6a: {  	s21 =	sadd.s32 $0x1, s17;
	s18 =	smul.u32 $0x6000, s18;
	s5 =	sadd.s32 $0x5000, s5  }
0x6b: {  	[tilespmem:s5], [sflag:s21] =	stream.indirect.gather [spmem:s2], $0x30, s19, s15, $0xb8;
	[tilespmem:$0x1FD00] =	vst v63  }
0x6c: {  	s18 =	sshrl.u32 s18, $0x2;
	s19 =	ssub.s32 $0x6, s11  }
0x6d: {  	s20 =	sadd.s32 $0x280, s16;
	s5 =	sadd.s32 $0x5000, s18;
	s21 =	smul.u32 $0x6000, s19  }
0x6e: {  	[tilespmem:s5], [sflag:s19] =	stream.indirect.gather [spmem:s2], $0x30, s20, s15, $0xb8;
	[tilespmem:$0x1FD00] =	vst v63  }
0x6f: {  	s11 =	sxor.u32 $0x7, s11;
	s20 =	sshrl.u32 s21, $0x2  }
0x70: {  	s21 =	sadd.s32 $0x300, s16;
	s16 =	simm.s32 $0x800;
	s5 =	sadd.s32 $0x5000, s20  }
0x71: {  	[tilespmem:s5], [sflag:s11] =	stream.indirect.gather [spmem:s2], $0x30, s21, s15, $0xb8;
	[tilespmem:$0x1FD00] =	vst v63  }
.LBB2_6:
0x72: {  	s0 =	sadd.s32 $0x800, s0  }
0x73: {  	s5 =	smul.u32 $0x6000, s11;
	p0 =	sne.s32 s0, $0xA000  }
.Ltmp3:
0x74: {  	_ = 	snop;
	(pc) =	sbr.rel @!p0 .LBB2_7-.Ltmp3, $4  }
0x75: {  	_ = 	snop  }
0x76: {  	s16 =	sshra.s32 s16, $0x2;
	s21 =	sadd.s32 $0x1, s11;
	s5 =	sshrl.u32 s5, $0x2  }
0x77: {  	s1 =	sadd.s32 $0x1, s1;
	s16 =	sadd.s32 $0x180, s16;
	s5 =	sadd.s32 $0x5000, s5  }
0x78: {  	[tilespmem:s5], [sflag:s21] =	stream.indirect.gather [spmem:s2], $0x30, s16, s15, $0xb8;
	[tilespmem:$0x1FD00] =	vst v63  }
.LBB2_2:
0x79: {  	s16 =	sand.u32 $0x1, s1  }
0x7a: {  	s11 =	sshll.u32 s16, $0x2  }
0x7b: {  	s17 =	sor.u32 $0x1, s11  }
0x7c: {  	_ =	swait.ge [sflag:s17], $0x1800  }
0x7d: {  	[sflag:s17] =	ssyncset.done $0x0  }
0x7e: {  	s18 =	sor.u32 $0x2, s11;
	[sflag:s17] =	ssyncadd.s32 $0xFFFFE800  }
0x7f: {  	_ =	swait.ge [sflag:s18], $0x1800  }
0x80: {  	p0 =	seq.s32 s1, $0x0;
	[sflag:s18] =	ssyncset.done $0x0  }
0x81: {  	s19 =	smul.u32 $0x18000, s16;
	s20 =	sshllo.u32 s16, $0x2;
	[sflag:s18] =	ssyncadd.s32 $0xFFFFE800  }
0x82: {  	s5 =	sadd.s32 $0x4, s11;
	s21 =	smul.u32 $0x6000, s18;
	_ =	swait.ge [sflag:s20], $0x1800  }
0x83: {  	s19 =	sshrl.u32 s19, $0x2;
	s17 =	smul.u32 $0x6000, s17;
	[sflag:s20] =	ssyncset.done $0x0  }
0x84: {  	s19 =	sadd.s32 $0x5000, s19;
	s16 =	sshrl.u32 s21, $0x2;
	[sflag:s20] =	ssyncadd.s32 $0xFFFFE800  }
0x85: {  	s21 =	sadd.s32 $0x5000, s16;
	s17 =	sshrl.u32 s17, $0x2;
	_ =	swait.ge [sflag:s5], $0x1800  }
0x86: {  	s16 =	sshra.s32 s0, $0x2;
	s17 =	sadd.s32 $0x5000, s17;
	[sflag:s5] =	ssyncset.done $0x0  }
0x87: {  	s18 =	sadd.s32 $0x2800, s16;
	[sflag:s5] =	ssyncadd.s32 $0xFFFFE800;
	s5 =	sor.u32 $0x9, s11  }
0x88: {  	[spmem:s3] =	stream.indirect.scatter.add.f32 [tilespmem:s19], [sflag:s5], $0x30, s18, s15, $0xb8;
	[tilespmem:$0x1FD00] =	vst v63  }
0x89: {  	s5 =	smul.u32 $0x6000, s20;
	s19 =	sadd.s32 $0x2880, s16;
	s20 =	sor.u32 $0xA, s11  }
0x8a: {  	[spmem:s3] =	stream.indirect.scatter.add.f32 [tilespmem:s17], [sflag:s20], $0x30, s19, s15, $0xb8;
	[tilespmem:$0x1FD00] =	vst v63  }
.Ltmp4:
0x8b: {  	s18 =	sadd.s32 $0x2900, s16;
	(pc) =	sbr.rel @p0 .LBB2_5-.Ltmp4, $4  }
0x8c: {  	s5 =	sshrl.u32 s5, $0x2;
	s19 =	sor.u32 $0xB, s11;
	s20 =	sadd.s32 $0x2980, s16  }
0x8d: {  	[spmem:s3] =	stream.indirect.scatter.add.f32 [tilespmem:s21], [sflag:s19], $0x30, s18, s15, $0xb8;
	[tilespmem:$0x1FD00] =	vst v63  }
0x8e: {  	s17 =	sxor.u32 $0x4, s11;
	s5 =	sadd.s32 $0x5000, s5;
	s21 =	sadd.s32 $0xC, s11  }
0x8f: {  	[spmem:s3] =	stream.indirect.scatter.add.f32 [tilespmem:s5], [sflag:s21], $0x30, s20, s15, $0xb8;
	[tilespmem:$0x1FD00] =	vst v63  }
0x90: {  	p0 =	seq.s32 s1, $0x13  }
.Ltmp5:
0x91: {  	_ = 	snop;
	(pc) =	sbr.rel @p0 .LBB2_7-.Ltmp5, $1  }
0x92: {  	_ =	sdelay $0x3  }
0x93: {  	s5 =	sadd.s32 $0x9, s17;
	s18 =	smul.u32 $0x6000, s17  }
0x94: {  	s20 =	sadd.s32 $0x200, s16;
	_ =	swait.ge [sflag:s5], $0x1800  }
0x95: {  	s21 =	sadd.s32 $0x1, s17;
	[sflag:s5] =	ssyncset.done $0x0;
	s19 =	sshrl.u32 s18, $0x2  }
0x96: {  	s18 =	ssub.s32 $0x5, s11;
	[sflag:s5] =	ssyncadd.s32 $0xFFFFE800;
	s5 =	sadd.s32 $0x5000, s19  }
0x97: {  	[tilespmem:s5], [sflag:s21] =	stream.indirect.gather [spmem:s2], $0x30, s20, s15, $0xb8;
	[tilespmem:$0x1FD00] =	vst v63  }
0x98: {  	s19 =	ssub.s32 $0xE, s11;
	s5 =	smul.u32 $0x6000, s18  }
0x99: {  	s17 =	sxor.u32 $0xF, s11;
	s20 =	sadd.s32 $0x280, s16;
	_ =	swait.ge [sflag:s19], $0x1800  }
0x9a: {  	s21 =	ssub.s32 $0x6, s11;
	[sflag:s19] =	ssyncset.done $0x0;
	s5 =	sshrl.u32 s5, $0x2  }
0x9b: {  	s18 =	smul.u32 $0x6000, s21;
	[sflag:s19] =	ssyncadd.s32 $0xFFFFE800;
	s5 =	sadd.s32 $0x5000, s5  }
0x9c: {  	[tilespmem:s5], [sflag:s21] =	stream.indirect.gather [spmem:s2], $0x30, s20, s15, $0xb8;
	[tilespmem:$0x1FD00] =	vst v63  }
0x9d: {  	s11 =	sxor.u32 $0x7, s11;
	s19 =	sshrl.u32 s18, $0x2;
	_ =	swait.ge [sflag:s17], $0x1800  }
0x9e: {  	s5 =	sadd.s32 $0x5000, s19;
	s20 =	sadd.s32 $0x300, s16;
	[sflag:s17] =	ssyncset.done $0x0  }
.Ltmp6:
0x9f: {  	s21 =	sadd.s32 $0x9, s11;
	[sflag:s17] =	ssyncadd.s32 $0xFFFFE800;
	(pc) =	sbr.rel .LBB2_6-.Ltmp6, $4  }
0xa0: {  	[tilespmem:s5], [sflag:s11] =	stream.indirect.gather [spmem:s2], $0x30, s20, s15, $0xb8;
	[tilespmem:$0x1FD00] =	vst v63  }
0xa1: {  	_ =	swait.ge [sflag:s21], $0x1800  }
0xa2: {  	[sflag:s21] =	ssyncset.done $0x0  }
0xa3: {  	s16 =	sadd.s32 $0x800, s0;
	[sflag:s21] =	ssyncadd.s32 $0xFFFFE800  }
.LBB2_8:
0xa4: {  	_ =	sfence.sel $0x180000  }
0xa5: {  	[bflag:$0x0] =	sbarrier.arrive $0xFFFF  }
0xa6: {  	_ =	strace $0x9000004A  }
0xa7: {  	s0 =	stileid.u32;
	[bflag:$0x2] =	sbarrier.arrive $0xFFFF  }
0xa8: {  	p0 =	sne.s32 s0, $0x0;
	s0 =	rddreg [dreg:$0x4]  }
0xa9: {  	s0 =	sadd.s32 @!p0 $0x100000, s0  }
0xaa: {  	[sflag:s0] =	ssyncadd.tile.s32 @!p0 $0x1;
	_ =	shalt  }
.Lfunc_end2:
_tile_overlayer_lowered:
.L_overlay_start_2:
0xab: {  	(tag) =	ssettag $0x2  }
0xac: {  	s0 =	rddreg [dreg:$0x0];
	s2 =	stileid.u32  }
0xad: {  	s1 =	rddreg [dreg:$0x1];
	p0 =	sne.s32 s2, $0x0  }
0xae: {  	s3 =	rddreg [dreg:$0x2];
	[bflag:$0x3] =	sbarrier.arrive $0xFFFF;
	s2 =	simm.s32 @!p0 $0x1C11  }
0xaf: {  	[timem:s3], [sflag:s2] =	dma.local @!p0 [hbm:s0], s1  }
0xb0: {  	s0 =	simm.s32 @!p0 $0x11  }
0xb1: {  	_ =	swait.ge @!p0 [sflag:s0], s1  }
0xb2: {  	s1 =	ssub.s32 @!p0 $0x0, s1;
	[sflag:s0] =	ssyncset.done @!p0 $0x0  }
0xb3: {  	[sflag:s0] =	ssyncadd.s32 @!p0 s1  }
0xb4: {  	[bflag:$0x3] =	sbarrier.arrive $0xFFFF  }
0xb5: {  	_ =	shalt  }

// kernel: kernel.15.cloned.1.call-start
scs
__scs_entry_jumppad:
0x0: {  	(pc) =	sbr.rel $0x88, $3  }
0x1: {  	(tag) =	ssettag $0x0;
	lr =	simm.s32 $0x1  }
0x2: {  	[smem:$0x3F9B] =	sst lr;
	_ =	strace $0xD0000000  }
0x3: {  	_ = 	snop  }
0x4: {  	_ = 	snop  }
0x5: {  	_ = 	snop  }
0x6: {  	_ = 	snop  }
0x7: {  	_ = 	snop  }
__scs_overlays_trampoline_lowered:
0x8: {  	[smem:$0x3FAA] =	sst s0  }
0x9: {  	[smem:$0x3FAB] =	sst s1  }
0xa: {  	[smem:$0x3FAC] =	sst s2  }
0xb: {  	[smem:$0x3FAD] =	sst s3  }
0xc: {  	[smem:$0x3FAE] =	sst s4  }
0xd: {  	[smem:$0x3FAF] =	sst s5  }
0xe: {  	[smem:$0x3FB0] =	sst s6  }
0xf: {  	[smem:$0x3FB1] =	sst s7  }
0x10: {  	[smem:$0x3FB2] =	sst s8  }
0x11: {  	[smem:$0x3FB3] =	sst s9;
	s0 =	simm.s32 @!p0 $0x0  }
0x12: {  	s1 =	sld [smem:$0x3F99];
	s0 =	simm.s32 @p0 $0x1  }
0x13: {  	[smem:$0x3FB4] =	sst s0;
	s0 =	simm.s32 @!p1 $0x0  }
0x14: {  	s2 =	sld [smem:$0x3F98];
	s0 =	simm.s32 @p1 $0x1  }
0x15: {  	[smem:$0x3FB5] =	sst s0;
	s0 =	simm.s32 @!p2 $0x0  }
0x16: {  	s3 =	sld [smem:$0x3FDB];
	s0 =	simm.s32 @p2 $0x1  }
0x17: {  	s4 =	simm.s32 $0x1BF5;
	[smem:$0x3FB7] =	sst s0  }
0x18: {  	s0 =	sld [smem:$0x3F9A];
	_ =	swait.ge [sflag:s4], $0x0  }
0x19: {  	s7 =	sld [smem:$0x3F9B]  }
0x1a: {  	s8 =	sadd.s32 $0xFFFFE003, lr  }
0x1b: {  	s9 =	sadd.s32 $0xFFFFFEF7, lr;
	s5 =	simm.s32 $0xFFFFFFFF;
	p2 =	slt.u32 s8, $0xFFFFF086  }
0x1c: {  	p1 =	slt.u32 s9, $0xF7A;
	s5 =	simm.s32 @!p2 $0x0  }
0x1d: {  	s5 =	simm.s32 @p1 $0x1;
	p0 =	seq.s32 s7, s2  }
0x1e: {  	s7 =	smul.u32 @!p0 $0xF7A, s2;
	p2 =	seq.s32 @!p0 s5, $0x0  }
0x1f: {  	s9 =	smul.u32 $0xF7A, s1;
	s8 =	simm.s32 @!p0 $0x1BF5;
	p2 =	por !p2, p0  }
0x20: {  	[sflag:s8] =	ssyncset.s32 @!p0 $0xFFFFF086;
	s6 =	sadd.s32 @!p0 s3, s7;
	s7 =	simm.s32 @!p0 $0x108  }
0x21: {  	s3 =	sadd.s32 s3, s9;
	s6 =	sadd.s32 @!p0 $0x88, s6;
	s7 =	simm.s32 @p2 $0x1082  }
0x22: {  	[simem:s7], [sflag:s8] =	dma.local @!p0 [hbm:s6], $0xF7A  }
0x23: {  	s9 =	sor.u32 $0xD0000000, s2;
	s6 =	simm.s32 $0x108;
	_ =	swait.ge @!p0 [sflag:s8], $0x0  }
0x24: {  	s3 =	sadd.s32 $0x88, s3;
	s6 =	simm.s32 @!p1 $0x1082;
	[sflag:s4] =	ssyncset.s32 $0xFFFFF086  }
0x25: {  	[simem:s6], [sflag:s4] =	dma.local [hbm:s3], $0xF7A  }
0x26: {  	[smem:$0x3F9B] =	sst s1;
	(tag) =	ssettag s2;
	_ =	strace s9  }
0x27: {  	s1 =	sld [smem:$0x3FAB]  }
0x28: {  	s2 =	sld [smem:$0x3FAC]  }
0x29: {  	s4 =	sld [smem:$0x3FAE]  }
0x2a: {  	p0 =	seq.s32 s5, $0x0;
	s5 =	sld [smem:$0x3FAF]  }
0x2b: {  	s6 =	sld [smem:$0x3FB0]  }
0x2c: {  	s7 =	sld [smem:$0x3FB1]  }
0x2d: {  	s3 =	simm.s32 $0x108;
	s8 =	sld [smem:$0x3FB2]  }
0x2e: {  	s3 =	simm.s32 @!p0 $0x1082;
	s9 =	sld [smem:$0x3FB3]  }
0x2f: {  	lr =	sadd.s32 s0, s3;
	s0 =	sld [smem:$0x3FAA]  }
0x30: {  	s3 =	sld [smem:$0x3FAD]  }
0x31: {  	[smem:$0x3FB6] =	sst s10  }
0x32: {  	s10 =	sld [smem:$0x3FB4];
	_ =	sdelay $0x3  }
0x33: {  	p0 =	seq.s32 s10, $0x1;
	s10 =	sld [smem:$0x3FB6];
	_ =	sdelay $0x3  }
0x34: {  	[smem:$0x3FB6] =	sst s10  }
0x35: {  	s10 =	sld [smem:$0x3FB5];
	_ =	sdelay $0x3  }
0x36: {  	p1 =	seq.s32 s10, $0x1;
	s10 =	sld [smem:$0x3FB6];
	_ =	sdelay $0x3  }
0x37: {  	[smem:$0x3FB6] =	sst s10  }
0x38: {  	s10 =	sld [smem:$0x3FB7]  }
0x39: {  	_ = 	snop;
	(pc) =	sbr.ind lr, $3  }
0x3a: {  	_ = 	snop  }
0x3b: {  	_ = 	snop  }
0x3c: {  	p2 =	seq.s32 s10, $0x1;
	s10 =	sld [smem:$0x3FB6]  }
0x3d: {  	_ =	shalt  }
0x3e: {  	_ =	shalt  }
0x3f: {  	_ =	shalt  }
0x40: {  	_ =	shalt  }
0x41: {  	_ =	shalt  }
0x42: {  	_ =	shalt  }
0x43: {  	_ =	shalt  }
0x44: {  	_ =	shalt  }
0x45: {  	_ =	shalt  }
0x46: {  	_ =	shalt  }
0x47: {  	_ =	shalt  }
0x48: {  	_ =	shalt  }
0x49: {  	_ =	shalt  }
0x4a: {  	_ =	shalt  }
0x4b: {  	_ =	shalt  }
0x4c: {  	_ =	shalt  }
0x4d: {  	_ =	shalt  }
0x4e: {  	_ =	shalt  }
0x4f: {  	_ =	shalt  }
0x50: {  	_ =	shalt  }
0x51: {  	_ =	shalt  }
0x52: {  	_ =	shalt  }
0x53: {  	_ =	shalt  }
0x54: {  	_ =	shalt  }
0x55: {  	_ =	shalt  }
0x56: {  	_ =	shalt  }
0x57: {  	_ =	shalt  }
0x58: {  	_ =	shalt  }
0x59: {  	_ =	shalt  }
0x5a: {  	_ =	shalt  }
0x5b: {  	_ =	shalt  }
0x5c: {  	_ =	shalt  }
0x5d: {  	_ =	shalt  }
0x5e: {  	_ =	shalt  }
0x5f: {  	_ =	shalt  }
0x60: {  	_ =	shalt  }
0x61: {  	_ =	shalt  }
0x62: {  	_ =	shalt  }
0x63: {  	_ =	shalt  }
0x64: {  	_ =	shalt  }
0x65: {  	_ =	shalt  }
0x66: {  	_ =	shalt  }
0x67: {  	_ =	shalt  }
0x68: {  	_ =	shalt  }
0x69: {  	_ =	shalt  }
0x6a: {  	_ =	shalt  }
0x6b: {  	_ =	shalt  }
0x6c: {  	_ =	shalt  }
0x6d: {  	_ =	shalt  }
0x6e: {  	_ =	shalt  }
0x6f: {  	_ =	shalt  }
0x70: {  	_ =	shalt  }
0x71: {  	_ =	shalt  }
0x72: {  	_ =	shalt  }
0x73: {  	_ =	shalt  }
0x74: {  	_ =	shalt  }
0x75: {  	_ =	shalt  }
0x76: {  	_ =	shalt  }
0x77: {  	_ =	shalt  }
0x78: {  	_ =	shalt  }
0x79: {  	_ =	shalt  }
0x7a: {  	_ =	shalt  }
0x7b: {  	_ =	shalt  }
0x7c: {  	_ =	shalt  }
0x7d: {  	_ =	shalt  }
0x7e: {  	_ =	shalt  }
0x7f: {  	_ =	shalt  }
0x80: {  	_ =	shalt  }
0x81: {  	_ =	shalt  }
0x82: {  	_ =	shalt  }
0x83: {  	_ =	shalt  }
0x84: {  	_ =	shalt  }
0x85: {  	_ =	shalt  }
0x86: {  	_ =	shalt  }
0x87: {  	_ =	shalt  }
.Lfunc_end0:
.L_simem_size_0:
called_computation.2_lowered:
.L_overlay_start_0:
0x88: {  	s2 =	sld [smem:$0x3FD9]  }
0x89: {  	s3 =	sld [smem:$0x3FFE];
	_ =	sdelay $0x1  }
0x8a: {  	s1 =	srdreg.scid  }
0x8b: {  	s0 =	sand.u32 $0x1, s1  }
0x8c: {  	s17 =	sshll.u32 s0, $0xA;
	s2 =	sadd.s32 s3, s2  }
0x8d: {  	s2 =	sadd.s32 s2, s17  }
0x8e: {  	[smem:$0x3FC2] =	sst s2  }
0x8f: {  	_ = 	snop  }
0x90: {  	s2 =	sld [smem:$0x3FD0];
	(tm) =	ssettm $0x1  }
0x91: {  	s18 =	sld [smem:$0x3FFB];
	_ =	sdelay $0x3  }
0x92: {  	_ =	strace s18  }
0x93: {  	s3 =	sld [smem:$0x3FFC];
	_ =	sdelay $0x3  }
0x94: {  	_ =	strace s3  }
0x95: {  	s3 =	sld [smem:$0x3FFD];
	_ =	sdelay $0x3  }
0x96: {  	_ =	strace s3  }
0x97: {  	_ =	strace $0x8FFFFFFF  }
0x98: {  	s19 =	sld [smem:$0x3FDB];
	_ =	sdelay $0x1  }
0x99: {  	s4 =	simm.s32 $_scs_section_size  }
0x9a: {  	s5 =	simm.s32 $_size__tile_overlayer_lowered;
	s6 =	simm.s32 $_tile_overlayer_lowered  }
0x9b: {  	s22 =	simm.s32 $0x1BFF;
	s21 =	sshll.u32 s6, $0x1;
	s3 =	sadd.s32 s4, s19  }
0x9c: {  	s7 =	simm.s32 $0x0;
	s20 =	sshll.u32 s5, $0x1;
	s5 =	sadd.s32 s21, s3  }
0x9d: {  	[timem:s7], [sflag:s22] =	dma.local [hbm:s5], s20  }
0x9e: {  	_ =	swait.ge [sflag:s22], s20  }
0x9f: {  	s4 =	ssub.s32 $0x0, s20;
	[sflag:s22] =	ssyncset.done $0x0  }
0xa0: {  	[sflag:s22] =	ssyncadd.s32 s4;
	_ =	sdelay $0x1  }
0xa1: {  	s23 =	simm.s32 $0x1B8B  }
0xa2: {  	_ =	swait.ge [sflag:s23], $0x1  }
0xa3: {  	[sflag:s23] =	ssyncset.done $0x0  }
0xa4: {  	s25 =	simm.s32 $0x1B8E;
	s24 =	sld [smem:$0x3FFE];
	[sflag:s23] =	ssyncadd.s32 $0xFFFFFFFF  }
0xa5: {  	s26 =	simm.s32 $execute0_lowered;
	[smem:$0x3FD2] =	sst s25  }
0xa6: {  	s5 =	sshll.u32 s26, $0x1;
	_ =	strace $0x8000004C;
	[dreg:$0x1] =	wrdreg $0xFFFFFFFF  }
0xa7: {  	s28 =	simm.s32 $_size_execute0_lowered;
	s3 =	sadd.s32 s3, s5;
	[dreg:$0x0] =	wrdreg $0x0  }
0xa8: {  	s5 =	sshll.u32 s28, $0x1;
	[dreg:$0x2] =	wrdreg s3  }
0xa9: {  	[dreg:$0x3] =	wrdreg s5  }
0xaa: {  	[dreg:$0x4] =	wrdreg $0xC0  }
0xab: {  	_ =	task [dreg:s7], $0x5FFFF  }
0xac: {  	[dreg:$0x1] =	wrdreg $0xFFFFFFFF  }
0xad: {  	[dreg:$0x0] =	wrdreg $0x60  }
0xae: {  	[dreg:$0x2] =	wrdreg s24  }
0xaf: {  	[dreg:$0x3] =	wrdreg s2  }
0xb0: {  	[dreg:$0x4] =	wrdreg $0x11F000  }
0xb1: {  	[dreg:$0x5] =	wrdreg $0xD0000  }
0xb2: {  	[dreg:$0x6] =	wrdreg $0x9  }
0xb3: {  	_ =	task.clear_ibuf [dreg:s7], $0x7FFFF;
	_ =	strace $0x9000004C  }
0xb4: {  	s29 =	simm.s32 $0x9;
	_ =	strace $0x8000004E  }
0xb5: {  	_ =	swait.ge [sflag:s29], $0x1  }
0xb6: {  	[sflag:s29] =	ssyncadd.s32 $0xFFFFFFFF  }
0xb7: {  	_ =	strace $0x9000004E  }
0xb8: {  	_ =	sfence  }
0xb9: {  	s30 =	sld [smem:$0x0];
	_ =	sdelay $0x2  }
0xba: {  	s31 =	sshll.u32 s1, $0xD;
	s1 =	sshrl.u32 s1, $0x2  }
0xbb: {  	s3 =	sand.u32 $0x4000, s31;
	s1 =	sadd.s32 s1, s30  }
0xbc: {  	s0 =	sor.u32 s3, s0;
	s1 =	sshll.u32 s1, $0x11  }
0xbd: {  	s0 =	sor.u32 s1, s0  }
0xbe: {  	s0 =	sadd.s32 $0x8F2B, s0  }
0xbf: {  	[sflag:s0] =	ssyncadd.remote.s32 $0x1  }
0xc0: {  	_ =	sfence.sel $0xFFFF  }
0xc1: {  	[dreg:$0x0] =	wrdreg $0xFFFFFFFF;
	(pc) =	sbr.abs _section_cstart, $3  }
0xc2: {  	[dreg:$0x1] =	wrdreg $0xFFFFFFFF  }
0xc3: {  	_ =	task.clear_ibuf [dreg:s7], $0x2FFFF;
	_ =	strace $0x9FFFFFFF  }
0xc4: {  	(tm) =	ssettm $0x7FFFFFFF  }
0xc5: {  	_ =	shalt  }
tec
execute0_lowered:
.L_overlay_start_1:
0x0: {  	(tag) =	ssettag $0x1  }
0x1: {  	s1 =	rddreg [dreg:$0x0]  }
0x2: {  	s0 =	srdreg.scid;
	s8 =	rddreg [dreg:$0x1]  }
0x3: {  	s12 =	stileid.u32;
	s2 =	rddreg [dreg:$0x2];
	s15 =	simm.s32 $0x80  }
0x4: {  	s21 =	simm.s32 $0x8000;
	s22 =	simm.s32 $0x9;
	s23 =	simm.s32 $0xA  }
0x5: {  	s28 =	simm.s32 $0xE;
	s29 =	simm.s32 $0xF;
	s30 =	simm.s32 $0x10  }
0x6: {  	s31 =	simm.s32 $0x0;
	s0 =	sand.u32 $0x1, s0;
	s9 =	smul.u32 $0x4F00, s12  }
0x7: {  	s26 =	sshll.u32 s12, $0x6;
	s3 =	sshll.u32 s0, $0x4;
	s24 =	ssub.s32 $0x2, s0  }
0x8: {  	s0 =	smul.u32 $0x4F000, s0;
	s4 =	sor.u32 s12, s3;
	s3 =	rddreg [dreg:$0x3]  }
0x9: {  	s7 =	sshrl.u32 s9, $0x3;
	s10 =	sshrl.u32 s24, $0x1;
	s11 =	sadd.s32 s9, s2  }
0xa: {  	s12 =	sor.u32 $0x1C11, s26;
	s26 =	simm.s32 $0xD;
	s5 =	smul.u32 $0x2710, s4  }
0xb: {  	s4 =	simm.s32 $0x0;
	s10 =	ssub.s32 s24, s10;
	s0 =	sadd.s32 s9, s0  }
0xc: {  	s25 =	sadd.s32 s9, s3;
	s13 =	sshrl.u32 s11, $0x3;
	s24 =	simm.s32 $0xB  }
.Ltmp0:
0xd: {  	[smem:$0x7FF] =	sst s4;
	s0 =	sshrl.u32 s0, $0x3;
	(pc) =	sbr.rel .LBB2_1-.Ltmp0, $4  }
0xe: {  	v6 =	vlaneseq.u32;
	s9 =	smax.u32 s10, $0x1;
	s10 =	simm.s32 $0x11;
	s14 =	sshrl.u32 s25, $0x3  }
0xf: {  	v0 =	vor.u32 $0x2710, v6;
	s25 =	simm.s32 $0xC;
	s5 =	sshrl.u32 s5, $0x3;
	_ =	strace $0x8000004D  }
0x10: {  	v1 =	vor.u32 $0x2720, v6;
	v2 =	vor.u32 $0x2730, v6;
	v3 =	vor.u32 $0x2740, v6;
	s8 =	sadd.s32 s8, s0;
	s6 =	sadd.s32 s5, s1;
	s1 =	sadd.s32 s7, s1  }
0x11: {  	v4 =	vor.u32 $0x2750, v6;
	v5 =	vor.u32 $0x2760, v6;
	v6 =	vor.u32 $0x2770, v6;
	s5 =	sadd.s32 $0x2000, s6;
	s6 =	sadd.s32 $0xBC40, s6;
	s7 =	sadd.s32 $0x15A00, s1  }
.LBB2_7:
0x12: {  	_ =	swait.ge [sflag:s22], $0x1000  }
0x13: {  	[sflag:s22] =	ssyncset.done $0x0  }
0x14: {  	[sflag:s22] =	ssyncadd.s32 $0xFFFFF000  }
0x15: {  	_ =	swait.ge [sflag:s23], $0x1000  }
0x16: {  	[sflag:s23] =	ssyncset.done $0x0  }
0x17: {  	[sflag:s23] =	ssyncadd.s32 $0xFFFFF000  }
0x18: {  	_ =	swait.ge [sflag:s24], $0x1000  }
0x19: {  	[sflag:s24] =	ssyncset.done $0x0  }
0x1a: {  	[sflag:s24] =	ssyncadd.s32 $0xFFFFF000  }
0x1b: {  	_ =	swait.ge [sflag:s25], $0x1000  }
0x1c: {  	[sflag:s25] =	ssyncset.done $0x0  }
0x1d: {  	[sflag:s25] =	ssyncadd.s32 $0xFFFFF000  }
0x1e: {  	_ =	swait.ge [sflag:s26], $0x1000  }
0x1f: {  	[sflag:s26] =	ssyncset.done $0x0  }
0x20: {  	[sflag:s26] =	ssyncadd.s32 $0xFFFFF000  }
0x21: {  	_ =	swait.ge [sflag:s28], $0x1000  }
0x22: {  	[sflag:s28] =	ssyncset.done $0x0  }
0x23: {  	[sflag:s28] =	ssyncadd.s32 $0xFFFFF000  }
0x24: {  	_ =	swait.ge [sflag:s29], $0x1000  }
0x25: {  	[sflag:s29] =	ssyncset.done $0x0  }
0x26: {  	[sflag:s29] =	ssyncadd.s32 $0xFFFFF000  }
0x27: {  	_ =	swait.ge [sflag:s30], $0x1000  }
0x28: {  	s31 =	sadd.s32 $0x1, s31;
	[sflag:s30] =	ssyncset.done $0x0  }
0x29: {  	p0 =	sne.s32 s31, s9;
	[sflag:s30] =	ssyncadd.s32 $0xFFFFF000  }
.Ltmp1:
0x2a: {  	[bflag:$0x0] =	sbarrier.arrive $0xFFFF;
	(pc) =	sbr.rel @!p0 .LBB2_8-.Ltmp1, $4  }
0x2b: {  	[hbm:s8], [sflag:s12] =	dma.local [spmem:s14], $0x9E0  }
0x2c: {  	_ =	swait.ge [sflag:s10], $0x9E0  }
0x2d: {  	[sflag:s10] =	ssyncset.done $0x0  }
0x2e: {  	[sflag:s10] =	ssyncadd.s32 $0xFFFFF620  }
.LBB2_1:
0x2f: {  	[tilespmem:s4], [sflag:$0x11] =	stream.linear.gather [hbm4b:s5+s4], $0x2710, $0x38;
	[tilespmem:$0x16E00] =	vst v63  }
0x30: {  	_ =	swait.ge [sflag:s10], $0x2710  }
0x31: {  	[sflag:s10] =	ssyncset.done $0x0  }
0x32: {  	[sflag:s10] =	ssyncadd.s32 $0xFFFFD8F0  }
0x33: {  	[tilespmem:$0x2710] =	vst v0  }
0x34: {  	[tilespmem:$0x2720] =	vst v1  }
0x35: {  	[tilespmem:$0x2730] =	vst v2  }
0x36: {  	[tilespmem:$0x2740] =	vst v3  }
0x37: {  	[tilespmem:$0x2750] =	vst v4  }
0x38: {  	[tilespmem:$0x2760] =	vst v5  }
0x39: {  	[tilespmem:$0x2770] =	vst v6  }
0x3a: {  	[tilespmem:$0x2780] =	vst v0  }
0x3b: {  	[tilespmem:$0x2790] =	vst v1  }
0x3c: {  	[tilespmem:$0x27A0] =	vst v2  }
0x3d: {  	[tilespmem:$0x27B0] =	vst v3  }
0x3e: {  	[tilespmem:$0x27C0] =	vst v4  }
0x3f: {  	[tilespmem:$0x27D0] =	vst v5  }
0x40: {  	[tilespmem:$0x27E0] =	vst v6  }
0x41: {  	s0 =	simm.s32 $0x2800;
	[tilespmem:$0x27F0] =	vst v0  }
0x42: {  	[tilespmem:s0], [sflag:$0x11] =	stream.linear.gather [hbm4b:s6+s4], $0x2710, $0x38;
	[tilespmem:$0x16E00] =	vst v63  }
0x43: {  	_ =	swait.ge [sflag:s10], $0x2710  }
0x44: {  	[sflag:s10] =	ssyncset.done $0x0  }
0x45: {  	[sflag:s10] =	ssyncadd.s32 $0xFFFFD8F0  }
0x46: {  	[tilespmem:$0x4F10] =	vst v0  }
0x47: {  	[tilespmem:$0x4F20] =	vst v1  }
0x48: {  	[tilespmem:$0x4F30] =	vst v2  }
0x49: {  	[tilespmem:$0x4F40] =	vst v3  }
0x4a: {  	[tilespmem:$0x4F50] =	vst v4  }
0x4b: {  	[tilespmem:$0x4F60] =	vst v5  }
0x4c: {  	[tilespmem:$0x4F70] =	vst v6  }
0x4d: {  	[tilespmem:$0x4F80] =	vst v0  }
0x4e: {  	[tilespmem:$0x4F90] =	vst v1  }
0x4f: {  	[tilespmem:$0x4FA0] =	vst v2  }
0x50: {  	[tilespmem:$0x4FB0] =	vst v3  }
0x51: {  	[tilespmem:$0x4FC0] =	vst v4  }
0x52: {  	[tilespmem:$0x4FD0] =	vst v5  }
0x53: {  	[tilespmem:$0x4FE0] =	vst v6  }
0x54: {  	[tilespmem:$0x4FF0] =	vst v0  }
0x55: {  	[spmem:s13], [sflag:s12] =	dma.local [hbm:s7], $0x9E0  }
0x56: {  	_ =	swait.ge [sflag:s10], $0x9E0  }
0x57: {  	[sflag:s10] =	ssyncset.done $0x0  }
0x58: {  	[sflag:s10] =	ssyncadd.s32 $0xFFFFF620  }
0x59: {  	[spmem:s14], [sflag:s12] =	dma.local [hbm:s7], $0x9E0  }
0x5a: {  	_ =	swait.ge [sflag:s10], $0x9E0  }
0x5b: {  	[sflag:s10] =	ssyncset.done $0x0  }
0x5c: {  	[sflag:s10] =	ssyncadd.s32 $0xFFFFF620  }
0x5d: {  	s17 =	simm.s32 $0x5000;
	[bflag:$0x0] =	sbarrier.arrive $0xFFFF  }
0x5e: {  	[tilespmem:s17], [sflag:$0x1] =	stream.indirect.gather [spmem:s2], $0x20, s4, s15, $0xb8;
	[tilespmem:$0x16E00] =	vst v63  }
0x5f: {  	s18 =	simm.s32 $0x6000  }
0x60: {  	[tilespmem:s18], [sflag:$0x2] =	stream.indirect.gather [spmem:s2], $0x20, s15, s15, $0xb8;
	[tilespmem:$0x16E00] =	vst v63  }
.Ltmp2:
0x61: {  	_ = 	snop;
	(pc) =	sbr.rel .LBB2_2-.Ltmp2, $4  }
0x62: {  	s19 =	simm.s32 $0x100;
	s1 =	simm.s32 $0x7000  }
0x63: {  	[tilespmem:s1], [sflag:$0x3] =	stream.indirect.gather [spmem:s2], $0x20, s19, s15, $0xb8;
	[tilespmem:$0x16E00] =	vst v63  }
0x64: {  	s20 =	simm.s32 $0x180;
	s0 =	simm.s32 $0x0;
	s1 =	simm.s32 $0x0  }
0x65: {  	[tilespmem:s21], [sflag:$0x4] =	stream.indirect.gather [spmem:s2], $0x20, s20, s15, $0xb8;
	[tilespmem:$0x16E00] =	vst v63  }
.LBB2_5:
0x66: {  	s18 =	sshll.u32 s17, $0xC  }
0x67: {  	s19 =	sadd.s32 $0x200, s16;
	s20 =	sadd.s32 $0x1, s17;
	s18 =	sadd.s32 $0x5000, s18  }
0x68: {  	[tilespmem:s18], [sflag:s20] =	stream.indirect.gather [spmem:s2], $0x20, s19, s15, $0xb8;
	[tilespmem:$0x16E00] =	vst v63  }
0x69: {  	s18 =	ssub.s32 $0x5, s11  }
0x6a: {  	s17 =	sshll.u32 s18, $0xC  }
0x6b: {  	s19 =	sadd.s32 $0x280, s16;
	s20 =	ssub.s32 $0x6, s11;
	s17 =	sadd.s32 $0x5000, s17  }
0x6c: {  	[tilespmem:s17], [sflag:s20] =	stream.indirect.gather [spmem:s2], $0x20, s19, s15, $0xb8;
	[tilespmem:$0x16E00] =	vst v63  }
0x6d: {  	s11 =	sxor.u32 $0x7, s11;
	s19 =	sshll.u32 s20, $0xC  }
0x6e: {  	s20 =	sadd.s32 $0x300, s16;
	s16 =	simm.s32 $0x800;
	s17 =	sadd.s32 $0x5000, s19  }
0x6f: {  	[tilespmem:s17], [sflag:s11] =	stream.indirect.gather [spmem:s2], $0x20, s20, s15, $0xb8;
	[tilespmem:$0x16E00] =	vst v63  }
.LBB2_6:
0x70: {  	s1 =	sadd.s32 $0x800, s1  }
0x71: {  	p0 =	sne.s32 s1, $0xA000  }
.Ltmp3:
0x72: {  	_ = 	snop;
	(pc) =	sbr.rel @!p0 .LBB2_7-.Ltmp3, $4  }
0x73: {  	_ = 	snop  }
0x74: {  	s16 =	sshra.s32 s16, $0x2;
	s17 =	sshll.u32 s11, $0xC;
	s20 =	sadd.s32 $0x1, s11  }
0x75: {  	s0 =	sadd.s32 $0x1, s0;
	s17 =	sadd.s32 $0x5000, s17;
	s16 =	sadd.s32 $0x180, s16  }
0x76: {  	[tilespmem:s17], [sflag:s20] =	stream.indirect.gather [spmem:s2], $0x20, s16, s15, $0xb8;
	[tilespmem:$0x16E00] =	vst v63  }
.LBB2_2:
0x77: {  	s16 =	sand.u32 $0x1, s0  }
0x78: {  	s11 =	sshll.u32 s16, $0x2  }
0x79: {  	s17 =	sor.u32 $0x1, s11  }
0x7a: {  	_ =	swait.ge [sflag:s17], $0x1000  }
0x7b: {  	[sflag:s17] =	ssyncset.done $0x0  }
0x7c: {  	s18 =	sor.u32 $0x2, s11;
	[sflag:s17] =	ssyncadd.s32 $0xFFFFF000  }
0x7d: {  	_ =	swait.ge [sflag:s18], $0x1000  }
0x7e: {  	[sflag:s18] =	ssyncset.done $0x0  }
0x7f: {  	s19 =	sshllo.u32 s16, $0x2;
	[sflag:s18] =	ssyncadd.s32 $0xFFFFF000  }
0x80: {  	_ =	swait.ge [sflag:s19], $0x1000  }
0x81: {  	[sflag:s19] =	ssyncset.done $0x0  }
0x82: {  	s20 =	sadd.s32 $0x4, s11;
	[sflag:s19] =	ssyncadd.s32 $0xFFFFF000  }
0x83: {  	s18 =	sshll.u32 s16, $0xE;
	s16 =	sshra.s32 s1, $0x2;
	_ =	swait.ge [sflag:s20], $0x1000  }
0x84: {  	p0 =	seq.s32 s0, $0x0;
	s17 =	sadd.s32 $0x2800, s16;
	[sflag:s20] =	ssyncset.done $0x0  }
0x85: {  	s19 =	sadd.s32 $0x5000, s18;
	[sflag:s20] =	ssyncadd.s32 $0xFFFFF000;
	s20 =	sor.u32 $0x9, s11  }
0x86: {  	[spmem:s3] =	stream.indirect.scatter.add.f32 [tilespmem:s19], [sflag:s20], $0x20, s17, s15, $0xb8;
	[tilespmem:$0x16E00] =	vst v63  }
0x87: {  	s17 =	sadd.s32 $0x6000, s18;
	s19 =	sadd.s32 $0x2880, s16;
	s20 =	sor.u32 $0xA, s11  }
0x88: {  	[spmem:s3] =	stream.indirect.scatter.add.f32 [tilespmem:s17], [sflag:s20], $0x20, s19, s15, $0xb8;
	[tilespmem:$0x16E00] =	vst v63  }
.Ltmp4:
0x89: {  	s17 =	sadd.s32 $0x7000, s18;
	(pc) =	sbr.rel @p0 .LBB2_5-.Ltmp4, $4  }
0x8a: {  	s19 =	sadd.s32 $0x2900, s16;
	s20 =	sor.u32 $0xB, s11;
	s18 =	sor.u32 $0x8000, s18  }
0x8b: {  	[spmem:s3] =	stream.indirect.scatter.add.f32 [tilespmem:s17], [sflag:s20], $0x20, s19, s15, $0xb8;
	[tilespmem:$0x16E00] =	vst v63  }
0x8c: {  	s19 =	sadd.s32 $0x2980, s16;
	s20 =	sadd.s32 $0xC, s11;
	s17 =	sxor.u32 $0x4, s11  }
0x8d: {  	[spmem:s3] =	stream.indirect.scatter.add.f32 [tilespmem:s18], [sflag:s20], $0x20, s19, s15, $0xb8;
	[tilespmem:$0x16E00] =	vst v63  }
0x8e: {  	p0 =	seq.s32 s0, $0x13  }
.Ltmp5:
0x8f: {  	_ = 	snop;
	(pc) =	sbr.rel @p0 .LBB2_7-.Ltmp5, $1  }
0x90: {  	_ =	sdelay $0x3  }
0x91: {  	s18 =	sadd.s32 $0x9, s17  }
0x92: {  	_ =	swait.ge [sflag:s18], $0x1000  }
0x93: {  	s19 =	sshll.u32 s17, $0xC;
	s20 =	sadd.s32 $0x1, s17;
	[sflag:s18] =	ssyncset.done $0x0  }
0x94: {  	[sflag:s18] =	ssyncadd.s32 $0xFFFFF000;
	s18 =	sadd.s32 $0x5000, s19;
	s19 =	sadd.s32 $0x200, s16  }
0x95: {  	[tilespmem:s18], [sflag:s20] =	stream.indirect.gather [spmem:s2], $0x20, s19, s15, $0xb8;
	[tilespmem:$0x16E00] =	vst v63  }
0x96: {  	s19 =	ssub.s32 $0xE, s11  }
0x97: {  	_ =	swait.ge [sflag:s19], $0x1000  }
0x98: {  	s20 =	ssub.s32 $0x5, s11;
	[sflag:s19] =	ssyncset.done $0x0  }
0x99: {  	[sflag:s19] =	ssyncadd.s32 $0xFFFFF000;
	s19 =	sshll.u32 s20, $0xC  }
0x9a: {  	s20 =	sadd.s32 $0x280, s16;
	s17 =	sadd.s32 $0x5000, s19;
	s19 =	ssub.s32 $0x6, s11  }
0x9b: {  	[tilespmem:s17], [sflag:s19] =	stream.indirect.gather [spmem:s2], $0x20, s20, s15, $0xb8;
	[tilespmem:$0x16E00] =	vst v63  }
0x9c: {  	s20 =	sxor.u32 $0xF, s11  }
0x9d: {  	s18 =	sshll.u32 s19, $0xC;
	s19 =	sadd.s32 $0x300, s16;
	_ =	swait.ge [sflag:s20], $0x1000  }
0x9e: {  	s11 =	sxor.u32 $0x7, s11;
	s17 =	sadd.s32 $0x5000, s18;
	[sflag:s20] =	ssyncset.done $0x0  }
.Ltmp6:
0x9f: {  	[sflag:s20] =	ssyncadd.s32 $0xFFFFF000;
	s20 =	sadd.s32 $0x9, s11;
	(pc) =	sbr.rel .LBB2_6-.Ltmp6, $4  }
0xa0: {  	[tilespmem:s17], [sflag:s11] =	stream.indirect.gather [spmem:s2], $0x20, s19, s15, $0xb8;
	[tilespmem:$0x16E00] =	vst v63  }
0xa1: {  	_ =	swait.ge [sflag:s20], $0x1000  }
0xa2: {  	[sflag:s20] =	ssyncset.done $0x0  }
0xa3: {  	s16 =	sadd.s32 $0x800, s1;
	[sflag:s20] =	ssyncadd.s32 $0xFFFFF000  }
.LBB2_8:
0xa4: {  	_ =	sfence.sel $0x180000  }
0xa5: {  	[bflag:$0x0] =	sbarrier.arrive $0xFFFF  }
0xa6: {  	_ =	strace $0x9000004D  }
0xa7: {  	s0 =	stileid.u32;
	[bflag:$0x2] =	sbarrier.arrive $0xFFFF  }
0xa8: {  	p0 =	sne.s32 s0, $0x0;
	s0 =	rddreg [dreg:$0x4]  }
0xa9: {  	s0 =	sadd.s32 @!p0 $0x100000, s0  }
0xaa: {  	[sflag:s0] =	ssyncadd.tile.s32 @!p0 $0x1;
	_ =	shalt  }
.Lfunc_end2:
_tile_overlayer_lowered:
.L_overlay_start_2:
0xab: {  	(tag) =	ssettag $0x2  }
0xac: {  	s0 =	rddreg [dreg:$0x0];
	s2 =	stileid.u32  }
0xad: {  	s1 =	rddreg [dreg:$0x1];
	p0 =	sne.s32 s2, $0x0  }
0xae: {  	s3 =	rddreg [dreg:$0x2];
	[bflag:$0x3] =	sbarrier.arrive $0xFFFF;
	s2 =	simm.s32 @!p0 $0x1C11  }
0xaf: {  	[timem:s3], [sflag:s2] =	dma.local @!p0 [hbm:s0], s1  }
0xb0: {  	s0 =	simm.s32 @!p0 $0x11  }
0xb1: {  	_ =	swait.ge @!p0 [sflag:s0], s1  }
0xb2: {  	s1 =	ssub.s32 @!p0 $0x0, s1;
	[sflag:s0] =	ssyncset.done @!p0 $0x0  }
0xb3: {  	[sflag:s0] =	ssyncadd.s32 @!p0 s1  }
0xb4: {  	[bflag:$0x3] =	sbarrier.arrive $0xFFFF  }
0xb5: {  	_ =	shalt  }

// kernel: kernel.9.cloned.1.call-start
scs
__scs_entry_jumppad:
0x0: {  	(pc) =	sbr.rel $0x88, $3  }
0x1: {  	(tag) =	ssettag $0x0;
	lr =	simm.s32 $0x1  }
0x2: {  	[smem:$0x3F9B] =	sst lr;
	_ =	strace $0xD0000000  }
0x3: {  	_ = 	snop  }
0x4: {  	_ = 	snop  }
0x5: {  	_ = 	snop  }
0x6: {  	_ = 	snop  }
0x7: {  	_ = 	snop  }
__scs_overlays_trampoline_lowered:
0x8: {  	[smem:$0x3FAA] =	sst s0  }
0x9: {  	[smem:$0x3FAB] =	sst s1  }
0xa: {  	[smem:$0x3FAC] =	sst s2  }
0xb: {  	[smem:$0x3FAD] =	sst s3  }
0xc: {  	[smem:$0x3FAE] =	sst s4  }
0xd: {  	[smem:$0x3FAF] =	sst s5  }
0xe: {  	[smem:$0x3FB0] =	sst s6  }
0xf: {  	[smem:$0x3FB1] =	sst s7  }
0x10: {  	[smem:$0x3FB2] =	sst s8  }
0x11: {  	[smem:$0x3FB3] =	sst s9;
	s0 =	simm.s32 @!p0 $0x0  }
0x12: {  	s1 =	sld [smem:$0x3F99];
	s0 =	simm.s32 @p0 $0x1  }
0x13: {  	[smem:$0x3FB4] =	sst s0;
	s0 =	simm.s32 @!p1 $0x0  }
0x14: {  	s2 =	sld [smem:$0x3F98];
	s0 =	simm.s32 @p1 $0x1  }
0x15: {  	[smem:$0x3FB5] =	sst s0;
	s0 =	simm.s32 @!p2 $0x0  }
0x16: {  	s3 =	sld [smem:$0x3FDB];
	s0 =	simm.s32 @p2 $0x1  }
0x17: {  	s4 =	simm.s32 $0x1BF5;
	[smem:$0x3FB7] =	sst s0  }
0x18: {  	s0 =	sld [smem:$0x3F9A];
	_ =	swait.ge [sflag:s4], $0x0  }
0x19: {  	s7 =	sld [smem:$0x3F9B]  }
0x1a: {  	s8 =	sadd.s32 $0xFFFFE003, lr  }
0x1b: {  	s9 =	sadd.s32 $0xFFFFFEF7, lr;
	s5 =	simm.s32 $0xFFFFFFFF;
	p2 =	slt.u32 s8, $0xFFFFF086  }
0x1c: {  	p1 =	slt.u32 s9, $0xF7A;
	s5 =	simm.s32 @!p2 $0x0  }
0x1d: {  	s5 =	simm.s32 @p1 $0x1;
	p0 =	seq.s32 s7, s2  }
0x1e: {  	s7 =	smul.u32 @!p0 $0xF7A, s2;
	p2 =	seq.s32 @!p0 s5, $0x0  }
0x1f: {  	s9 =	smul.u32 $0xF7A, s1;
	s8 =	simm.s32 @!p0 $0x1BF5;
	p2 =	por !p2, p0  }
0x20: {  	[sflag:s8] =	ssyncset.s32 @!p0 $0xFFFFF086;
	s6 =	sadd.s32 @!p0 s3, s7;
	s7 =	simm.s32 @!p0 $0x108  }
0x21: {  	s3 =	sadd.s32 s3, s9;
	s6 =	sadd.s32 @!p0 $0x88, s6;
	s7 =	simm.s32 @p2 $0x1082  }
0x22: {  	[simem:s7], [sflag:s8] =	dma.local @!p0 [hbm:s6], $0xF7A  }
0x23: {  	s9 =	sor.u32 $0xD0000000, s2;
	s6 =	simm.s32 $0x108;
	_ =	swait.ge @!p0 [sflag:s8], $0x0  }
0x24: {  	s3 =	sadd.s32 $0x88, s3;
	s6 =	simm.s32 @!p1 $0x1082;
	[sflag:s4] =	ssyncset.s32 $0xFFFFF086  }
0x25: {  	[simem:s6], [sflag:s4] =	dma.local [hbm:s3], $0xF7A  }
0x26: {  	[smem:$0x3F9B] =	sst s1;
	(tag) =	ssettag s2;
	_ =	strace s9  }
0x27: {  	s1 =	sld [smem:$0x3FAB]  }
0x28: {  	s2 =	sld [smem:$0x3FAC]  }
0x29: {  	s4 =	sld [smem:$0x3FAE]  }
0x2a: {  	p0 =	seq.s32 s5, $0x0;
	s5 =	sld [smem:$0x3FAF]  }
0x2b: {  	s6 =	sld [smem:$0x3FB0]  }
0x2c: {  	s7 =	sld [smem:$0x3FB1]  }
0x2d: {  	s3 =	simm.s32 $0x108;
	s8 =	sld [smem:$0x3FB2]  }
0x2e: {  	s3 =	simm.s32 @!p0 $0x1082;
	s9 =	sld [smem:$0x3FB3]  }
0x2f: {  	lr =	sadd.s32 s0, s3;
	s0 =	sld [smem:$0x3FAA]  }
0x30: {  	s3 =	sld [smem:$0x3FAD]  }
0x31: {  	[smem:$0x3FB6] =	sst s10  }
0x32: {  	s10 =	sld [smem:$0x3FB4];
	_ =	sdelay $0x3  }
0x33: {  	p0 =	seq.s32 s10, $0x1;
	s10 =	sld [smem:$0x3FB6];
	_ =	sdelay $0x3  }
0x34: {  	[smem:$0x3FB6] =	sst s10  }
0x35: {  	s10 =	sld [smem:$0x3FB5];
	_ =	sdelay $0x3  }
0x36: {  	p1 =	seq.s32 s10, $0x1;
	s10 =	sld [smem:$0x3FB6];
	_ =	sdelay $0x3  }
0x37: {  	[smem:$0x3FB6] =	sst s10  }
0x38: {  	s10 =	sld [smem:$0x3FB7]  }
0x39: {  	_ = 	snop;
	(pc) =	sbr.ind lr, $3  }
0x3a: {  	_ = 	snop  }
0x3b: {  	_ = 	snop  }
0x3c: {  	p2 =	seq.s32 s10, $0x1;
	s10 =	sld [smem:$0x3FB6]  }
0x3d: {  	_ =	shalt  }
0x3e: {  	_ =	shalt  }
0x3f: {  	_ =	shalt  }
0x40: {  	_ =	shalt  }
0x41: {  	_ =	shalt  }
0x42: {  	_ =	shalt  }
0x43: {  	_ =	shalt  }
0x44: {  	_ =	shalt  }
0x45: {  	_ =	shalt  }
0x46: {  	_ =	shalt  }
0x47: {  	_ =	shalt  }
0x48: {  	_ =	shalt  }
0x49: {  	_ =	shalt  }
0x4a: {  	_ =	shalt  }
0x4b: {  	_ =	shalt  }
0x4c: {  	_ =	shalt  }
0x4d: {  	_ =	shalt  }
0x4e: {  	_ =	shalt  }
0x4f: {  	_ =	shalt  }
0x50: {  	_ =	shalt  }
0x51: {  	_ =	shalt  }
0x52: {  	_ =	shalt  }
0x53: {  	_ =	shalt  }
0x54: {  	_ =	shalt  }
0x55: {  	_ =	shalt  }
0x56: {  	_ =	shalt  }
0x57: {  	_ =	shalt  }
0x58: {  	_ =	shalt  }
0x59: {  	_ =	shalt  }
0x5a: {  	_ =	shalt  }
0x5b: {  	_ =	shalt  }
0x5c: {  	_ =	shalt  }
0x5d: {  	_ =	shalt  }
0x5e: {  	_ =	shalt  }
0x5f: {  	_ =	shalt  }
0x60: {  	_ =	shalt  }
0x61: {  	_ =	shalt  }
0x62: {  	_ =	shalt  }
0x63: {  	_ =	shalt  }
0x64: {  	_ =	shalt  }
0x65: {  	_ =	shalt  }
0x66: {  	_ =	shalt  }
0x67: {  	_ =	shalt  }
0x68: {  	_ =	shalt  }
0x69: {  	_ =	shalt  }
0x6a: {  	_ =	shalt  }
0x6b: {  	_ =	shalt  }
0x6c: {  	_ =	shalt  }
0x6d: {  	_ =	shalt  }
0x6e: {  	_ =	shalt  }
0x6f: {  	_ =	shalt  }
0x70: {  	_ =	shalt  }
0x71: {  	_ =	shalt  }
0x72: {  	_ =	shalt  }
0x73: {  	_ =	shalt  }
0x74: {  	_ =	shalt  }
0x75: {  	_ =	shalt  }
0x76: {  	_ =	shalt  }
0x77: {  	_ =	shalt  }
0x78: {  	_ =	shalt  }
0x79: {  	_ =	shalt  }
0x7a: {  	_ =	shalt  }
0x7b: {  	_ =	shalt  }
0x7c: {  	_ =	shalt  }
0x7d: {  	_ =	shalt  }
0x7e: {  	_ =	shalt  }
0x7f: {  	_ =	shalt  }
0x80: {  	_ =	shalt  }
0x81: {  	_ =	shalt  }
0x82: {  	_ =	shalt  }
0x83: {  	_ =	shalt  }
0x84: {  	_ =	shalt  }
0x85: {  	_ =	shalt  }
0x86: {  	_ =	shalt  }
0x87: {  	_ =	shalt  }
.Lfunc_end0:
.L_simem_size_0:
called_computation_lowered:
.L_overlay_start_0:
0x88: {  	s2 =	sld [smem:$0x3FD9]  }
0x89: {  	s3 =	sld [smem:$0x3FFE];
	_ =	sdelay $0x1  }
0x8a: {  	s1 =	srdreg.scid  }
0x8b: {  	s0 =	sand.u32 $0x1, s1  }
0x8c: {  	s17 =	sshll.u32 s0, $0xA;
	s2 =	sadd.s32 s3, s2  }
0x8d: {  	s2 =	sadd.s32 s2, s17  }
0x8e: {  	[smem:$0x3FC2] =	sst s2  }
0x8f: {  	_ = 	snop  }
0x90: {  	s2 =	sld [smem:$0x3FD0];
	(tm) =	ssettm $0x1  }
0x91: {  	s18 =	sld [smem:$0x3FFB];
	_ =	sdelay $0x3  }
0x92: {  	_ =	strace s18  }
0x93: {  	s3 =	sld [smem:$0x3FFC];
	_ =	sdelay $0x3  }
0x94: {  	_ =	strace s3  }
0x95: {  	s3 =	sld [smem:$0x3FFD];
	_ =	sdelay $0x3  }
0x96: {  	_ =	strace s3  }
0x97: {  	_ =	strace $0x8FFFFFFF  }
0x98: {  	s19 =	sld [smem:$0x3FDB];
	_ =	sdelay $0x1  }
0x99: {  	s4 =	simm.s32 $_scs_section_size  }
0x9a: {  	s5 =	simm.s32 $_size__tile_overlayer_lowered;
	s6 =	simm.s32 $_tile_overlayer_lowered  }
0x9b: {  	s22 =	simm.s32 $0x1BFF;
	s21 =	sshll.u32 s6, $0x1;
	s3 =	sadd.s32 s4, s19  }
0x9c: {  	s7 =	simm.s32 $0x0;
	s20 =	sshll.u32 s5, $0x1;
	s5 =	sadd.s32 s21, s3  }
0x9d: {  	[timem:s7], [sflag:s22] =	dma.local [hbm:s5], s20  }
0x9e: {  	_ =	swait.ge [sflag:s22], s20  }
0x9f: {  	s4 =	ssub.s32 $0x0, s20;
	[sflag:s22] =	ssyncset.done $0x0  }
0xa0: {  	[sflag:s22] =	ssyncadd.s32 s4;
	_ =	sdelay $0x1  }
0xa1: {  	s23 =	simm.s32 $0x1B8B  }
0xa2: {  	_ =	swait.ge [sflag:s23], $0x1  }
0xa3: {  	[sflag:s23] =	ssyncset.done $0x0  }
0xa4: {  	s25 =	simm.s32 $0x1B8E;
	s24 =	sld [smem:$0x3FFE];
	[sflag:s23] =	ssyncadd.s32 $0xFFFFFFFF  }
0xa5: {  	s26 =	simm.s32 $execute0_lowered;
	[smem:$0x3FD2] =	sst s25  }
0xa6: {  	s5 =	sshll.u32 s26, $0x1;
	_ =	strace $0x80000046;
	[dreg:$0x1] =	wrdreg $0xFFFFFFFF  }
0xa7: {  	s28 =	simm.s32 $_size_execute0_lowered;
	s3 =	sadd.s32 s3, s5;
	[dreg:$0x0] =	wrdreg $0x0  }
0xa8: {  	s5 =	sshll.u32 s28, $0x1;
	[dreg:$0x2] =	wrdreg s3  }
0xa9: {  	[dreg:$0x3] =	wrdreg s5  }
0xaa: {  	[dreg:$0x4] =	wrdreg $0xC0  }
0xab: {  	_ =	task [dreg:s7], $0x5FFFF  }
0xac: {  	[dreg:$0x1] =	wrdreg $0xFFFFFFFF  }
0xad: {  	[dreg:$0x0] =	wrdreg $0x60  }
0xae: {  	[dreg:$0x2] =	wrdreg s24  }
0xaf: {  	[dreg:$0x3] =	wrdreg s2  }
0xb0: {  	[dreg:$0x4] =	wrdreg $0x30000  }
0xb1: {  	[dreg:$0x5] =	wrdreg $0x9  }
0xb2: {  	_ =	task.clear_ibuf [dreg:s7], $0x6FFFF;
	_ =	strace $0x90000046  }
0xb3: {  	s29 =	simm.s32 $0x9;
	_ =	strace $0x80000048  }
0xb4: {  	_ =	swait.ge [sflag:s29], $0x1  }
0xb5: {  	[sflag:s29] =	ssyncadd.s32 $0xFFFFFFFF  }
0xb6: {  	_ =	strace $0x90000048  }
0xb7: {  	_ =	sfence  }
0xb8: {  	s30 =	sld [smem:$0x0];
	_ =	sdelay $0x2  }
0xb9: {  	s31 =	sshll.u32 s1, $0xD;
	s1 =	sshrl.u32 s1, $0x2  }
0xba: {  	s3 =	sand.u32 $0x4000, s31;
	s1 =	sadd.s32 s1, s30  }
0xbb: {  	s0 =	sor.u32 s3, s0;
	s1 =	sshll.u32 s1, $0x11  }
0xbc: {  	s0 =	sor.u32 s1, s0  }
0xbd: {  	s0 =	sadd.s32 $0x8F2B, s0  }
0xbe: {  	[sflag:s0] =	ssyncadd.remote.s32 $0x1  }
0xbf: {  	_ =	sfence.sel $0xFFFF  }
0xc0: {  	[dreg:$0x0] =	wrdreg $0xFFFFFFFF;
	(pc) =	sbr.abs _section_cstart, $3  }
0xc1: {  	[dreg:$0x1] =	wrdreg $0xFFFFFFFF  }
0xc2: {  	_ =	task.clear_ibuf [dreg:s7], $0x2FFFF;
	_ =	strace $0x9FFFFFFF  }
0xc3: {  	(tm) =	ssettm $0x7FFFFFFF  }
tec
execute0_lowered:
.L_overlay_start_1:
0x0: {  	(tag) =	ssettag $0x1  }
0x1: {  	s7 =	rddreg [dreg:$0x0]  }
0x2: {  	s8 =	rddreg [dreg:$0x1]  }
0x3: {  	s2 =	rddreg [dreg:$0x2]  }
0x4: {  	s0 =	rddreg [dreg:$0x3];
	s1 =	stileid.u32  }
0x5: {  	s4 =	srdreg.scid;
	s3 =	simm.s32 $0x0;
	s14 =	simm.s32 $0x1  }
0x6: {  	s15 =	simm.s32 $0x0;
	s6 =	smul.u32 $0x2780, s1;
	s5 =	sand.u32 $0x1, s4  }
0x7: {  	[smem:$0x7FF] =	sst s3;
	s30 =	sshll.u32 s1, $0x6;
	s4 =	sshll.u32 s5, $0x4  }
0x8: {  	_ =	strace $0x80000047;
	s10 =	ssub.s32 $0x2, s5;
	s13 =	smul.u32 $0x27800, s5  }
0x9: {  	s9 =	sshrl.u32 s6, $0x3;
	s4 =	sor.u32 s1, s4;
	s12 =	sshrl.u32 s10, $0x1  }
0xa: {  	s29 =	sadd.s32 s6, s2;
	s9 =	sadd.s32 s9, s7;
	s11 =	smul.u32 $0x2710, s4  }
0xb: {  	s4 =	sadd.s32 $0x15A00, s7;
	s10 =	ssub.s32 s10, s12;
	s13 =	sadd.s32 s6, s13  }
0xc: {  	v6 =	vlaneseq.u32;
	s6 =	sor.u32 $0x1C02, s30;
	s12 =	simm.s32 $0x2800;
	s5 =	sadd.s32 $0x15C00, s9  }
0xd: {  	v0 =	vor.u32 $0x2710, v6;
	s31 =	sshrl.u32 s13, $0x3;
	s9 =	smax.u32 s10, $0x1;
	s11 =	sshrl.u32 s11, $0x3  }
0xe: {  	v1 =	vor.u32 $0x2720, v6;
	v2 =	vor.u32 $0x2730, v6;
	v3 =	vor.u32 $0x2740, v6;
	s10 =	sshrl.u32 s29, $0x3;
	s13 =	simm.s32 $0x80;
	s7 =	sadd.s32 s7, s11  }
0xf: {  	v4 =	vor.u32 $0x2750, v6;
	v5 =	vor.u32 $0x2760, v6;
	v6 =	vor.u32 $0x2770, v6;
	s8 =	sadd.s32 s8, s31;
	s11 =	simm.s32 $0x2;
	s7 =	sadd.s32 $0xBC40, s7  }
.LBB2_1:
0x10: {  	[spmem:s10], [sflag:s6] =	dma.local [hbm:s5], $0x4F0  }
0x11: {  	_ =	swait.ge [sflag:s11], $0x4F0  }
0x12: {  	[sflag:s11] =	ssyncset.done $0x0  }
0x13: {  	[sflag:s11] =	ssyncadd.s32 $0xFFFFFB10  }
0x14: {  	[tilespmem:s12], [sflag:$0x2] =	stream.linear.gather [hbm4b:s4+s3], $0x800, $0x38;
	[tilespmem:$0x5780] =	vst v63  }
0x15: {  	_ =	swait.ge [sflag:s11], $0x800  }
0x16: {  	[sflag:s11] =	ssyncset.done $0x0  }
0x17: {  	[sflag:s11] =	ssyncadd.s32 $0xFFFFF800  }
0x18: {  	[tilespmem:s3], [sflag:$0x2] =	stream.linear.gather [hbm4b:s7+s3], $0x2710, $0x38;
	[tilespmem:$0x5780] =	vst v63  }
0x19: {  	_ =	swait.ge [sflag:s11], $0x2710  }
0x1a: {  	[sflag:s11] =	ssyncset.done $0x0  }
0x1b: {  	[sflag:s11] =	ssyncadd.s32 $0xFFFFD8F0  }
0x1c: {  	[tilespmem:$0x2710] =	vst v0  }
0x1d: {  	[tilespmem:$0x2720] =	vst v1  }
0x1e: {  	[tilespmem:$0x2730] =	vst v2  }
0x1f: {  	[tilespmem:$0x2740] =	vst v3  }
0x20: {  	[tilespmem:$0x2750] =	vst v4  }
0x21: {  	[tilespmem:$0x2760] =	vst v5  }
0x22: {  	[tilespmem:$0x2770] =	vst v6  }
0x23: {  	[tilespmem:$0x2780] =	vst v0  }
0x24: {  	[tilespmem:$0x2790] =	vst v1  }
0x25: {  	[tilespmem:$0x27A0] =	vst v2  }
0x26: {  	[tilespmem:$0x27B0] =	vst v3  }
0x27: {  	[tilespmem:$0x27C0] =	vst v4  }
0x28: {  	[tilespmem:$0x27D0] =	vst v5  }
0x29: {  	[tilespmem:$0x27E0] =	vst v6  }
0x2a: {  	[tilespmem:$0x27F0] =	vst v0  }
0x2b: {  	s16 =	simm.s32 $0x0;
	[bflag:$0x0] =	sbarrier.arrive $0xFFFF  }
.LBB2_2:
0x2c: {  	p0 =	sne.s32 s16, $0x9E00  }
.Ltmp0:
0x2d: {  	_ = 	snop;
	(pc) =	sbr.rel @p0 .LBB2_2-.Ltmp0, $3  }
0x2e: {  	_ =	sdelay $0x1  }
0x2f: {  	s17 =	sshra.s32 s16, $0x2;
	s16 =	sadd.s32 $0x200, s16  }
0x30: {  	[spmem:s2] =	stream.indirect.scatter.add.f32 [tilespmem:s12], [sflag:$0x1], $0x10, s17, s13, $0xb8;
	[tilespmem:$0x5780] =	vst v63  }
0x31: {  	_ =	swait.ge [sflag:s14], $0x800  }
0x32: {  	s16 =	simm.s32 $0x4F;
	[sflag:s14] =	ssyncset.done $0x0  }
.LBB2_4:
0x33: {  	p0 =	sne.s32 s16, $0x1;
	s16 =	sadd.s32 $0xFFFFFFFF, s16;
	[sflag:s14] =	ssyncadd.s32 $0xFFFFF800  }
.Ltmp1:
0x34: {  	(pc) =	sbr.rel @p0 .LBB2_4-.Ltmp1, $3  }
0x35: {  	_ =	sdelay $0x1  }
0x36: {  	_ =	swait.ge [sflag:s14], $0x800  }
0x37: {  	[sflag:s14] =	ssyncset.done $0x0  }
0x38: {  	s15 =	sadd.s32 $0x1, s15  }
0x39: {  	[sflag:s14] =	ssyncadd.s32 $0xFFFFF800;
	p0 =	sne.s32 s15, s9  }
.Ltmp2:
0x3a: {  	[bflag:$0x0] =	sbarrier.arrive $0xFFFF;
	(pc) =	sbr.rel @p0 .LBB2_1-.Ltmp2, $4  }
0x3b: {  	[hbm:s8], [sflag:s6] =	dma.local [spmem:s10], $0x4F0  }
0x3c: {  	_ =	swait.ge [sflag:s11], $0x4F0  }
0x3d: {  	[sflag:s11] =	ssyncset.done $0x0  }
0x3e: {  	[sflag:s11] =	ssyncadd.s32 $0xFFFFFB10  }
0x3f: {  	_ =	sfence.sel $0x180000  }
0x40: {  	[bflag:$0x0] =	sbarrier.arrive $0xFFFF  }
0x41: {  	p0 =	sne.s32 s1, $0x0;
	_ =	strace $0x90000047  }
0x42: {  	s0 =	sadd.s32 @!p0 $0x100000, s0;
	[bflag:$0x2] =	sbarrier.arrive $0xFFFF  }
0x43: {  	[sflag:s0] =	ssyncadd.tile.s32 @!p0 $0x1;
	_ =	shalt  }
.Lfunc_end2:
_tile_overlayer_lowered:
.L_overlay_start_2:
0x44: {  	(tag) =	ssettag $0x2  }
0x45: {  	s0 =	rddreg [dreg:$0x0];
	s2 =	stileid.u32  }
0x46: {  	s1 =	rddreg [dreg:$0x1];
	p0 =	sne.s32 s2, $0x0  }
0x47: {  	s3 =	rddreg [dreg:$0x2];
	[bflag:$0x3] =	sbarrier.arrive $0xFFFF;
	s2 =	simm.s32 @!p0 $0x1C02  }
0x48: {  	[timem:s3], [sflag:s2] =	dma.local @!p0 [hbm:s0], s1  }
0x49: {  	s0 =	simm.s32 @!p0 $0x2  }
0x4a: {  	_ =	swait.ge @!p0 [sflag:s0], s1  }
0x4b: {  	s1 =	ssub.s32 @!p0 $0x0, s1;
	[sflag:s0] =	ssyncset.done @!p0 $0x0  }
0x4c: {  	[sflag:s0] =	ssyncadd.s32 @!p0 s1  }
0x4d: {  	[bflag:$0x3] =	sbarrier.arrive $0xFFFF  }
0x4e: {  	_ =	shalt  }

</sc_bundles>
